<compile_context>
chip_gen: v7x
topology: tpu7x:2x2x1
jax: 0.10.2.dev20260603
libtpu: 0.0.44.dev20260713+nightly
codegen_flags: <defaults>
</compile_context>

<pallas_src>
import functools

import jax
import jax.numpy as jnp
from jax import lax
from jax.experimental import pallas as pl
from jax.experimental.pallas import tpu as pltpu
from jax.experimental.pallas import tpu_sc as plsc

NLEV = 4
NIMG = 8
N = NIMG * 512 * 512
NW = 32
ROWS_W = 512 // (NW // NIMG)
CHROWS = 64
NCHUNK = ROWS_W // CHROWS
B = 1024
EMAX = 8.0
INVW = B / EMAX
NROW = 8
PACK = 1024.0

_mesh = plsc.VectorSubcoreMesh(core_axis_name="c", subcore_axis_name="s")


@functools.partial(
    pl.kernel,
    mesh=_mesh,
    out_type=jax.ShapeDtypeStruct((NW, NROW, B), jnp.float32),
    scratch_types=[
        pltpu.VMEM((CHROWS, 512), jnp.int32),
        pltpu.VMEM((CHROWS, 512), jnp.float32),
        pltpu.VMEM((CHROWS, 512), jnp.float32),
        pltpu.VMEM((NROW * B,), jnp.float32),
        pltpu.SemaphoreType.DMA,
        pltpu.SemaphoreType.DMA,
    ],
    compiler_params=pltpu.CompilerParams(
        needs_layout_passes=False, use_tc_tiling_on_sc=True
    ),
)
def _sc_hist(lg_hbm, lab_hbm, out_hbm, lbuf, gbuf0, gbuf1, hist, sem0, sem1):
    w = lax.axis_index("s") * 2 + lax.axis_index("c")
    img = lax.div(w, 4)
    row0 = lax.rem(w, 4) * ROWS_W

    zeros = jnp.zeros((16,), jnp.float32)

    @pl.loop(0, NROW * B // 16)
    def _zero(i):
        hist[pl.ds(i * 16, 16)] = zeros

    magic = jnp.float32(2.0**23)

    gbufs = (gbuf0, gbuf1)
    sems = (sem0, sem1)
    units = [(c, lvl) for c in range(NCHUNK) for lvl in range(NLEV)]

    def _start(u, slot):
        c, lvl = units[u]
        r = row0 + c * CHROWS
        return pltpu.async_copy(
            lg_hbm.at[lvl, img, pl.ds(r, CHROWS), :], gbufs[slot], sems[slot]
        )

    handles = [None, None]
    handles[0] = _start(0, 0)
    for u, (c, lvl) in enumerate(units):
        slot = u % 2
        if lvl == 0:
            r = row0 + c * CHROWS
            pltpu.sync_copy(lab_hbm.at[img, pl.ds(r, CHROWS), :], lbuf)
        if u + 1 < len(units):
            handles[1 - slot] = _start(u + 1, 1 - slot)
        handles[slot].wait()
        gbuf = gbufs[slot]

        @plsc.parallel_loop(0, CHROWS * 512 // 16, unroll=8)
        def _body(v, lvl=lvl, gbuf=gbuf):
            rr = lax.shift_right_logical(v, 5)
            cc = lax.shift_left(jnp.bitwise_and(v, 31), 4)
            l = gbuf[rr, pl.ds(cc, 16)]
            y = lbuf[rr, pl.ds(cc, 16)]
            neg = jnp.bitwise_xor(
                plsc.bitcast(l, jnp.int32), lax.shift_left(y, 31)
            )
            e = 1.0 + plsc.bitcast(neg, jnp.float32)
            ec = jnp.minimum(e, jnp.float32(EMAX - 0.01))
            tb = plsc.bitcast(ec * INVW + magic, jnp.int32)
            bin_ = jnp.bitwise_and(tb, B - 1)
            idx = jnp.bitwise_or(
                jnp.bitwise_or(bin_, lax.shift_left(y, 12)), lvl * B
            )
            m = e > 0.0
            plsc.addupdate_scatter(hist, [idx], e + PACK, mask=m)

    for r in range(NROW):
        pltpu.sync_copy(hist.at[pl.ds(r * B, B)], out_hbm.at[w, r])


_BROWS = 256
_GRID_BCE = NIMG * (512 // _BROWS)


def _tc_bce_body(lg_ref, lab_ref, out_ref, acc):
    k = pl.program_id(0)

    @pl.when(k == 0)
    def _init():
        for i in range(NLEV + 1):
            acc[i] = 0.0

    y = lab_ref[0].astype(jnp.float32)
    acc[NLEV] += jnp.sum(y)
    for i in range(NLEV):
        l = lg_ref[i, 0]
        t = jnp.maximum(l, 0.0) - l * y + jnp.log1p(jnp.exp(-jnp.abs(l)))
        acc[i] += jnp.sum(t)

    @pl.when(k == _GRID_BCE - 1)
    def _emit():
        for i in range(NLEV + 1):
            out_ref[i] = acc[i]


_tc_bce = pl.pallas_call(
    _tc_bce_body,
    grid=(_GRID_BCE,),
    in_specs=[
        pl.BlockSpec(
            (NLEV, 1, _BROWS, 512), lambda k: (0, k // 2, k % 2, 0)
        ),
        pl.BlockSpec((1, _BROWS, 512), lambda k: (k // 2, k % 2, 0)),
    ],
    out_specs=pl.BlockSpec(memory_space=pltpu.SMEM),
    out_shape=jax.ShapeDtypeStruct((NLEV + 1,), jnp.float32),
    scratch_shapes=[pltpu.SMEM((NLEV + 1,), jnp.float32)],
    compiler_params=pltpu.CompilerParams(
        dimension_semantics=("arbitrary",),
    ),
)


def _tc_combine_body(hist_ref, bce_ref, out_ref):
    hp = hist_ref[...]
    c_all = jnp.floor(hp * (1.0 / PACK))
    cnt = jnp.sum(c_all, axis=0)
    ssum = jnp.sum(hp - PACK * c_all, axis=0)
    r = lax.broadcasted_iota(jnp.int32, (B, B), 0)
    c2 = lax.broadcasted_iota(jnp.int32, (B, B), 1)
    tri = (r > c2).astype(jnp.float32)
    s = jnp.dot(cnt, tri, preferred_element_type=jnp.float32)
    cn, cp = cnt[0:4], cnt[4:8]
    sn, sp = ssum[0:4], ssum[4:8]
    n_eff = s[0:4] + 0.5 * cn
    p_eff = s[4:8] + 0.5 * cp
    pf = bce_ref[NLEV]
    p2 = N - pf
    den1 = pf + n_eff
    dot1 = jnp.sum(sp / den1 + sn * (pf - p_eff) / (den1 * (den1 + 1.0)))
    den2 = p2 + p_eff
    dot2 = jnp.sum(sn / den2 + sp * (p2 - n_eff) / (den2 * (den2 + 1.0)))
    lov_total = 0.5 * (dot1 + dot2)
    bce_total = bce_ref[0] + bce_ref[1] + bce_ref[2] + bce_ref[3]
    out_ref[0, 0] = 0.1 * (bce_total / N + lov_total)


_tc_combine = pl.pallas_call(
    _tc_combine_body,
    in_specs=[
        pl.BlockSpec((NW, NROW, B), lambda: (0, 0, 0)),
        pl.BlockSpec(memory_space=pltpu.SMEM),
    ],
    out_specs=pl.BlockSpec(memory_space=pltpu.SMEM),
    out_shape=jax.ShapeDtypeStruct((1, 1), jnp.float32),
)


def kernel(logits_deep, label):
    hist = _sc_hist(logits_deep, label)
    bce = _tc_bce(logits_deep, label)
    out = _tc_combine(hist, bce)
    return out[0, 0]

# --- scband reference (transcript-rebuilt; emitter-appended) ---
"""Pipeline reference for scband-deep-super-vision-loss-52055003627548 (READ-ONLY COPY).

The authoritative reference and input builder live on the scoring server;
editing this copy changes nothing except your own understanding.
"""

import jax, jax.numpy as jnp
import numpy as np

SYMMETRIC = True
LOSS_WEIGHT = 0.1


def setup_inputs(seed: int = 0) -> dict:
    key = jax.random.key(seed)
    k1, k2 = jax.random.split(key)
    logits_deep = jax.random.normal(k1, (4, 8, 512, 512), dtype=jnp.float32)
    label = jax.random.randint(k2, (8, 512, 512), 0, 2).astype(jnp.int32)
    return {"logits_deep": logits_deep, "label": label}


def lovasz_grad(gt_sorted):
    gts = jnp.sum(gt_sorted)
    intersection = gts - jnp.cumsum(gt_sorted, axis=0)
    union = gts + jnp.cumsum(1.0 - gt_sorted, axis=0)
    jaccard = 1.0 - intersection / union
    jaccard = jnp.concatenate([jaccard[:1], jaccard[1:] - jaccard[:-1]], axis=0)
    return jaccard


def lovasz_hinge(logits, labels):
    logits = logits.reshape(-1)
    labels = labels.reshape(-1)
    signs = 2.0 * labels - 1.0
    errors = 1.0 - logits * signs
    perm = jnp.argsort(-errors)  # descending sort of errors
    errors_sorted = jnp.take(errors, perm)
    gt_sorted = jnp.take(labels, perm)
    grad = lovasz_grad(gt_sorted)
    return jnp.dot(jax.nn.relu(errors_sorted), grad)


def bce_with_logits(logits, targets):
    # numerically stable mean-reduced BCE-with-logits, matching torch
    return jnp.mean(jnp.maximum(logits, 0.0) - logits * targets + jnp.log1p(jnp.exp(-jnp.abs(logits))))


def reference(logits_deep, label):
    label_f = label.astype(jnp.float32)
    total = 0.0
    for i in range(logits_deep.shape[0]):
        logit = logits_deep[i]
        bce = bce_with_logits(logit, label_f)
        if SYMMETRIC:
            lov = lovasz_hinge(logit, label_f)
            lov = lov + lovasz_hinge(-logit, 1.0 - label_f)
            lov = lov * 0.5
        else:
            lov = lovasz_hinge(logit, label_f)
        total = total + (bce + lov) * LOSS_WEIGHT
    return total

if __name__ == "__main__":
    import jax
    _d = setup_inputs()
    print(jax.jit(kernel)(*tuple(_d.values())))

</pallas_src>

<mosaic_0001>
#map = affine_map<(d0, d1) -> (0, 0, 0, 0)>
#map1 = affine_map<(d0, d1) -> (0, 0, 0)>
module attributes {stable_mosaic.version = 14 : i64} {
  func.func @_sc_hist(%arg0: i32, %arg1: i32, %arg2: memref<4x8x512x512xf32, #tpu.memory_space<hbm>>, %arg3: memref<8x512x512xi32, #tpu.memory_space<hbm>>, %arg4: memref<32x8x1024xf32, #tpu.memory_space<hbm>>, %arg5: memref<64x512xi32, #tpu.memory_space<vmem>>, %arg6: memref<64x512xf32, #tpu.memory_space<vmem>>, %arg7: memref<64x512xf32, #tpu.memory_space<vmem>>, %arg8: memref<8192xf32, #tpu.memory_space<vmem>>, %arg9: memref<!tpu.dma_semaphore, #tpu.memory_space<semaphore_mem>>, %arg10: memref<!tpu.dma_semaphore, #tpu.memory_space<semaphore_mem>>) attributes {dimension_semantics = [#tpu.dimension_semantics<core_parallel>, #tpu.dimension_semantics<subcore_parallel>], iteration_bounds = array<i64: 2, 16>, scalar_prefetch = 0 : i64, scratch_operands = 6 : i64, tpu.core_type = #tpu.core_type<sc_vector_subcore>, window_params = [{transform_indices = #map}, {transform_indices = #map1}, {transform_indices = #map1}]} {
    %mul3A = arith.constant 2 : i32
    %mul3A_0 = arith.muli %arg1, %mul3A : i32
    %add3A = arith.addi %mul3A_0, %arg0 : i32
    %div3A = arith.constant 4 : i32
    %div3A_1 = arith.divsi %add3A, %div3A : i32
    %rem3A = arith.constant 4 : i32
    %rem3A_2 = arith.remsi %add3A, %rem3A : i32
    %mul3A_3 = arith.constant 128 : i32
    %mul3A_4 = arith.muli %rem3A_2, %mul3A_3 : i32
    %broadcast_in_dim3A = arith.constant 0.000000e+00 : f32
    %broadcast_in_dim3A_5 = vector.broadcast %broadcast_in_dim3A : f32 to vector<16xf32>
    %scan3A = arith.constant 0 : i32
    %scan3A_6 = arith.constant 512 : i32
    %scan3A_7 = arith.addi %scan3A, %scan3A_6 : i32
    %scan3A_8 = arith.constant 1 : i32
    scf.for %scan3A_178 = %scan3A to %scan3A_7 step %scan3A_8  : i32 {
      %mul3A_179 = arith.constant 1 : i32
      %mul3A_180 = arith.muli %scan3A_178, %mul3A_179 : i32
      %add3A_181 = arith.constant 0 : i32
      %add3A_182 = arith.addi %add3A_181, %mul3A_180 : i32
      %mul3A_183 = arith.constant 16 : i32
      %mul3A_184 = arith.muli %add3A_182, %mul3A_183 : i32
      %swap3A = arith.index_cast %mul3A_184 : i32 to index
      %swap3A_185 = tpu.vector_load %arg8[%swap3A] {strides = array<i32>} : memref<8192xf32, #tpu.memory_space<vmem>>, vector<16xf32>,
      tpu.vector_store %arg8[%swap3A], %broadcast_in_dim3A_5 {strides = array<i32>} : memref<8192xf32, #tpu.memory_space<vmem>>, vector<16xf32>,
    }
    %scan3A_9 = arith.constant 512 : i32
    %add3A_10 = arith.constant 0 : i32
    %add3A_11 = arith.addi %mul3A_4, %add3A_10 : i32
    %dma_start3A = arith.constant 0 : i32
    %dma_start3A_12 = arith.constant 0 : i32
    %dma_start3A_13 = tpu.memref_slice %arg2[%dma_start3A, %div3A_1, %add3A_11, %dma_start3A_12] : memref<4x8x512x512xf32, #tpu.memory_space<hbm>> -> memref<1x1x64x512xf32, #tpu.memory_space<hbm>>
    %dma_start3A_14 = tpu.memref_squeeze %dma_start3A_13 : memref<1x1x64x512xf32, #tpu.memory_space<hbm>> -> memref<64x512xf32, #tpu.memory_space<hbm>>
    %dma_start3A_15 = arith.constant 0 : i32
    %dma_start3A_16 = tpu.memref_slice %arg2[%dma_start3A, %div3A_1, %add3A_11, %dma_start3A_15] : memref<4x8x512x512xf32, #tpu.memory_space<hbm>> -> memref<1x1x64x512xf32, #tpu.memory_space<hbm>>
    %dma_start3A_17 = tpu.memref_squeeze %dma_start3A_16 : memref<1x1x64x512xf32, #tpu.memory_space<hbm>> -> memref<64x512xf32, #tpu.memory_space<hbm>>
    tpu.enqueue_dma source(%dma_start3A_17 : memref<64x512xf32, #tpu.memory_space<hbm>>) target(%arg6 : memref<64x512xf32, #tpu.memory_space<vmem>>) target_semaphore(%arg9 : memref<!tpu.dma_semaphore, #tpu.memory_space<semaphore_mem>>)
    %add3A_18 = arith.constant 0 : i32
    %add3A_19 = arith.addi %mul3A_4, %add3A_18 : i32
    "tpu.region"() ({
      %run_scoped3A_178 = tpu.sem_alloc : memref<!tpu.dma_semaphore, #tpu.memory_space<semaphore_mem>>
      %dma_start3A_179 = arith.constant 0 : i32
      %dma_start3A_180 = tpu.memref_slice %arg3[%div3A_1, %add3A_19, %dma_start3A_179] : memref<8x512x512xi32, #tpu.memory_space<hbm>> -> memref<1x64x512xi32, #tpu.memory_space<hbm>>
      %dma_start3A_181 = tpu.memref_squeeze %dma_start3A_180 : memref<1x64x512xi32, #tpu.memory_space<hbm>> -> memref<64x512xi32, #tpu.memory_space<hbm>>
      %dma_start3A_182 = arith.constant 0 : i32
      %dma_start3A_183 = tpu.memref_slice %arg3[%div3A_1, %add3A_19, %dma_start3A_182] : memref<8x512x512xi32, #tpu.memory_space<hbm>> -> memref<1x64x512xi32, #tpu.memory_space<hbm>>
      %dma_start3A_184 = tpu.memref_squeeze %dma_start3A_183 : memref<1x64x512xi32, #tpu.memory_space<hbm>> -> memref<64x512xi32, #tpu.memory_space<hbm>>
      tpu.enqueue_dma source(%dma_start3A_184 : memref<64x512xi32, #tpu.memory_space<hbm>>) target(%arg5 : memref<64x512xi32, #tpu.memory_space<vmem>>) target_semaphore(%run_scoped3A_178 : memref<!tpu.dma_semaphore, #tpu.memory_space<semaphore_mem>>)
      %dma_wait3A_185 = arith.constant 0 : i32
      %dma_wait3A_186 = tpu.memref_slice %arg3[%div3A_1, %add3A_19, %dma_wait3A_185] : memref<8x512x512xi32, #tpu.memory_space<hbm>> -> memref<1x64x512xi32, #tpu.memory_space<hbm>>
      %dma_wait3A_187 = tpu.memref_squeeze %dma_wait3A_186 : memref<1x64x512xi32, #tpu.memory_space<hbm>> -> memref<64x512xi32, #tpu.memory_space<hbm>>
      %dma_wait3A_188 = arith.constant 0 : i32
      %dma_wait3A_189 = tpu.memref_slice %arg3[%div3A_1, %add3A_19, %dma_wait3A_188] : memref<8x512x512xi32, #tpu.memory_space<hbm>> -> memref<1x64x512xi32, #tpu.memory_space<hbm>>
      %dma_wait3A_190 = tpu.memref_squeeze %dma_wait3A_189 : memref<1x64x512xi32, #tpu.memory_space<hbm>> -> memref<64x512xi32, #tpu.memory_space<hbm>>
      tpu.wait_dma2 semaphore(%run_scoped3A_178 : memref<!tpu.dma_semaphore, #tpu.memory_space<semaphore_mem>>) src(%dma_wait3A_190 : memref<64x512xi32, #tpu.memory_space<hbm>>) dst(%arg5 : memref<64x512xi32, #tpu.memory_space<vmem>>)
      tpu.yield
    }) : () -> ()
    %add3A_20 = arith.constant 0 : i32
    %add3A_21 = arith.addi %mul3A_4, %add3A_20 : i32
    %dma_start3A_22 = arith.constant 1 : i32
    %dma_start3A_23 = arith.constant 0 : i32
    %dma_start3A_24 = tpu.memref_slice %arg2[%dma_start3A_22, %div3A_1, %add3A_21, %dma_start3A_23] : memref<4x8x512x512xf32, #tpu.memory_space<hbm>> -> memref<1x1x64x512xf32, #tpu.memory_space<hbm>>
    %dma_start3A_25 = tpu.memref_squeeze %dma_start3A_24 : memref<1x1x64x512xf32, #tpu.memory_space<hbm>> -> memref<64x512xf32, #tpu.memory_space<hbm>>
    %dma_start3A_26 = arith.constant 0 : i32
    %dma_start3A_27 = tpu.memref_slice %arg2[%dma_start3A_22, %div3A_1, %add3A_21, %dma_start3A_26] : memref<4x8x512x512xf32, #tpu.memory_space<hbm>> -> memref<1x1x64x512xf32, #tpu.memory_space<hbm>>
    %dma_start3A_28 = tpu.memref_squeeze %dma_start3A_27 : memref<1x1x64x512xf32, #tpu.memory_space<hbm>> -> memref<64x512xf32, #tpu.memory_space<hbm>>
    tpu.enqueue_dma source(%dma_start3A_28 : memref<64x512xf32, #tpu.memory_space<hbm>>) target(%arg7 : memref<64x512xf32, #tpu.memory_space<vmem>>) target_semaphore(%arg10 : memref<!tpu.dma_semaphore, #tpu.memory_space<semaphore_mem>>)
    %dma_wait3A = arith.constant 0 : i32
    %dma_wait3A_29 = arith.constant 0 : i32
    %dma_wait3A_30 = tpu.memref_slice %arg2[%dma_wait3A, %div3A_1, %add3A_11, %dma_wait3A_29] : memref<4x8x512x512xf32, #tpu.memory_space<hbm>> -> memref<1x1x64x512xf32, #tpu.memory_space<hbm>>
    %dma_wait3A_31 = tpu.memref_squeeze %dma_wait3A_30 : memref<1x1x64x512xf32, #tpu.memory_space<hbm>> -> memref<64x512xf32, #tpu.memory_space<hbm>>
    %dma_wait3A_32 = arith.constant 0 : i32
    %dma_wait3A_33 = tpu.memref_slice %arg2[%dma_wait3A, %div3A_1, %add3A_11, %dma_wait3A_32] : memref<4x8x512x512xf32, #tpu.memory_space<hbm>> -> memref<1x1x64x512xf32, #tpu.memory_space<hbm>>
    %dma_wait3A_34 = tpu.memref_squeeze %dma_wait3A_33 : memref<1x1x64x512xf32, #tpu.memory_space<hbm>> -> memref<64x512xf32, #tpu.memory_space<hbm>>
    tpu.wait_dma2 semaphore(%arg9 : memref<!tpu.dma_semaphore, #tpu.memory_space<semaphore_mem>>) src(%dma_wait3A_34 : memref<64x512xf32, #tpu.memory_space<hbm>>) dst(%arg6 : memref<64x512xf32, #tpu.memory_space<vmem>>)
    %parallel_loop3A = arith.constant 0 : i32
    %parallel_loop3A_35 = arith.constant 2048 : i32
    %parallel_loop3A_36 = arith.constant 1 : i32
    %parallel_loop3A_37 = arith.constant 0x4B000000 : f32
    scf.for %parallel_loop3A_178 = %parallel_loop3A to %parallel_loop3A_35 step %parallel_loop3A_36  : i32 {
      %parallel_loop3A_179 = arith.constant 5 : i32
      %parallel_loop3A_180 = arith.shrui %parallel_loop3A_178, %parallel_loop3A_179 : i32
      %parallel_loop3A_181 = arith.constant 31 : i32
      %parallel_loop3A_182 = arith.andi %parallel_loop3A_178, %parallel_loop3A_181 : i32
      %parallel_loop3A_183 = arith.constant 4 : i32
      %parallel_loop3A_184 = arith.shli %parallel_loop3A_182, %parallel_loop3A_183 : i32
      %parallel_loop3A_185 = arith.index_cast %parallel_loop3A_180 : i32 to index
      %parallel_loop3A_186 = arith.index_cast %parallel_loop3A_184 : i32 to index
      %parallel_loop3A_187 = tpu.vector_load %arg6[%parallel_loop3A_185, %parallel_loop3A_186] {strides = array<i32>} : memref<64x512xf32, #tpu.memory_space<vmem>>, vector<16xf32>,
      %parallel_loop3A_188 = arith.index_cast %parallel_loop3A_180 : i32 to index
      %parallel_loop3A_189 = arith.index_cast %parallel_loop3A_184 : i32 to index
      %parallel_loop3A_190 = tpu.vector_load %arg5[%parallel_loop3A_188, %parallel_loop3A_189] {strides = array<i32>} : memref<64x512xi32, #tpu.memory_space<vmem>>, vector<16xi32>,
      %parallel_loop3A_191 = vector.bitcast %parallel_loop3A_187 : vector<16xf32> to vector<16xi32>
      %parallel_loop3A_192 = arith.constant 31 : i32
      %parallel_loop3A_193 = vector.broadcast %parallel_loop3A_192 : i32 to vector<16xi32>
      %parallel_loop3A_194 = arith.shli %parallel_loop3A_190, %parallel_loop3A_193 : vector<16xi32>
      %parallel_loop3A_195 = arith.xori %parallel_loop3A_191, %parallel_loop3A_194 : vector<16xi32>
      %parallel_loop3A_196 = vector.bitcast %parallel_loop3A_195 : vector<16xi32> to vector<16xf32>
      %parallel_loop3A_197 = arith.constant 1.000000e+00 : f32
      %parallel_loop3A_198 = vector.broadcast %parallel_loop3A_197 : f32 to vector<16xf32>
      %parallel_loop3A_199 = arith.addf %parallel_loop3A_198, %parallel_loop3A_196 : vector<16xf32>
      %parallel_loop3A_200 = arith.constant 7.98999977 : f32
      %parallel_loop3A_201 = vector.broadcast %parallel_loop3A_200 : f32 to vector<16xf32>
      %parallel_loop3A_202 = arith.minimumf %parallel_loop3A_199, %parallel_loop3A_201 : vector<16xf32>
      %parallel_loop3A_203 = arith.constant 1.280000e+02 : f32
      %parallel_loop3A_204 = vector.broadcast %parallel_loop3A_203 : f32 to vector<16xf32>
      %parallel_loop3A_205 = arith.mulf %parallel_loop3A_202, %parallel_loop3A_204 : vector<16xf32>
      %parallel_loop3A_206 = vector.broadcast %parallel_loop3A_37 : f32 to vector<16xf32>
      %parallel_loop3A_207 = arith.addf %parallel_loop3A_205, %parallel_loop3A_206 : vector<16xf32>
      %parallel_loop3A_208 = vector.bitcast %parallel_loop3A_207 : vector<16xf32> to vector<16xi32>
      %parallel_loop3A_209 = arith.constant 1023 : i32
      %parallel_loop3A_210 = vector.broadcast %parallel_loop3A_209 : i32 to vector<16xi32>
      %parallel_loop3A_211 = arith.andi %parallel_loop3A_208, %parallel_loop3A_210 : vector<16xi32>
      %parallel_loop3A_212 = arith.constant 12 : i32
      %parallel_loop3A_213 = vector.broadcast %parallel_loop3A_212 : i32 to vector<16xi32>
      %parallel_loop3A_214 = arith.shli %parallel_loop3A_190, %parallel_loop3A_213 : vector<16xi32>
      %parallel_loop3A_215 = arith.ori %parallel_loop3A_211, %parallel_loop3A_214 : vector<16xi32>
      %parallel_loop3A_216 = arith.constant 0 : i32
      %parallel_loop3A_217 = vector.broadcast %parallel_loop3A_216 : i32 to vector<16xi32>
      %parallel_loop3A_218 = arith.ori %parallel_loop3A_215, %parallel_loop3A_217 : vector<16xi32>
      %parallel_loop3A_219 = arith.constant 0.000000e+00 : f32
      %parallel_loop3A_220 = vector.broadcast %parallel_loop3A_219 : f32 to vector<16xf32>
      %parallel_loop3A_221 = arith.cmpf ogt, %parallel_loop3A_199, %parallel_loop3A_220 : vector<16xf32>
      %parallel_loop3A_222 = arith.constant 1.024000e+03 : f32
      %parallel_loop3A_223 = vector.broadcast %parallel_loop3A_222 : f32 to vector<16xf32>
      %parallel_loop3A_224 = arith.addf %parallel_loop3A_199, %parallel_loop3A_223 : vector<16xf32>
      tpu.vector_store_idx %arg8[%parallel_loop3A_218], %parallel_loop3A_224 masked %parallel_loop3A_221 {add = true} : memref<8192xf32, #tpu.memory_space<vmem>>[vector<16xi32>], vector<16xf32>, vector<16xi1>
    } {sc.loop_unroll_factor = 8 : i64, sc.parallel_access}
    %add3A_38 = arith.constant 0 : i32
    %add3A_39 = arith.addi %mul3A_4, %add3A_38 : i32
    %dma_start3A_40 = arith.constant 2 : i32
    %dma_start3A_41 = arith.constant 0 : i32
    %dma_start3A_42 = tpu.memref_slice %arg2[%dma_start3A_40, %div3A_1, %add3A_39, %dma_start3A_41] : memref<4x8x512x512xf32, #tpu.memory_space<hbm>> -> memref<1x1x64x512xf32, #tpu.memory_space<hbm>>
    %dma_start3A_43 = tpu.memref_squeeze %dma_start3A_42 : memref<1x1x64x512xf32, #tpu.memory_space<hbm>> -> memref<64x512xf32, #tpu.memory_space<hbm>>
    %dma_start3A_44 = arith.constant 0 : i32
    %dma_start3A_45 = tpu.memref_slice %arg2[%dma_start3A_40, %div3A_1, %add3A_39, %dma_start3A_44] : memref<4x8x512x512xf32, #tpu.memory_space<hbm>> -> memref<1x1x64x512xf32, #tpu.memory_space<hbm>>
    %dma_start3A_46 = tpu.memref_squeeze %dma_start3A_45 : memref<1x1x64x512xf32, #tpu.memory_space<hbm>> -> memref<64x512xf32, #tpu.memory_space<hbm>>
    tpu.enqueue_dma source(%dma_start3A_46 : memref<64x512xf32, #tpu.memory_space<hbm>>) target(%arg6 : memref<64x512xf32, #tpu.memory_space<vmem>>) target_semaphore(%arg9 : memref<!tpu.dma_semaphore, #tpu.memory_space<semaphore_mem>>)
    %dma_wait3A_47 = arith.constant 1 : i32
    %dma_wait3A_48 = arith.constant 0 : i32
    %dma_wait3A_49 = tpu.memref_slice %arg2[%dma_wait3A_47, %div3A_1, %add3A_21, %dma_wait3A_48] : memref<4x8x512x512xf32, #tpu.memory_space<hbm>> -> memref<1x1x64x512xf32, #tpu.memory_space<hbm>>
    %dma_wait3A_50 = tpu.memref_squeeze %dma_wait3A_49 : memref<1x1x64x512xf32, #tpu.memory_space<hbm>> -> memref<64x512xf32, #tpu.memory_space<hbm>>
    %dma_wait3A_51 = arith.constant 0 : i32
    %dma_wait3A_52 = tpu.memref_slice %arg2[%dma_wait3A_47, %div3A_1, %add3A_21, %dma_wait3A_51] : memref<4x8x512x512xf32, #tpu.memory_space<hbm>> -> memref<1x1x64x512xf32, #tpu.memory_space<hbm>>
    %dma_wait3A_53 = tpu.memref_squeeze %dma_wait3A_52 : memref<1x1x64x512xf32, #tpu.memory_space<hbm>> -> memref<64x512xf32, #tpu.memory_space<hbm>>
    tpu.wait_dma2 semaphore(%arg10 : memref<!tpu.dma_semaphore, #tpu.memory_space<semaphore_mem>>) src(%dma_wait3A_53 : memref<64x512xf32, #tpu.memory_space<hbm>>) dst(%arg7 : memref<64x512xf32, #tpu.memory_space<vmem>>)
    %parallel_loop3A_54 = arith.constant 0 : i32
    %parallel_loop3A_55 = arith.constant 2048 : i32
    %parallel_loop3A_56 = arith.constant 1 : i32
    %parallel_loop3A_57 = arith.constant 0x4B000000 : f32
    scf.for %parallel_loop3A_178 = %parallel_loop3A_54 to %parallel_loop3A_55 step %parallel_loop3A_56  : i32 {
      %parallel_loop3A_179 = arith.constant 5 : i32
      %parallel_loop3A_180 = arith.shrui %parallel_loop3A_178, %parallel_loop3A_179 : i32
      %parallel_loop3A_181 = arith.constant 31 : i32
      %parallel_loop3A_182 = arith.andi %parallel_loop3A_178, %parallel_loop3A_181 : i32
      %parallel_loop3A_183 = arith.constant 4 : i32
      %parallel_loop3A_184 = arith.shli %parallel_loop3A_182, %parallel_loop3A_183 : i32
      %parallel_loop3A_185 = arith.index_cast %parallel_loop3A_180 : i32 to index
      %parallel_loop3A_186 = arith.index_cast %parallel_loop3A_184 : i32 to index
      %parallel_loop3A_187 = tpu.vector_load %arg7[%parallel_loop3A_185, %parallel_loop3A_186] {strides = array<i32>} : memref<64x512xf32, #tpu.memory_space<vmem>>, vector<16xf32>,
      %parallel_loop3A_188 = arith.index_cast %parallel_loop3A_180 : i32 to index
      %parallel_loop3A_189 = arith.index_cast %parallel_loop3A_184 : i32 to index
      %parallel_loop3A_190 = tpu.vector_load %arg5[%parallel_loop3A_188, %parallel_loop3A_189] {strides = array<i32>} : memref<64x512xi32, #tpu.memory_space<vmem>>, vector<16xi32>,
      %parallel_loop3A_191 = vector.bitcast %parallel_loop3A_187 : vector<16xf32> to vector<16xi32>
      %parallel_loop3A_192 = arith.constant 31 : i32
      %parallel_loop3A_193 = vector.broadcast %parallel_loop3A_192 : i32 to vector<16xi32>
      %parallel_loop3A_194 = arith.shli %parallel_loop3A_190, %parallel_loop3A_193 : vector<16xi32>
      %parallel_loop3A_195 = arith.xori %parallel_loop3A_191, %parallel_loop3A_194 : vector<16xi32>
      %parallel_loop3A_196 = vector.bitcast %parallel_loop3A_195 : vector<16xi32> to vector<16xf32>
      %parallel_loop3A_197 = arith.constant 1.000000e+00 : f32
      %parallel_loop3A_198 = vector.broadcast %parallel_loop3A_197 : f32 to vector<16xf32>
      %parallel_loop3A_199 = arith.addf %parallel_loop3A_198, %parallel_loop3A_196 : vector<16xf32>
      %parallel_loop3A_200 = arith.constant 7.98999977 : f32
      %parallel_loop3A_201 = vector.broadcast %parallel_loop3A_200 : f32 to vector<16xf32>
      %parallel_loop3A_202 = arith.minimumf %parallel_loop3A_199, %parallel_loop3A_201 : vector<16xf32>
      %parallel_loop3A_203 = arith.constant 1.280000e+02 : f32
      %parallel_loop3A_204 = vector.broadcast %parallel_loop3A_203 : f32 to vector<16xf32>
      %parallel_loop3A_205 = arith.mulf %parallel_loop3A_202, %parallel_loop3A_204 : vector<16xf32>
      %parallel_loop3A_206 = vector.broadcast %parallel_loop3A_57 : f32 to vector<16xf32>
      %parallel_loop3A_207 = arith.addf %parallel_loop3A_205, %parallel_loop3A_206 : vector<16xf32>
      %parallel_loop3A_208 = vector.bitcast %parallel_loop3A_207 : vector<16xf32> to vector<16xi32>
      %parallel_loop3A_209 = arith.constant 1023 : i32
      %parallel_loop3A_210 = vector.broadcast %parallel_loop3A_209 : i32 to vector<16xi32>
      %parallel_loop3A_211 = arith.andi %parallel_loop3A_208, %parallel_loop3A_210 : vector<16xi32>
      %parallel_loop3A_212 = arith.constant 12 : i32
      %parallel_loop3A_213 = vector.broadcast %parallel_loop3A_212 : i32 to vector<16xi32>
      %parallel_loop3A_214 = arith.shli %parallel_loop3A_190, %parallel_loop3A_213 : vector<16xi32>
      %parallel_loop3A_215 = arith.ori %parallel_loop3A_211, %parallel_loop3A_214 : vector<16xi32>
      %parallel_loop3A_216 = arith.constant 1024 : i32
      %parallel_loop3A_217 = vector.broadcast %parallel_loop3A_216 : i32 to vector<16xi32>
      %parallel_loop3A_218 = arith.ori %parallel_loop3A_215, %parallel_loop3A_217 : vector<16xi32>
      %parallel_loop3A_219 = arith.constant 0.000000e+00 : f32
      %parallel_loop3A_220 = vector.broadcast %parallel_loop3A_219 : f32 to vector<16xf32>
      %parallel_loop3A_221 = arith.cmpf ogt, %parallel_loop3A_199, %parallel_loop3A_220 : vector<16xf32>
      %parallel_loop3A_222 = arith.constant 1.024000e+03 : f32
      %parallel_loop3A_223 = vector.broadcast %parallel_loop3A_222 : f32 to vector<16xf32>
      %parallel_loop3A_224 = arith.addf %parallel_loop3A_199, %parallel_loop3A_223 : vector<16xf32>
      tpu.vector_store_idx %arg8[%parallel_loop3A_218], %parallel_loop3A_224 masked %parallel_loop3A_221 {add = true} : memref<8192xf32, #tpu.memory_space<vmem>>[vector<16xi32>], vector<16xf32>, vector<16xi1>
    } {sc.loop_unroll_factor = 8 : i64, sc.parallel_access}
    %add3A_58 = arith.constant 0 : i32
    %add3A_59 = arith.addi %mul3A_4, %add3A_58 : i32
    %dma_start3A_60 = arith.constant 3 : i32
    %dma_start3A_61 = arith.constant 0 : i32
    %dma_start3A_62 = tpu.memref_slice %arg2[%dma_start3A_60, %div3A_1, %add3A_59, %dma_start3A_61] : memref<4x8x512x512xf32, #tpu.memory_space<hbm>> -> memref<1x1x64x512xf32, #tpu.memory_space<hbm>>
    %dma_start3A_63 = tpu.memref_squeeze %dma_start3A_62 : memref<1x1x64x512xf32, #tpu.memory_space<hbm>> -> memref<64x512xf32, #tpu.memory_space<hbm>>
    %dma_start3A_64 = arith.constant 0 : i32
    %dma_start3A_65 = tpu.memref_slice %arg2[%dma_start3A_60, %div3A_1, %add3A_59, %dma_start3A_64] : memref<4x8x512x512xf32, #tpu.memory_space<hbm>> -> memref<1x1x64x512xf32, #tpu.memory_space<hbm>>
    %dma_start3A_66 = tpu.memref_squeeze %dma_start3A_65 : memref<1x1x64x512xf32, #tpu.memory_space<hbm>> -> memref<64x512xf32, #tpu.memory_space<hbm>>
    tpu.enqueue_dma source(%dma_start3A_66 : memref<64x512xf32, #tpu.memory_space<hbm>>) target(%arg7 : memref<64x512xf32, #tpu.memory_space<vmem>>) target_semaphore(%arg10 : memref<!tpu.dma_semaphore, #tpu.memory_space<semaphore_mem>>)
    %dma_wait3A_67 = arith.constant 2 : i32
    %dma_wait3A_68 = arith.constant 0 : i32
    %dma_wait3A_69 = tpu.memref_slice %arg2[%dma_wait3A_67, %div3A_1, %add3A_39, %dma_wait3A_68] : memref<4x8x512x512xf32, #tpu.memory_space<hbm>> -> memref<1x1x64x512xf32, #tpu.memory_space<hbm>>
    %dma_wait3A_70 = tpu.memref_squeeze %dma_wait3A_69 : memref<1x1x64x512xf32, #tpu.memory_space<hbm>> -> memref<64x512xf32, #tpu.memory_space<hbm>>
    %dma_wait3A_71 = arith.constant 0 : i32
    %dma_wait3A_72 = tpu.memref_slice %arg2[%dma_wait3A_67, %div3A_1, %add3A_39, %dma_wait3A_71] : memref<4x8x512x512xf32, #tpu.memory_space<hbm>> -> memref<1x1x64x512xf32, #tpu.memory_space<hbm>>
    %dma_wait3A_73 = tpu.memref_squeeze %dma_wait3A_72 : memref<1x1x64x512xf32, #tpu.memory_space<hbm>> -> memref<64x512xf32, #tpu.memory_space<hbm>>
    tpu.wait_dma2 semaphore(%arg9 : memref<!tpu.dma_semaphore, #tpu.memory_space<semaphore_mem>>) src(%dma_wait3A_73 : memref<64x512xf32, #tpu.memory_space<hbm>>) dst(%arg6 : memref<64x512xf32, #tpu.memory_space<vmem>>)
    %parallel_loop3A_74 = arith.constant 0 : i32
    %parallel_loop3A_75 = arith.constant 2048 : i32
    %parallel_loop3A_76 = arith.constant 1 : i32
    %parallel_loop3A_77 = arith.constant 0x4B000000 : f32
    scf.for %parallel_loop3A_178 = %parallel_loop3A_74 to %parallel_loop3A_75 step %parallel_loop3A_76  : i32 {
      %parallel_loop3A_179 = arith.constant 5 : i32
      %parallel_loop3A_180 = arith.shrui %parallel_loop3A_178, %parallel_loop3A_179 : i32
      %parallel_loop3A_181 = arith.constant 31 : i32
      %parallel_loop3A_182 = arith.andi %parallel_loop3A_178, %parallel_loop3A_181 : i32
      %parallel_loop3A_183 = arith.constant 4 : i32
      %parallel_loop3A_184 = arith.shli %parallel_loop3A_182, %parallel_loop3A_183 : i32
      %parallel_loop3A_185 = arith.index_cast %parallel_loop3A_180 : i32 to index
      %parallel_loop3A_186 = arith.index_cast %parallel_loop3A_184 : i32 to index
      %parallel_loop3A_187 = tpu.vector_load %arg6[%parallel_loop3A_185, %parallel_loop3A_186] {strides = array<i32>} : memref<64x512xf32, #tpu.memory_space<vmem>>, vector<16xf32>,
      %parallel_loop3A_188 = arith.index_cast %parallel_loop3A_180 : i32 to index
      %parallel_loop3A_189 = arith.index_cast %parallel_loop3A_184 : i32 to index
      %parallel_loop3A_190 = tpu.vector_load %arg5[%parallel_loop3A_188, %parallel_loop3A_189] {strides = array<i32>} : memref<64x512xi32, #tpu.memory_space<vmem>>, vector<16xi32>,
      %parallel_loop3A_191 = vector.bitcast %parallel_loop3A_187 : vector<16xf32> to vector<16xi32>
      %parallel_loop3A_192 = arith.constant 31 : i32
      %parallel_loop3A_193 = vector.broadcast %parallel_loop3A_192 : i32 to vector<16xi32>
      %parallel_loop3A_194 = arith.shli %parallel_loop3A_190, %parallel_loop3A_193 : vector<16xi32>
      %parallel_loop3A_195 = arith.xori %parallel_loop3A_191, %parallel_loop3A_194 : vector<16xi32>
      %parallel_loop3A_196 = vector.bitcast %parallel_loop3A_195 : vector<16xi32> to vector<16xf32>
      %parallel_loop3A_197 = arith.constant 1.000000e+00 : f32
      %parallel_loop3A_198 = vector.broadcast %parallel_loop3A_197 : f32 to vector<16xf32>
      %parallel_loop3A_199 = arith.addf %parallel_loop3A_198, %parallel_loop3A_196 : vector<16xf32>
      %parallel_loop3A_200 = arith.constant 7.98999977 : f32
      %parallel_loop3A_201 = vector.broadcast %parallel_loop3A_200 : f32 to vector<16xf32>
      %parallel_loop3A_202 = arith.minimumf %parallel_loop3A_199, %parallel_loop3A_201 : vector<16xf32>
      %parallel_loop3A_203 = arith.constant 1.280000e+02 : f32
      %parallel_loop3A_204 = vector.broadcast %parallel_loop3A_203 : f32 to vector<16xf32>
      %parallel_loop3A_205 = arith.mulf %parallel_loop3A_202, %parallel_loop3A_204 : vector<16xf32>
      %parallel_loop3A_206 = vector.broadcast %parallel_loop3A_77 : f32 to vector<16xf32>
      %parallel_loop3A_207 = arith.addf %parallel_loop3A_205, %parallel_loop3A_206 : vector<16xf32>
      %parallel_loop3A_208 = vector.bitcast %parallel_loop3A_207 : vector<16xf32> to vector<16xi32>
      %parallel_loop3A_209 = arith.constant 1023 : i32
      %parallel_loop3A_210 = vector.broadcast %parallel_loop3A_209 : i32 to vector<16xi32>
      %parallel_loop3A_211 = arith.andi %parallel_loop3A_208, %parallel_loop3A_210 : vector<16xi32>
      %parallel_loop3A_212 = arith.constant 12 : i32
      %parallel_loop3A_213 = vector.broadcast %parallel_loop3A_212 : i32 to vector<16xi32>
      %parallel_loop3A_214 = arith.shli %parallel_loop3A_190, %parallel_loop3A_213 : vector<16xi32>
      %parallel_loop3A_215 = arith.ori %parallel_loop3A_211, %parallel_loop3A_214 : vector<16xi32>
      %parallel_loop3A_216 = arith.constant 2048 : i32
      %parallel_loop3A_217 = vector.broadcast %parallel_loop3A_216 : i32 to vector<16xi32>
      %parallel_loop3A_218 = arith.ori %parallel_loop3A_215, %parallel_loop3A_217 : vector<16xi32>
      %parallel_loop3A_219 = arith.constant 0.000000e+00 : f32
      %parallel_loop3A_220 = vector.broadcast %parallel_loop3A_219 : f32 to vector<16xf32>
      %parallel_loop3A_221 = arith.cmpf ogt, %parallel_loop3A_199, %parallel_loop3A_220 : vector<16xf32>
      %parallel_loop3A_222 = arith.constant 1.024000e+03 : f32
      %parallel_loop3A_223 = vector.broadcast %parallel_loop3A_222 : f32 to vector<16xf32>
      %parallel_loop3A_224 = arith.addf %parallel_loop3A_199, %parallel_loop3A_223 : vector<16xf32>
      tpu.vector_store_idx %arg8[%parallel_loop3A_218], %parallel_loop3A_224 masked %parallel_loop3A_221 {add = true} : memref<8192xf32, #tpu.memory_space<vmem>>[vector<16xi32>], vector<16xf32>, vector<16xi1>
    } {sc.loop_unroll_factor = 8 : i64, sc.parallel_access}
    %add3A_78 = arith.constant 64 : i32
    %add3A_79 = arith.addi %mul3A_4, %add3A_78 : i32
    %dma_start3A_80 = arith.constant 0 : i32
    %dma_start3A_81 = arith.constant 0 : i32
    %dma_start3A_82 = tpu.memref_slice %arg2[%dma_start3A_80, %div3A_1, %add3A_79, %dma_start3A_81] : memref<4x8x512x512xf32, #tpu.memory_space<hbm>> -> memref<1x1x64x512xf32, #tpu.memory_space<hbm>>
    %dma_start3A_83 = tpu.memref_squeeze %dma_start3A_82 : memref<1x1x64x512xf32, #tpu.memory_space<hbm>> -> memref<64x512xf32, #tpu.memory_space<hbm>>
    %dma_start3A_84 = arith.constant 0 : i32
    %dma_start3A_85 = tpu.memref_slice %arg2[%dma_start3A_80, %div3A_1, %add3A_79, %dma_start3A_84] : memref<4x8x512x512xf32, #tpu.memory_space<hbm>> -> memref<1x1x64x512xf32, #tpu.memory_space<hbm>>
    %dma_start3A_86 = tpu.memref_squeeze %dma_start3A_85 : memref<1x1x64x512xf32, #tpu.memory_space<hbm>> -> memref<64x512xf32, #tpu.memory_space<hbm>>
    tpu.enqueue_dma source(%dma_start3A_86 : memref<64x512xf32, #tpu.memory_space<hbm>>) target(%arg6 : memref<64x512xf32, #tpu.memory_space<vmem>>) target_semaphore(%arg9 : memref<!tpu.dma_semaphore, #tpu.memory_space<semaphore_mem>>)
    %dma_wait3A_87 = arith.constant 3 : i32
    %dma_wait3A_88 = arith.constant 0 : i32
    %dma_wait3A_89 = tpu.memref_slice %arg2[%dma_wait3A_87, %div3A_1, %add3A_59, %dma_wait3A_88] : memref<4x8x512x512xf32, #tpu.memory_space<hbm>> -> memref<1x1x64x512xf32, #tpu.memory_space<hbm>>
    %dma_wait3A_90 = tpu.memref_squeeze %dma_wait3A_89 : memref<1x1x64x512xf32, #tpu.memory_space<hbm>> -> memref<64x512xf32, #tpu.memory_space<hbm>>
    %dma_wait3A_91 = arith.constant 0 : i32
    %dma_wait3A_92 = tpu.memref_slice %arg2[%dma_wait3A_87, %div3A_1, %add3A_59, %dma_wait3A_91] : memref<4x8x512x512xf32, #tpu.memory_space<hbm>> -> memref<1x1x64x512xf32, #tpu.memory_space<hbm>>
    %dma_wait3A_93 = tpu.memref_squeeze %dma_wait3A_92 : memref<1x1x64x512xf32, #tpu.memory_space<hbm>> -> memref<64x512xf32, #tpu.memory_space<hbm>>
    tpu.wait_dma2 semaphore(%arg10 : memref<!tpu.dma_semaphore, #tpu.memory_space<semaphore_mem>>) src(%dma_wait3A_93 : memref<64x512xf32, #tpu.memory_space<hbm>>) dst(%arg7 : memref<64x512xf32, #tpu.memory_space<vmem>>)
    %parallel_loop3A_94 = arith.constant 0 : i32
    %parallel_loop3A_95 = arith.constant 2048 : i32
    %parallel_loop3A_96 = arith.constant 1 : i32
    %parallel_loop3A_97 = arith.constant 0x4B000000 : f32
    scf.for %parallel_loop3A_178 = %parallel_loop3A_94 to %parallel_loop3A_95 step %parallel_loop3A_96  : i32 {
      %parallel_loop3A_179 = arith.constant 5 : i32
      %parallel_loop3A_180 = arith.shrui %parallel_loop3A_178, %parallel_loop3A_179 : i32
      %parallel_loop3A_181 = arith.constant 31 : i32
      %parallel_loop3A_182 = arith.andi %parallel_loop3A_178, %parallel_loop3A_181 : i32
      %parallel_loop3A_183 = arith.constant 4 : i32
      %parallel_loop3A_184 = arith.shli %parallel_loop3A_182, %parallel_loop3A_183 : i32
      %parallel_loop3A_185 = arith.index_cast %parallel_loop3A_180 : i32 to index
      %parallel_loop3A_186 = arith.index_cast %parallel_loop3A_184 : i32 to index
      %parallel_loop3A_187 = tpu.vector_load %arg7[%parallel_loop3A_185, %parallel_loop3A_186] {strides = array<i32>} : memref<64x512xf32, #tpu.memory_space<vmem>>, vector<16xf32>,
      %parallel_loop3A_188 = arith.index_cast %parallel_loop3A_180 : i32 to index
      %parallel_loop3A_189 = arith.index_cast %parallel_loop3A_184 : i32 to index
      %parallel_loop3A_190 = tpu.vector_load %arg5[%parallel_loop3A_188, %parallel_loop3A_189] {strides = array<i32>} : memref<64x512xi32, #tpu.memory_space<vmem>>, vector<16xi32>,
      %parallel_loop3A_191 = vector.bitcast %parallel_loop3A_187 : vector<16xf32> to vector<16xi32>
      %parallel_loop3A_192 = arith.constant 31 : i32
      %parallel_loop3A_193 = vector.broadcast %parallel_loop3A_192 : i32 to vector<16xi32>
      %parallel_loop3A_194 = arith.shli %parallel_loop3A_190, %parallel_loop3A_193 : vector<16xi32>
      %parallel_loop3A_195 = arith.xori %parallel_loop3A_191, %parallel_loop3A_194 : vector<16xi32>
      %parallel_loop3A_196 = vector.bitcast %parallel_loop3A_195 : vector<16xi32> to vector<16xf32>
      %parallel_loop3A_197 = arith.constant 1.000000e+00 : f32
      %parallel_loop3A_198 = vector.broadcast %parallel_loop3A_197 : f32 to vector<16xf32>
      %parallel_loop3A_199 = arith.addf %parallel_loop3A_198, %parallel_loop3A_196 : vector<16xf32>
      %parallel_loop3A_200 = arith.constant 7.98999977 : f32
      %parallel_loop3A_201 = vector.broadcast %parallel_loop3A_200 : f32 to vector<16xf32>
      %parallel_loop3A_202 = arith.minimumf %parallel_loop3A_199, %parallel_loop3A_201 : vector<16xf32>
      %parallel_loop3A_203 = arith.constant 1.280000e+02 : f32
      %parallel_loop3A_204 = vector.broadcast %parallel_loop3A_203 : f32 to vector<16xf32>
      %parallel_loop3A_205 = arith.mulf %parallel_loop3A_202, %parallel_loop3A_204 : vector<16xf32>
      %parallel_loop3A_206 = vector.broadcast %parallel_loop3A_97 : f32 to vector<16xf32>
      %parallel_loop3A_207 = arith.addf %parallel_loop3A_205, %parallel_loop3A_206 : vector<16xf32>
      %parallel_loop3A_208 = vector.bitcast %parallel_loop3A_207 : vector<16xf32> to vector<16xi32>
      %parallel_loop3A_209 = arith.constant 1023 : i32
      %parallel_loop3A_210 = vector.broadcast %parallel_loop3A_209 : i32 to vector<16xi32>
      %parallel_loop3A_211 = arith.andi %parallel_loop3A_208, %parallel_loop3A_210 : vector<16xi32>
      %parallel_loop3A_212 = arith.constant 12 : i32
      %parallel_loop3A_213 = vector.broadcast %parallel_loop3A_212 : i32 to vector<16xi32>
      %parallel_loop3A_214 = arith.shli %parallel_loop3A_190, %parallel_loop3A_213 : vector<16xi32>
      %parallel_loop3A_215 = arith.ori %parallel_loop3A_211, %parallel_loop3A_214 : vector<16xi32>
      %parallel_loop3A_216 = arith.constant 3072 : i32
      %parallel_loop3A_217 = vector.broadcast %parallel_loop3A_216 : i32 to vector<16xi32>
      %parallel_loop3A_218 = arith.ori %parallel_loop3A_215, %parallel_loop3A_217 : vector<16xi32>
      %parallel_loop3A_219 = arith.constant 0.000000e+00 : f32
      %parallel_loop3A_220 = vector.broadcast %parallel_loop3A_219 : f32 to vector<16xf32>
      %parallel_loop3A_221 = arith.cmpf ogt, %parallel_loop3A_199, %parallel_loop3A_220 : vector<16xf32>
      %parallel_loop3A_222 = arith.constant 1.024000e+03 : f32
      %parallel_loop3A_223 = vector.broadcast %parallel_loop3A_222 : f32 to vector<16xf32>
      %parallel_loop3A_224 = arith.addf %parallel_loop3A_199, %parallel_loop3A_223 : vector<16xf32>
      tpu.vector_store_idx %arg8[%parallel_loop3A_218], %parallel_loop3A_224 masked %parallel_loop3A_221 {add = true} : memref<8192xf32, #tpu.memory_space<vmem>>[vector<16xi32>], vector<16xf32>, vector<16xi1>
    } {sc.loop_unroll_factor = 8 : i64, sc.parallel_access}
    %add3A_98 = arith.constant 64 : i32
    %add3A_99 = arith.addi %mul3A_4, %add3A_98 : i32
    "tpu.region"() ({
      %run_scoped3A_178 = tpu.sem_alloc : memref<!tpu.dma_semaphore, #tpu.memory_space<semaphore_mem>>
      %dma_start3A_179 = arith.constant 0 : i32
      %dma_start3A_180 = tpu.memref_slice %arg3[%div3A_1, %add3A_99, %dma_start3A_179] : memref<8x512x512xi32, #tpu.memory_space<hbm>> -> memref<1x64x512xi32, #tpu.memory_space<hbm>>
      %dma_start3A_181 = tpu.memref_squeeze %dma_start3A_180 : memref<1x64x512xi32, #tpu.memory_space<hbm>> -> memref<64x512xi32, #tpu.memory_space<hbm>>
      %dma_start3A_182 = arith.constant 0 : i32
      %dma_start3A_183 = tpu.memref_slice %arg3[%div3A_1, %add3A_99, %dma_start3A_182] : memref<8x512x512xi32, #tpu.memory_space<hbm>> -> memref<1x64x512xi32, #tpu.memory_space<hbm>>
      %dma_start3A_184 = tpu.memref_squeeze %dma_start3A_183 : memref<1x64x512xi32, #tpu.memory_space<hbm>> -> memref<64x512xi32, #tpu.memory_space<hbm>>
      tpu.enqueue_dma source(%dma_start3A_184 : memref<64x512xi32, #tpu.memory_space<hbm>>) target(%arg5 : memref<64x512xi32, #tpu.memory_space<vmem>>) target_semaphore(%run_scoped3A_178 : memref<!tpu.dma_semaphore, #tpu.memory_space<semaphore_mem>>)
      %dma_wait3A_185 = arith.constant 0 : i32
      %dma_wait3A_186 = tpu.memref_slice %arg3[%div3A_1, %add3A_99, %dma_wait3A_185] : memref<8x512x512xi32, #tpu.memory_space<hbm>> -> memref<1x64x512xi32, #tpu.memory_space<hbm>>
      %dma_wait3A_187 = tpu.memref_squeeze %dma_wait3A_186 : memref<1x64x512xi32, #tpu.memory_space<hbm>> -> memref<64x512xi32, #tpu.memory_space<hbm>>
      %dma_wait3A_188 = arith.constant 0 : i32
      %dma_wait3A_189 = tpu.memref_slice %arg3[%div3A_1, %add3A_99, %dma_wait3A_188] : memref<8x512x512xi32, #tpu.memory_space<hbm>> -> memref<1x64x512xi32, #tpu.memory_space<hbm>>
      %dma_wait3A_190 = tpu.memref_squeeze %dma_wait3A_189 : memref<1x64x512xi32, #tpu.memory_space<hbm>> -> memref<64x512xi32, #tpu.memory_space<hbm>>
      tpu.wait_dma2 semaphore(%run_scoped3A_178 : memref<!tpu.dma_semaphore, #tpu.memory_space<semaphore_mem>>) src(%dma_wait3A_190 : memref<64x512xi32, #tpu.memory_space<hbm>>) dst(%arg5 : memref<64x512xi32, #tpu.memory_space<vmem>>)
      tpu.yield
    }) : () -> ()
    %add3A_100 = arith.constant 64 : i32
    %add3A_101 = arith.addi %mul3A_4, %add3A_100 : i32
    %dma_start3A_102 = arith.constant 1 : i32
    %dma_start3A_103 = arith.constant 0 : i32
    %dma_start3A_104 = tpu.memref_slice %arg2[%dma_start3A_102, %div3A_1, %add3A_101, %dma_start3A_103] : memref<4x8x512x512xf32, #tpu.memory_space<hbm>> -> memref<1x1x64x512xf32, #tpu.memory_space<hbm>>
    %dma_start3A_105 = tpu.memref_squeeze %dma_start3A_104 : memref<1x1x64x512xf32, #tpu.memory_space<hbm>> -> memref<64x512xf32, #tpu.memory_space<hbm>>
    %dma_start3A_106 = arith.constant 0 : i32
    %dma_start3A_107 = tpu.memref_slice %arg2[%dma_start3A_102, %div3A_1, %add3A_101, %dma_start3A_106] : memref<4x8x512x512xf32, #tpu.memory_space<hbm>> -> memref<1x1x64x512xf32, #tpu.memory_space<hbm>>
    %dma_start3A_108 = tpu.memref_squeeze %dma_start3A_107 : memref<1x1x64x512xf32, #tpu.memory_space<hbm>> -> memref<64x512xf32, #tpu.memory_space<hbm>>
    tpu.enqueue_dma source(%dma_start3A_108 : memref<64x512xf32, #tpu.memory_space<hbm>>) target(%arg7 : memref<64x512xf32, #tpu.memory_space<vmem>>) target_semaphore(%arg10 : memref<!tpu.dma_semaphore, #tpu.memory_space<semaphore_mem>>)
    %dma_wait3A_109 = arith.constant 0 : i32
    %dma_wait3A_110 = arith.constant 0 : i32
    %dma_wait3A_111 = tpu.memref_slice %arg2[%dma_wait3A_109, %div3A_1, %add3A_79, %dma_wait3A_110] : memref<4x8x512x512xf32, #tpu.memory_space<hbm>> -> memref<1x1x64x512xf32, #tpu.memory_space<hbm>>
    %dma_wait3A_112 = tpu.memref_squeeze %dma_wait3A_111 : memref<1x1x64x512xf32, #tpu.memory_space<hbm>> -> memref<64x512xf32, #tpu.memory_space<hbm>>
    %dma_wait3A_113 = arith.constant 0 : i32
    %dma_wait3A_114 = tpu.memref_slice %arg2[%dma_wait3A_109, %div3A_1, %add3A_79, %dma_wait3A_113] : memref<4x8x512x512xf32, #tpu.memory_space<hbm>> -> memref<1x1x64x512xf32, #tpu.memory_space<hbm>>
    %dma_wait3A_115 = tpu.memref_squeeze %dma_wait3A_114 : memref<1x1x64x512xf32, #tpu.memory_space<hbm>> -> memref<64x512xf32, #tpu.memory_space<hbm>>
    tpu.wait_dma2 semaphore(%arg9 : memref<!tpu.dma_semaphore, #tpu.memory_space<semaphore_mem>>) src(%dma_wait3A_115 : memref<64x512xf32, #tpu.memory_space<hbm>>) dst(%arg6 : memref<64x512xf32, #tpu.memory_space<vmem>>)
    %parallel_loop3A_116 = arith.constant 0 : i32
    %parallel_loop3A_117 = arith.constant 2048 : i32
    %parallel_loop3A_118 = arith.constant 1 : i32
    %parallel_loop3A_119 = arith.constant 0x4B000000 : f32
    scf.for %parallel_loop3A_178 = %parallel_loop3A_116 to %parallel_loop3A_117 step %parallel_loop3A_118  : i32 {
      %parallel_loop3A_179 = arith.constant 5 : i32
      %parallel_loop3A_180 = arith.shrui %parallel_loop3A_178, %parallel_loop3A_179 : i32
      %parallel_loop3A_181 = arith.constant 31 : i32
      %parallel_loop3A_182 = arith.andi %parallel_loop3A_178, %parallel_loop3A_181 : i32
      %parallel_loop3A_183 = arith.constant 4 : i32
      %parallel_loop3A_184 = arith.shli %parallel_loop3A_182, %parallel_loop3A_183 : i32
      %parallel_loop3A_185 = arith.index_cast %parallel_loop3A_180 : i32 to index
      %parallel_loop3A_186 = arith.index_cast %parallel_loop3A_184 : i32 to index
      %parallel_loop3A_187 = tpu.vector_load %arg6[%parallel_loop3A_185, %parallel_loop3A_186] {strides = array<i32>} : memref<64x512xf32, #tpu.memory_space<vmem>>, vector<16xf32>,
      %parallel_loop3A_188 = arith.index_cast %parallel_loop3A_180 : i32 to index
      %parallel_loop3A_189 = arith.index_cast %parallel_loop3A_184 : i32 to index
      %parallel_loop3A_190 = tpu.vector_load %arg5[%parallel_loop3A_188, %parallel_loop3A_189] {strides = array<i32>} : memref<64x512xi32, #tpu.memory_space<vmem>>, vector<16xi32>,
      %parallel_loop3A_191 = vector.bitcast %parallel_loop3A_187 : vector<16xf32> to vector<16xi32>
      %parallel_loop3A_192 = arith.constant 31 : i32
      %parallel_loop3A_193 = vector.broadcast %parallel_loop3A_192 : i32 to vector<16xi32>
      %parallel_loop3A_194 = arith.shli %parallel_loop3A_190, %parallel_loop3A_193 : vector<16xi32>
      %parallel_loop3A_195 = arith.xori %parallel_loop3A_191, %parallel_loop3A_194 : vector<16xi32>
      %parallel_loop3A_196 = vector.bitcast %parallel_loop3A_195 : vector<16xi32> to vector<16xf32>
      %parallel_loop3A_197 = arith.constant 1.000000e+00 : f32
      %parallel_loop3A_198 = vector.broadcast %parallel_loop3A_197 : f32 to vector<16xf32>
      %parallel_loop3A_199 = arith.addf %parallel_loop3A_198, %parallel_loop3A_196 : vector<16xf32>
      %parallel_loop3A_200 = arith.constant 7.98999977 : f32
      %parallel_loop3A_201 = vector.broadcast %parallel_loop3A_200 : f32 to vector<16xf32>
      %parallel_loop3A_202 = arith.minimumf %parallel_loop3A_199, %parallel_loop3A_201 : vector<16xf32>
      %parallel_loop3A_203 = arith.constant 1.280000e+02 : f32
      %parallel_loop3A_204 = vector.broadcast %parallel_loop3A_203 : f32 to vector<16xf32>
      %parallel_loop3A_205 = arith.mulf %parallel_loop3A_202, %parallel_loop3A_204 : vector<16xf32>
      %parallel_loop3A_206 = vector.broadcast %parallel_loop3A_119 : f32 to vector<16xf32>
      %parallel_loop3A_207 = arith.addf %parallel_loop3A_205, %parallel_loop3A_206 : vector<16xf32>
      %parallel_loop3A_208 = vector.bitcast %parallel_loop3A_207 : vector<16xf32> to vector<16xi32>
      %parallel_loop3A_209 = arith.constant 1023 : i32
      %parallel_loop3A_210 = vector.broadcast %parallel_loop3A_209 : i32 to vector<16xi32>
      %parallel_loop3A_211 = arith.andi %parallel_loop3A_208, %parallel_loop3A_210 : vector<16xi32>
      %parallel_loop3A_212 = arith.constant 12 : i32
      %parallel_loop3A_213 = vector.broadcast %parallel_loop3A_212 : i32 to vector<16xi32>
      %parallel_loop3A_214 = arith.shli %parallel_loop3A_190, %parallel_loop3A_213 : vector<16xi32>
      %parallel_loop3A_215 = arith.ori %parallel_loop3A_211, %parallel_loop3A_214 : vector<16xi32>
      %parallel_loop3A_216 = arith.constant 0 : i32
      %parallel_loop3A_217 = vector.broadcast %parallel_loop3A_216 : i32 to vector<16xi32>
      %parallel_loop3A_218 = arith.ori %parallel_loop3A_215, %parallel_loop3A_217 : vector<16xi32>
      %parallel_loop3A_219 = arith.constant 0.000000e+00 : f32
      %parallel_loop3A_220 = vector.broadcast %parallel_loop3A_219 : f32 to vector<16xf32>
      %parallel_loop3A_221 = arith.cmpf ogt, %parallel_loop3A_199, %parallel_loop3A_220 : vector<16xf32>
      %parallel_loop3A_222 = arith.constant 1.024000e+03 : f32
      %parallel_loop3A_223 = vector.broadcast %parallel_loop3A_222 : f32 to vector<16xf32>
      %parallel_loop3A_224 = arith.addf %parallel_loop3A_199, %parallel_loop3A_223 : vector<16xf32>
      tpu.vector_store_idx %arg8[%parallel_loop3A_218], %parallel_loop3A_224 masked %parallel_loop3A_221 {add = true} : memref<8192xf32, #tpu.memory_space<vmem>>[vector<16xi32>], vector<16xf32>, vector<16xi1>
    } {sc.loop_unroll_factor = 8 : i64, sc.parallel_access}
    %add3A_120 = arith.constant 64 : i32
    %add3A_121 = arith.addi %mul3A_4, %add3A_120 : i32
    %dma_start3A_122 = arith.constant 2 : i32
    %dma_start3A_123 = arith.constant 0 : i32
    %dma_start3A_124 = tpu.memref_slice %arg2[%dma_start3A_122, %div3A_1, %add3A_121, %dma_start3A_123] : memref<4x8x512x512xf32, #tpu.memory_space<hbm>> -> memref<1x1x64x512xf32, #tpu.memory_space<hbm>>
    %dma_start3A_125 = tpu.memref_squeeze %dma_start3A_124 : memref<1x1x64x512xf32, #tpu.memory_space<hbm>> -> memref<64x512xf32, #tpu.memory_space<hbm>>
    %dma_start3A_126 = arith.constant 0 : i32
    %dma_start3A_127 = tpu.memref_slice %arg2[%dma_start3A_122, %div3A_1, %add3A_121, %dma_start3A_126] : memref<4x8x512x512xf32, #tpu.memory_space<hbm>> -> memref<1x1x64x512xf32, #tpu.memory_space<hbm>>
    %dma_start3A_128 = tpu.memref_squeeze %dma_start3A_127 : memref<1x1x64x512xf32, #tpu.memory_space<hbm>> -> memref<64x512xf32, #tpu.memory_space<hbm>>
    tpu.enqueue_dma source(%dma_start3A_128 : memref<64x512xf32, #tpu.memory_space<hbm>>) target(%arg6 : memref<64x512xf32, #tpu.memory_space<vmem>>) target_semaphore(%arg9 : memref<!tpu.dma_semaphore, #tpu.memory_space<semaphore_mem>>)
    %dma_wait3A_129 = arith.constant 1 : i32
    %dma_wait3A_130 = arith.constant 0 : i32
    %dma_wait3A_131 = tpu.memref_slice %arg2[%dma_wait3A_129, %div3A_1, %add3A_101, %dma_wait3A_130] : memref<4x8x512x512xf32, #tpu.memory_space<hbm>> -> memref<1x1x64x512xf32, #tpu.memory_space<hbm>>
    %dma_wait3A_132 = tpu.memref_squeeze %dma_wait3A_131 : memref<1x1x64x512xf32, #tpu.memory_space<hbm>> -> memref<64x512xf32, #tpu.memory_space<hbm>>
    %dma_wait3A_133 = arith.constant 0 : i32
    %dma_wait3A_134 = tpu.memref_slice %arg2[%dma_wait3A_129, %div3A_1, %add3A_101, %dma_wait3A_133] : memref<4x8x512x512xf32, #tpu.memory_space<hbm>> -> memref<1x1x64x512xf32, #tpu.memory_space<hbm>>
    %dma_wait3A_135 = tpu.memref_squeeze %dma_wait3A_134 : memref<1x1x64x512xf32, #tpu.memory_space<hbm>> -> memref<64x512xf32, #tpu.memory_space<hbm>>
    tpu.wait_dma2 semaphore(%arg10 : memref<!tpu.dma_semaphore, #tpu.memory_space<semaphore_mem>>) src(%dma_wait3A_135 : memref<64x512xf32, #tpu.memory_space<hbm>>) dst(%arg7 : memref<64x512xf32, #tpu.memory_space<vmem>>)
    %parallel_loop3A_136 = arith.constant 0 : i32
    %parallel_loop3A_137 = arith.constant 2048 : i32
    %parallel_loop3A_138 = arith.constant 1 : i32
    %parallel_loop3A_139 = arith.constant 0x4B000000 : f32
    scf.for %parallel_loop3A_178 = %parallel_loop3A_136 to %parallel_loop3A_137 step %parallel_loop3A_138  : i32 {
      %parallel_loop3A_179 = arith.constant 5 : i32
      %parallel_loop3A_180 = arith.shrui %parallel_loop3A_178, %parallel_loop3A_179 : i32
      %parallel_loop3A_181 = arith.constant 31 : i32
      %parallel_loop3A_182 = arith.andi %parallel_loop3A_178, %parallel_loop3A_181 : i32
      %parallel_loop3A_183 = arith.constant 4 : i32
      %parallel_loop3A_184 = arith.shli %parallel_loop3A_182, %parallel_loop3A_183 : i32
      %parallel_loop3A_185 = arith.index_cast %parallel_loop3A_180 : i32 to index
      %parallel_loop3A_186 = arith.index_cast %parallel_loop3A_184 : i32 to index
      %parallel_loop3A_187 = tpu.vector_load %arg7[%parallel_loop3A_185, %parallel_loop3A_186] {strides = array<i32>} : memref<64x512xf32, #tpu.memory_space<vmem>>, vector<16xf32>,
      %parallel_loop3A_188 = arith.index_cast %parallel_loop3A_180 : i32 to index
      %parallel_loop3A_189 = arith.index_cast %parallel_loop3A_184 : i32 to index
      %parallel_loop3A_190 = tpu.vector_load %arg5[%parallel_loop3A_188, %parallel_loop3A_189] {strides = array<i32>} : memref<64x512xi32, #tpu.memory_space<vmem>>, vector<16xi32>,
      %parallel_loop3A_191 = vector.bitcast %parallel_loop3A_187 : vector<16xf32> to vector<16xi32>
      %parallel_loop3A_192 = arith.constant 31 : i32
      %parallel_loop3A_193 = vector.broadcast %parallel_loop3A_192 : i32 to vector<16xi32>
      %parallel_loop3A_194 = arith.shli %parallel_loop3A_190, %parallel_loop3A_193 : vector<16xi32>
      %parallel_loop3A_195 = arith.xori %parallel_loop3A_191, %parallel_loop3A_194 : vector<16xi32>
      %parallel_loop3A_196 = vector.bitcast %parallel_loop3A_195 : vector<16xi32> to vector<16xf32>
      %parallel_loop3A_197 = arith.constant 1.000000e+00 : f32
      %parallel_loop3A_198 = vector.broadcast %parallel_loop3A_197 : f32 to vector<16xf32>
      %parallel_loop3A_199 = arith.addf %parallel_loop3A_198, %parallel_loop3A_196 : vector<16xf32>
      %parallel_loop3A_200 = arith.constant 7.98999977 : f32
      %parallel_loop3A_201 = vector.broadcast %parallel_loop3A_200 : f32 to vector<16xf32>
      %parallel_loop3A_202 = arith.minimumf %parallel_loop3A_199, %parallel_loop3A_201 : vector<16xf32>
      %parallel_loop3A_203 = arith.constant 1.280000e+02 : f32
      %parallel_loop3A_204 = vector.broadcast %parallel_loop3A_203 : f32 to vector<16xf32>
      %parallel_loop3A_205 = arith.mulf %parallel_loop3A_202, %parallel_loop3A_204 : vector<16xf32>
      %parallel_loop3A_206 = vector.broadcast %parallel_loop3A_139 : f32 to vector<16xf32>
      %parallel_loop3A_207 = arith.addf %parallel_loop3A_205, %parallel_loop3A_206 : vector<16xf32>
      %parallel_loop3A_208 = vector.bitcast %parallel_loop3A_207 : vector<16xf32> to vector<16xi32>
      %parallel_loop3A_209 = arith.constant 1023 : i32
      %parallel_loop3A_210 = vector.broadcast %parallel_loop3A_209 : i32 to vector<16xi32>
      %parallel_loop3A_211 = arith.andi %parallel_loop3A_208, %parallel_loop3A_210 : vector<16xi32>
      %parallel_loop3A_212 = arith.constant 12 : i32
      %parallel_loop3A_213 = vector.broadcast %parallel_loop3A_212 : i32 to vector<16xi32>
      %parallel_loop3A_214 = arith.shli %parallel_loop3A_190, %parallel_loop3A_213 : vector<16xi32>
      %parallel_loop3A_215 = arith.ori %parallel_loop3A_211, %parallel_loop3A_214 : vector<16xi32>
      %parallel_loop3A_216 = arith.constant 1024 : i32
      %parallel_loop3A_217 = vector.broadcast %parallel_loop3A_216 : i32 to vector<16xi32>
      %parallel_loop3A_218 = arith.ori %parallel_loop3A_215, %parallel_loop3A_217 : vector<16xi32>
      %parallel_loop3A_219 = arith.constant 0.000000e+00 : f32
      %parallel_loop3A_220 = vector.broadcast %parallel_loop3A_219 : f32 to vector<16xf32>
      %parallel_loop3A_221 = arith.cmpf ogt, %parallel_loop3A_199, %parallel_loop3A_220 : vector<16xf32>
      %parallel_loop3A_222 = arith.constant 1.024000e+03 : f32
      %parallel_loop3A_223 = vector.broadcast %parallel_loop3A_222 : f32 to vector<16xf32>
      %parallel_loop3A_224 = arith.addf %parallel_loop3A_199, %parallel_loop3A_223 : vector<16xf32>
      tpu.vector_store_idx %arg8[%parallel_loop3A_218], %parallel_loop3A_224 masked %parallel_loop3A_221 {add = true} : memref<8192xf32, #tpu.memory_space<vmem>>[vector<16xi32>], vector<16xf32>, vector<16xi1>
    } {sc.loop_unroll_factor = 8 : i64, sc.parallel_access}
    %add3A_140 = arith.constant 64 : i32
    %add3A_141 = arith.addi %mul3A_4, %add3A_140 : i32
    %dma_start3A_142 = arith.constant 3 : i32
    %dma_start3A_143 = arith.constant 0 : i32
    %dma_start3A_144 = tpu.memref_slice %arg2[%dma_start3A_142, %div3A_1, %add3A_141, %dma_start3A_143] : memref<4x8x512x512xf32, #tpu.memory_space<hbm>> -> memref<1x1x64x512xf32, #tpu.memory_space<hbm>>
    %dma_start3A_145 = tpu.memref_squeeze %dma_start3A_144 : memref<1x1x64x512xf32, #tpu.memory_space<hbm>> -> memref<64x512xf32, #tpu.memory_space<hbm>>
    %dma_start3A_146 = arith.constant 0 : i32
    %dma_start3A_147 = tpu.memref_slice %arg2[%dma_start3A_142, %div3A_1, %add3A_141, %dma_start3A_146] : memref<4x8x512x512xf32, #tpu.memory_space<hbm>> -> memref<1x1x64x512xf32, #tpu.memory_space<hbm>>
    %dma_start3A_148 = tpu.memref_squeeze %dma_start3A_147 : memref<1x1x64x512xf32, #tpu.memory_space<hbm>> -> memref<64x512xf32, #tpu.memory_space<hbm>>
    tpu.enqueue_dma source(%dma_start3A_148 : memref<64x512xf32, #tpu.memory_space<hbm>>) target(%arg7 : memref<64x512xf32, #tpu.memory_space<vmem>>) target_semaphore(%arg10 : memref<!tpu.dma_semaphore, #tpu.memory_space<semaphore_mem>>)
    %dma_wait3A_149 = arith.constant 2 : i32
    %dma_wait3A_150 = arith.constant 0 : i32
    %dma_wait3A_151 = tpu.memref_slice %arg2[%dma_wait3A_149, %div3A_1, %add3A_121, %dma_wait3A_150] : memref<4x8x512x512xf32, #tpu.memory_space<hbm>> -> memref<1x1x64x512xf32, #tpu.memory_space<hbm>>
    %dma_wait3A_152 = tpu.memref_squeeze %dma_wait3A_151 : memref<1x1x64x512xf32, #tpu.memory_space<hbm>> -> memref<64x512xf32, #tpu.memory_space<hbm>>
    %dma_wait3A_153 = arith.constant 0 : i32
    %dma_wait3A_154 = tpu.memref_slice %arg2[%dma_wait3A_149, %div3A_1, %add3A_121, %dma_wait3A_153] : memref<4x8x512x512xf32, #tpu.memory_space<hbm>> -> memref<1x1x64x512xf32, #tpu.memory_space<hbm>>
    %dma_wait3A_155 = tpu.memref_squeeze %dma_wait3A_154 : memref<1x1x64x512xf32, #tpu.memory_space<hbm>> -> memref<64x512xf32, #tpu.memory_space<hbm>>
    tpu.wait_dma2 semaphore(%arg9 : memref<!tpu.dma_semaphore, #tpu.memory_space<semaphore_mem>>) src(%dma_wait3A_155 : memref<64x512xf32, #tpu.memory_space<hbm>>) dst(%arg6 : memref<64x512xf32, #tpu.memory_space<vmem>>)
    %parallel_loop3A_156 = arith.constant 0 : i32
    %parallel_loop3A_157 = arith.constant 2048 : i32
    %parallel_loop3A_158 = arith.constant 1 : i32
    %parallel_loop3A_159 = arith.constant 0x4B000000 : f32
    scf.for %parallel_loop3A_178 = %parallel_loop3A_156 to %parallel_loop3A_157 step %parallel_loop3A_158  : i32 {
      %parallel_loop3A_179 = arith.constant 5 : i32
      %parallel_loop3A_180 = arith.shrui %parallel_loop3A_178, %parallel_loop3A_179 : i32
      %parallel_loop3A_181 = arith.constant 31 : i32
      %parallel_loop3A_182 = arith.andi %parallel_loop3A_178, %parallel_loop3A_181 : i32
      %parallel_loop3A_183 = arith.constant 4 : i32
      %parallel_loop3A_184 = arith.shli %parallel_loop3A_182, %parallel_loop3A_183 : i32
      %parallel_loop3A_185 = arith.index_cast %parallel_loop3A_180 : i32 to index
      %parallel_loop3A_186 = arith.index_cast %parallel_loop3A_184 : i32 to index
      %parallel_loop3A_187 = tpu.vector_load %arg6[%parallel_loop3A_185, %parallel_loop3A_186] {strides = array<i32>} : memref<64x512xf32, #tpu.memory_space<vmem>>, vector<16xf32>,
      %parallel_loop3A_188 = arith.index_cast %parallel_loop3A_180 : i32 to index
      %parallel_loop3A_189 = arith.index_cast %parallel_loop3A_184 : i32 to index
      %parallel_loop3A_190 = tpu.vector_load %arg5[%parallel_loop3A_188, %parallel_loop3A_189] {strides = array<i32>} : memref<64x512xi32, #tpu.memory_space<vmem>>, vector<16xi32>,
      %parallel_loop3A_191 = vector.bitcast %parallel_loop3A_187 : vector<16xf32> to vector<16xi32>
      %parallel_loop3A_192 = arith.constant 31 : i32
      %parallel_loop3A_193 = vector.broadcast %parallel_loop3A_192 : i32 to vector<16xi32>
      %parallel_loop3A_194 = arith.shli %parallel_loop3A_190, %parallel_loop3A_193 : vector<16xi32>
      %parallel_loop3A_195 = arith.xori %parallel_loop3A_191, %parallel_loop3A_194 : vector<16xi32>
      %parallel_loop3A_196 = vector.bitcast %parallel_loop3A_195 : vector<16xi32> to vector<16xf32>
      %parallel_loop3A_197 = arith.constant 1.000000e+00 : f32
      %parallel_loop3A_198 = vector.broadcast %parallel_loop3A_197 : f32 to vector<16xf32>
      %parallel_loop3A_199 = arith.addf %parallel_loop3A_198, %parallel_loop3A_196 : vector<16xf32>
      %parallel_loop3A_200 = arith.constant 7.98999977 : f32
      %parallel_loop3A_201 = vector.broadcast %parallel_loop3A_200 : f32 to vector<16xf32>
      %parallel_loop3A_202 = arith.minimumf %parallel_loop3A_199, %parallel_loop3A_201 : vector<16xf32>
      %parallel_loop3A_203 = arith.constant 1.280000e+02 : f32
      %parallel_loop3A_204 = vector.broadcast %parallel_loop3A_203 : f32 to vector<16xf32>
      %parallel_loop3A_205 = arith.mulf %parallel_loop3A_202, %parallel_loop3A_204 : vector<16xf32>
      %parallel_loop3A_206 = vector.broadcast %parallel_loop3A_159 : f32 to vector<16xf32>
      %parallel_loop3A_207 = arith.addf %parallel_loop3A_205, %parallel_loop3A_206 : vector<16xf32>
      %parallel_loop3A_208 = vector.bitcast %parallel_loop3A_207 : vector<16xf32> to vector<16xi32>
      %parallel_loop3A_209 = arith.constant 1023 : i32
      %parallel_loop3A_210 = vector.broadcast %parallel_loop3A_209 : i32 to vector<16xi32>
      %parallel_loop3A_211 = arith.andi %parallel_loop3A_208, %parallel_loop3A_210 : vector<16xi32>
      %parallel_loop3A_212 = arith.constant 12 : i32
      %parallel_loop3A_213 = vector.broadcast %parallel_loop3A_212 : i32 to vector<16xi32>
      %parallel_loop3A_214 = arith.shli %parallel_loop3A_190, %parallel_loop3A_213 : vector<16xi32>
      %parallel_loop3A_215 = arith.ori %parallel_loop3A_211, %parallel_loop3A_214 : vector<16xi32>
      %parallel_loop3A_216 = arith.constant 2048 : i32
      %parallel_loop3A_217 = vector.broadcast %parallel_loop3A_216 : i32 to vector<16xi32>
      %parallel_loop3A_218 = arith.ori %parallel_loop3A_215, %parallel_loop3A_217 : vector<16xi32>
      %parallel_loop3A_219 = arith.constant 0.000000e+00 : f32
      %parallel_loop3A_220 = vector.broadcast %parallel_loop3A_219 : f32 to vector<16xf32>
      %parallel_loop3A_221 = arith.cmpf ogt, %parallel_loop3A_199, %parallel_loop3A_220 : vector<16xf32>
      %parallel_loop3A_222 = arith.constant 1.024000e+03 : f32
      %parallel_loop3A_223 = vector.broadcast %parallel_loop3A_222 : f32 to vector<16xf32>
      %parallel_loop3A_224 = arith.addf %parallel_loop3A_199, %parallel_loop3A_223 : vector<16xf32>
      tpu.vector_store_idx %arg8[%parallel_loop3A_218], %parallel_loop3A_224 masked %parallel_loop3A_221 {add = true} : memref<8192xf32, #tpu.memory_space<vmem>>[vector<16xi32>], vector<16xf32>, vector<16xi1>
    } {sc.loop_unroll_factor = 8 : i64, sc.parallel_access}
    %dma_wait3A_160 = arith.constant 3 : i32
    %dma_wait3A_161 = arith.constant 0 : i32
    %dma_wait3A_162 = tpu.memref_slice %arg2[%dma_wait3A_160, %div3A_1, %add3A_141, %dma_wait3A_161] : memref<4x8x512x512xf32, #tpu.memory_space<hbm>> -> memref<1x1x64x512xf32, #tpu.memory_space<hbm>>
    %dma_wait3A_163 = tpu.memref_squeeze %dma_wait3A_162 : memref<1x1x64x512xf32, #tpu.memory_space<hbm>> -> memref<64x512xf32, #tpu.memory_space<hbm>>
    %dma_wait3A_164 = arith.constant 0 : i32
    %dma_wait3A_165 = tpu.memref_slice %arg2[%dma_wait3A_160, %div3A_1, %add3A_141, %dma_wait3A_164] : memref<4x8x512x512xf32, #tpu.memory_space<hbm>> -> memref<1x1x64x512xf32, #tpu.memory_space<hbm>>
    %dma_wait3A_166 = tpu.memref_squeeze %dma_wait3A_165 : memref<1x1x64x512xf32, #tpu.memory_space<hbm>> -> memref<64x512xf32, #tpu.memory_space<hbm>>
    tpu.wait_dma2 semaphore(%arg10 : memref<!tpu.dma_semaphore, #tpu.memory_space<semaphore_mem>>) src(%dma_wait3A_166 : memref<64x512xf32, #tpu.memory_space<hbm>>) dst(%arg7 : memref<64x512xf32, #tpu.memory_space<vmem>>)
    %parallel_loop3A_167 = arith.constant 0 : i32
    %parallel_loop3A_168 = arith.constant 2048 : i32
    %parallel_loop3A_169 = arith.constant 1 : i32
    %parallel_loop3A_170 = arith.constant 0x4B000000 : f32
    scf.for %parallel_loop3A_178 = %parallel_loop3A_167 to %parallel_loop3A_168 step %parallel_loop3A_169  : i32 {
      %parallel_loop3A_179 = arith.constant 5 : i32
      %parallel_loop3A_180 = arith.shrui %parallel_loop3A_178, %parallel_loop3A_179 : i32
      %parallel_loop3A_181 = arith.constant 31 : i32
      %parallel_loop3A_182 = arith.andi %parallel_loop3A_178, %parallel_loop3A_181 : i32
      %parallel_loop3A_183 = arith.constant 4 : i32
      %parallel_loop3A_184 = arith.shli %parallel_loop3A_182, %parallel_loop3A_183 : i32
      %parallel_loop3A_185 = arith.index_cast %parallel_loop3A_180 : i32 to index
      %parallel_loop3A_186 = arith.index_cast %parallel_loop3A_184 : i32 to index
      %parallel_loop3A_187 = tpu.vector_load %arg7[%parallel_loop3A_185, %parallel_loop3A_186] {strides = array<i32>} : memref<64x512xf32, #tpu.memory_space<vmem>>, vector<16xf32>,
      %parallel_loop3A_188 = arith.index_cast %parallel_loop3A_180 : i32 to index
      %parallel_loop3A_189 = arith.index_cast %parallel_loop3A_184 : i32 to index
      %parallel_loop3A_190 = tpu.vector_load %arg5[%parallel_loop3A_188, %parallel_loop3A_189] {strides = array<i32>} : memref<64x512xi32, #tpu.memory_space<vmem>>, vector<16xi32>,
      %parallel_loop3A_191 = vector.bitcast %parallel_loop3A_187 : vector<16xf32> to vector<16xi32>
      %parallel_loop3A_192 = arith.constant 31 : i32
      %parallel_loop3A_193 = vector.broadcast %parallel_loop3A_192 : i32 to vector<16xi32>
      %parallel_loop3A_194 = arith.shli %parallel_loop3A_190, %parallel_loop3A_193 : vector<16xi32>
      %parallel_loop3A_195 = arith.xori %parallel_loop3A_191, %parallel_loop3A_194 : vector<16xi32>
      %parallel_loop3A_196 = vector.bitcast %parallel_loop3A_195 : vector<16xi32> to vector<16xf32>
      %parallel_loop3A_197 = arith.constant 1.000000e+00 : f32
      %parallel_loop3A_198 = vector.broadcast %parallel_loop3A_197 : f32 to vector<16xf32>
      %parallel_loop3A_199 = arith.addf %parallel_loop3A_198, %parallel_loop3A_196 : vector<16xf32>
      %parallel_loop3A_200 = arith.constant 7.98999977 : f32
      %parallel_loop3A_201 = vector.broadcast %parallel_loop3A_200 : f32 to vector<16xf32>
      %parallel_loop3A_202 = arith.minimumf %parallel_loop3A_199, %parallel_loop3A_201 : vector<16xf32>
      %parallel_loop3A_203 = arith.constant 1.280000e+02 : f32
      %parallel_loop3A_204 = vector.broadcast %parallel_loop3A_203 : f32 to vector<16xf32>
      %parallel_loop3A_205 = arith.mulf %parallel_loop3A_202, %parallel_loop3A_204 : vector<16xf32>
      %parallel_loop3A_206 = vector.broadcast %parallel_loop3A_170 : f32 to vector<16xf32>
      %parallel_loop3A_207 = arith.addf %parallel_loop3A_205, %parallel_loop3A_206 : vector<16xf32>
      %parallel_loop3A_208 = vector.bitcast %parallel_loop3A_207 : vector<16xf32> to vector<16xi32>
      %parallel_loop3A_209 = arith.constant 1023 : i32
      %parallel_loop3A_210 = vector.broadcast %parallel_loop3A_209 : i32 to vector<16xi32>
      %parallel_loop3A_211 = arith.andi %parallel_loop3A_208, %parallel_loop3A_210 : vector<16xi32>
      %parallel_loop3A_212 = arith.constant 12 : i32
      %parallel_loop3A_213 = vector.broadcast %parallel_loop3A_212 : i32 to vector<16xi32>
      %parallel_loop3A_214 = arith.shli %parallel_loop3A_190, %parallel_loop3A_213 : vector<16xi32>
      %parallel_loop3A_215 = arith.ori %parallel_loop3A_211, %parallel_loop3A_214 : vector<16xi32>
      %parallel_loop3A_216 = arith.constant 3072 : i32
      %parallel_loop3A_217 = vector.broadcast %parallel_loop3A_216 : i32 to vector<16xi32>
      %parallel_loop3A_218 = arith.ori %parallel_loop3A_215, %parallel_loop3A_217 : vector<16xi32>
      %parallel_loop3A_219 = arith.constant 0.000000e+00 : f32
      %parallel_loop3A_220 = vector.broadcast %parallel_loop3A_219 : f32 to vector<16xf32>
      %parallel_loop3A_221 = arith.cmpf ogt, %parallel_loop3A_199, %parallel_loop3A_220 : vector<16xf32>
      %parallel_loop3A_222 = arith.constant 1.024000e+03 : f32
      %parallel_loop3A_223 = vector.broadcast %parallel_loop3A_222 : f32 to vector<16xf32>
      %parallel_loop3A_224 = arith.addf %parallel_loop3A_199, %parallel_loop3A_223 : vector<16xf32>
      tpu.vector_store_idx %arg8[%parallel_loop3A_218], %parallel_loop3A_224 masked %parallel_loop3A_221 {add = true} : memref<8192xf32, #tpu.memory_space<vmem>>[vector<16xi32>], vector<16xf32>, vector<16xi1>
    } {sc.loop_unroll_factor = 8 : i64, sc.parallel_access}
    %run_scoped3A = arith.constant 0 : i32
    "tpu.region"() ({
      %run_scoped3A_178 = tpu.sem_alloc : memref<!tpu.dma_semaphore, #tpu.memory_space<semaphore_mem>>
      %dma_start3A_179 = arith.constant 0 : i32
      %dma_start3A_180 = tpu.memref_slice %arg8[%dma_start3A_179] : memref<8192xf32, #tpu.memory_space<vmem>> -> memref<1024xf32, #tpu.memory_space<vmem>>
      %dma_start3A_181 = arith.constant 0 : i32
      %dma_start3A_182 = tpu.memref_slice %arg4[%add3A, %run_scoped3A, %dma_start3A_181] : memref<32x8x1024xf32, #tpu.memory_space<hbm>> -> memref<1x1x1024xf32, #tpu.memory_space<hbm>>
      %dma_start3A_183 = tpu.memref_squeeze %dma_start3A_182 : memref<1x1x1024xf32, #tpu.memory_space<hbm>> -> memref<1024xf32, #tpu.memory_space<hbm>>
      %dma_start3A_184 = arith.constant 0 : i32
      %dma_start3A_185 = tpu.memref_slice %arg4[%add3A, %run_scoped3A, %dma_start3A_184] : memref<32x8x1024xf32, #tpu.memory_space<hbm>> -> memref<1x1x1024xf32, #tpu.memory_space<hbm>>
      %dma_start3A_186 = tpu.memref_squeeze %dma_start3A_185 : memref<1x1x1024xf32, #tpu.memory_space<hbm>> -> memref<1024xf32, #tpu.memory_space<hbm>>
      %dma_start3A_187 = arith.constant 0 : i32
      %dma_start3A_188 = tpu.memref_slice %arg8[%dma_start3A_187] : memref<8192xf32, #tpu.memory_space<vmem>> -> memref<1024xf32, #tpu.memory_space<vmem>>
      tpu.enqueue_dma source(%dma_start3A_188 : memref<1024xf32, #tpu.memory_space<vmem>>) target(%dma_start3A_186 : memref<1024xf32, #tpu.memory_space<hbm>>) target_semaphore(%run_scoped3A_178 : memref<!tpu.dma_semaphore, #tpu.memory_space<semaphore_mem>>)
      %dma_wait3A_189 = arith.constant 0 : i32
      %dma_wait3A_190 = tpu.memref_slice %arg8[%dma_wait3A_189] : memref<8192xf32, #tpu.memory_space<vmem>> -> memref<1024xf32, #tpu.memory_space<vmem>>
      %dma_wait3A_191 = arith.constant 0 : i32
      %dma_wait3A_192 = tpu.memref_slice %arg4[%add3A, %run_scoped3A, %dma_wait3A_191] : memref<32x8x1024xf32, #tpu.memory_space<hbm>> -> memref<1x1x1024xf32, #tpu.memory_space<hbm>>
      %dma_wait3A_193 = tpu.memref_squeeze %dma_wait3A_192 : memref<1x1x1024xf32, #tpu.memory_space<hbm>> -> memref<1024xf32, #tpu.memory_space<hbm>>
      %dma_wait3A_194 = arith.constant 0 : i32
      %dma_wait3A_195 = tpu.memref_slice %arg4[%add3A, %run_scoped3A, %dma_wait3A_194] : memref<32x8x1024xf32, #tpu.memory_space<hbm>> -> memref<1x1x1024xf32, #tpu.memory_space<hbm>>
      %dma_wait3A_196 = tpu.memref_squeeze %dma_wait3A_195 : memref<1x1x1024xf32, #tpu.memory_space<hbm>> -> memref<1024xf32, #tpu.memory_space<hbm>>
      %dma_wait3A_197 = arith.constant 0 : i32
      %dma_wait3A_198 = tpu.memref_slice %arg8[%dma_wait3A_197] : memref<8192xf32, #tpu.memory_space<vmem>> -> memref<1024xf32, #tpu.memory_space<vmem>>
      tpu.wait_dma2 semaphore(%run_scoped3A_178 : memref<!tpu.dma_semaphore, #tpu.memory_space<semaphore_mem>>) src(%dma_wait3A_198 : memref<1024xf32, #tpu.memory_space<vmem>>) dst(%dma_wait3A_196 : memref<1024xf32, #tpu.memory_space<hbm>>)
      tpu.yield
    }) : () -> ()
    %run_scoped3A_171 = arith.constant 1 : i32
    "tpu.region"() ({
      %run_scoped3A_178 = tpu.sem_alloc : memref<!tpu.dma_semaphore, #tpu.memory_space<semaphore_mem>>
      %dma_start3A_179 = arith.constant 1024 : i32
      %dma_start3A_180 = tpu.memref_slice %arg8[%dma_start3A_179] : memref<8192xf32, #tpu.memory_space<vmem>> -> memref<1024xf32, #tpu.memory_space<vmem>>
      %dma_start3A_181 = arith.constant 0 : i32
      %dma_start3A_182 = tpu.memref_slice %arg4[%add3A, %run_scoped3A_171, %dma_start3A_181] : memref<32x8x1024xf32, #tpu.memory_space<hbm>> -> memref<1x1x1024xf32, #tpu.memory_space<hbm>>
      %dma_start3A_183 = tpu.memref_squeeze %dma_start3A_182 : memref<1x1x1024xf32, #tpu.memory_space<hbm>> -> memref<1024xf32, #tpu.memory_space<hbm>>
      %dma_start3A_184 = arith.constant 0 : i32
      %dma_start3A_185 = tpu.memref_slice %arg4[%add3A, %run_scoped3A_171, %dma_start3A_184] : memref<32x8x1024xf32, #tpu.memory_space<hbm>> -> memref<1x1x1024xf32, #tpu.memory_space<hbm>>
      %dma_start3A_186 = tpu.memref_squeeze %dma_start3A_185 : memref<1x1x1024xf32, #tpu.memory_space<hbm>> -> memref<1024xf32, #tpu.memory_space<hbm>>
      %dma_start3A_187 = arith.constant 1024 : i32
      %dma_start3A_188 = tpu.memref_slice %arg8[%dma_start3A_187] : memref<8192xf32, #tpu.memory_space<vmem>> -> memref<1024xf32, #tpu.memory_space<vmem>>
      tpu.enqueue_dma source(%dma_start3A_188 : memref<1024xf32, #tpu.memory_space<vmem>>) target(%dma_start3A_186 : memref<1024xf32, #tpu.memory_space<hbm>>) target_semaphore(%run_scoped3A_178 : memref<!tpu.dma_semaphore, #tpu.memory_space<semaphore_mem>>)
      %dma_wait3A_189 = arith.constant 1024 : i32
      %dma_wait3A_190 = tpu.memref_slice %arg8[%dma_wait3A_189] : memref<8192xf32, #tpu.memory_space<vmem>> -> memref<1024xf32, #tpu.memory_space<vmem>>
      %dma_wait3A_191 = arith.constant 0 : i32
      %dma_wait3A_192 = tpu.memref_slice %arg4[%add3A, %run_scoped3A_171, %dma_wait3A_191] : memref<32x8x1024xf32, #tpu.memory_space<hbm>> -> memref<1x1x1024xf32, #tpu.memory_space<hbm>>
      %dma_wait3A_193 = tpu.memref_squeeze %dma_wait3A_192 : memref<1x1x1024xf32, #tpu.memory_space<hbm>> -> memref<1024xf32, #tpu.memory_space<hbm>>
      %dma_wait3A_194 = arith.constant 0 : i32
      %dma_wait3A_195 = tpu.memref_slice %arg4[%add3A, %run_scoped3A_171, %dma_wait3A_194] : memref<32x8x1024xf32, #tpu.memory_space<hbm>> -> memref<1x1x1024xf32, #tpu.memory_space<hbm>>
      %dma_wait3A_196 = tpu.memref_squeeze %dma_wait3A_195 : memref<1x1x1024xf32, #tpu.memory_space<hbm>> -> memref<1024xf32, #tpu.memory_space<hbm>>
      %dma_wait3A_197 = arith.constant 1024 : i32
      %dma_wait3A_198 = tpu.memref_slice %arg8[%dma_wait3A_197] : memref<8192xf32, #tpu.memory_space<vmem>> -> memref<1024xf32, #tpu.memory_space<vmem>>
      tpu.wait_dma2 semaphore(%run_scoped3A_178 : memref<!tpu.dma_semaphore, #tpu.memory_space<semaphore_mem>>) src(%dma_wait3A_198 : memref<1024xf32, #tpu.memory_space<vmem>>) dst(%dma_wait3A_196 : memref<1024xf32, #tpu.memory_space<hbm>>)
      tpu.yield
    }) : () -> ()
    %run_scoped3A_172 = arith.constant 2 : i32
    "tpu.region"() ({
      %run_scoped3A_178 = tpu.sem_alloc : memref<!tpu.dma_semaphore, #tpu.memory_space<semaphore_mem>>
      %dma_start3A_179 = arith.constant 2048 : i32
      %dma_start3A_180 = tpu.memref_slice %arg8[%dma_start3A_179] : memref<8192xf32, #tpu.memory_space<vmem>> -> memref<1024xf32, #tpu.memory_space<vmem>>
      %dma_start3A_181 = arith.constant 0 : i32
      %dma_start3A_182 = tpu.memref_slice %arg4[%add3A, %run_scoped3A_172, %dma_start3A_181] : memref<32x8x1024xf32, #tpu.memory_space<hbm>> -> memref<1x1x1024xf32, #tpu.memory_space<hbm>>
      %dma_start3A_183 = tpu.memref_squeeze %dma_start3A_182 : memref<1x1x1024xf32, #tpu.memory_space<hbm>> -> memref<1024xf32, #tpu.memory_space<hbm>>
      %dma_start3A_184 = arith.constant 0 : i32
      %dma_start3A_185 = tpu.memref_slice %arg4[%add3A, %run_scoped3A_172, %dma_start3A_184] : memref<32x8x1024xf32, #tpu.memory_space<hbm>> -> memref<1x1x1024xf32, #tpu.memory_space<hbm>>
      %dma_start3A_186 = tpu.memref_squeeze %dma_start3A_185 : memref<1x1x1024xf32, #tpu.memory_space<hbm>> -> memref<1024xf32, #tpu.memory_space<hbm>>
      %dma_start3A_187 = arith.constant 2048 : i32
      %dma_start3A_188 = tpu.memref_slice %arg8[%dma_start3A_187] : memref<8192xf32, #tpu.memory_space<vmem>> -> memref<1024xf32, #tpu.memory_space<vmem>>
      tpu.enqueue_dma source(%dma_start3A_188 : memref<1024xf32, #tpu.memory_space<vmem>>) target(%dma_start3A_186 : memref<1024xf32, #tpu.memory_space<hbm>>) target_semaphore(%run_scoped3A_178 : memref<!tpu.dma_semaphore, #tpu.memory_space<semaphore_mem>>)
      %dma_wait3A_189 = arith.constant 2048 : i32
      %dma_wait3A_190 = tpu.memref_slice %arg8[%dma_wait3A_189] : memref<8192xf32, #tpu.memory_space<vmem>> -> memref<1024xf32, #tpu.memory_space<vmem>>
      %dma_wait3A_191 = arith.constant 0 : i32
      %dma_wait3A_192 = tpu.memref_slice %arg4[%add3A, %run_scoped3A_172, %dma_wait3A_191] : memref<32x8x1024xf32, #tpu.memory_space<hbm>> -> memref<1x1x1024xf32, #tpu.memory_space<hbm>>
      %dma_wait3A_193 = tpu.memref_squeeze %dma_wait3A_192 : memref<1x1x1024xf32, #tpu.memory_space<hbm>> -> memref<1024xf32, #tpu.memory_space<hbm>>
      %dma_wait3A_194 = arith.constant 0 : i32
      %dma_wait3A_195 = tpu.memref_slice %arg4[%add3A, %run_scoped3A_172, %dma_wait3A_194] : memref<32x8x1024xf32, #tpu.memory_space<hbm>> -> memref<1x1x1024xf32, #tpu.memory_space<hbm>>
      %dma_wait3A_196 = tpu.memref_squeeze %dma_wait3A_195 : memref<1x1x1024xf32, #tpu.memory_space<hbm>> -> memref<1024xf32, #tpu.memory_space<hbm>>
      %dma_wait3A_197 = arith.constant 2048 : i32
      %dma_wait3A_198 = tpu.memref_slice %arg8[%dma_wait3A_197] : memref<8192xf32, #tpu.memory_space<vmem>> -> memref<1024xf32, #tpu.memory_space<vmem>>
      tpu.wait_dma2 semaphore(%run_scoped3A_178 : memref<!tpu.dma_semaphore, #tpu.memory_space<semaphore_mem>>) src(%dma_wait3A_198 : memref<1024xf32, #tpu.memory_space<vmem>>) dst(%dma_wait3A_196 : memref<1024xf32, #tpu.memory_space<hbm>>)
      tpu.yield
    }) : () -> ()
    %run_scoped3A_173 = arith.constant 3 : i32
    "tpu.region"() ({
      %run_scoped3A_178 = tpu.sem_alloc : memref<!tpu.dma_semaphore, #tpu.memory_space<semaphore_mem>>
      %dma_start3A_179 = arith.constant 3072 : i32
      %dma_start3A_180 = tpu.memref_slice %arg8[%dma_start3A_179] : memref<8192xf32, #tpu.memory_space<vmem>> -> memref<1024xf32, #tpu.memory_space<vmem>>
      %dma_start3A_181 = arith.constant 0 : i32
      %dma_start3A_182 = tpu.memref_slice %arg4[%add3A, %run_scoped3A_173, %dma_start3A_181] : memref<32x8x1024xf32, #tpu.memory_space<hbm>> -> memref<1x1x1024xf32, #tpu.memory_space<hbm>>
      %dma_start3A_183 = tpu.memref_squeeze %dma_start3A_182 : memref<1x1x1024xf32, #tpu.memory_space<hbm>> -> memref<1024xf32, #tpu.memory_space<hbm>>
      %dma_start3A_184 = arith.constant 0 : i32
      %dma_start3A_185 = tpu.memref_slice %arg4[%add3A, %run_scoped3A_173, %dma_start3A_184] : memref<32x8x1024xf32, #tpu.memory_space<hbm>> -> memref<1x1x1024xf32, #tpu.memory_space<hbm>>
      %dma_start3A_186 = tpu.memref_squeeze %dma_start3A_185 : memref<1x1x1024xf32, #tpu.memory_space<hbm>> -> memref<1024xf32, #tpu.memory_space<hbm>>
      %dma_start3A_187 = arith.constant 3072 : i32
      %dma_start3A_188 = tpu.memref_slice %arg8[%dma_start3A_187] : memref<8192xf32, #tpu.memory_space<vmem>> -> memref<1024xf32, #tpu.memory_space<vmem>>
      tpu.enqueue_dma source(%dma_start3A_188 : memref<1024xf32, #tpu.memory_space<vmem>>) target(%dma_start3A_186 : memref<1024xf32, #tpu.memory_space<hbm>>) target_semaphore(%run_scoped3A_178 : memref<!tpu.dma_semaphore, #tpu.memory_space<semaphore_mem>>)
      %dma_wait3A_189 = arith.constant 3072 : i32
      %dma_wait3A_190 = tpu.memref_slice %arg8[%dma_wait3A_189] : memref<8192xf32, #tpu.memory_space<vmem>> -> memref<1024xf32, #tpu.memory_space<vmem>>
      %dma_wait3A_191 = arith.constant 0 : i32
      %dma_wait3A_192 = tpu.memref_slice %arg4[%add3A, %run_scoped3A_173, %dma_wait3A_191] : memref<32x8x1024xf32, #tpu.memory_space<hbm>> -> memref<1x1x1024xf32, #tpu.memory_space<hbm>>
      %dma_wait3A_193 = tpu.memref_squeeze %dma_wait3A_192 : memref<1x1x1024xf32, #tpu.memory_space<hbm>> -> memref<1024xf32, #tpu.memory_space<hbm>>
      %dma_wait3A_194 = arith.constant 0 : i32
      %dma_wait3A_195 = tpu.memref_slice %arg4[%add3A, %run_scoped3A_173, %dma_wait3A_194] : memref<32x8x1024xf32, #tpu.memory_space<hbm>> -> memref<1x1x1024xf32, #tpu.memory_space<hbm>>
      %dma_wait3A_196 = tpu.memref_squeeze %dma_wait3A_195 : memref<1x1x1024xf32, #tpu.memory_space<hbm>> -> memref<1024xf32, #tpu.memory_space<hbm>>
      %dma_wait3A_197 = arith.constant 3072 : i32
      %dma_wait3A_198 = tpu.memref_slice %arg8[%dma_wait3A_197] : memref<8192xf32, #tpu.memory_space<vmem>> -> memref<1024xf32, #tpu.memory_space<vmem>>
      tpu.wait_dma2 semaphore(%run_scoped3A_178 : memref<!tpu.dma_semaphore, #tpu.memory_space<semaphore_mem>>) src(%dma_wait3A_198 : memref<1024xf32, #tpu.memory_space<vmem>>) dst(%dma_wait3A_196 : memref<1024xf32, #tpu.memory_space<hbm>>)
      tpu.yield
    }) : () -> ()
    %run_scoped3A_174 = arith.constant 4 : i32
    "tpu.region"() ({
      %run_scoped3A_178 = tpu.sem_alloc : memref<!tpu.dma_semaphore, #tpu.memory_space<semaphore_mem>>
      %dma_start3A_179 = arith.constant 4096 : i32
      %dma_start3A_180 = tpu.memref_slice %arg8[%dma_start3A_179] : memref<8192xf32, #tpu.memory_space<vmem>> -> memref<1024xf32, #tpu.memory_space<vmem>>
      %dma_start3A_181 = arith.constant 0 : i32
      %dma_start3A_182 = tpu.memref_slice %arg4[%add3A, %run_scoped3A_174, %dma_start3A_181] : memref<32x8x1024xf32, #tpu.memory_space<hbm>> -> memref<1x1x1024xf32, #tpu.memory_space<hbm>>
      %dma_start3A_183 = tpu.memref_squeeze %dma_start3A_182 : memref<1x1x1024xf32, #tpu.memory_space<hbm>> -> memref<1024xf32, #tpu.memory_space<hbm>>
      %dma_start3A_184 = arith.constant 0 : i32
      %dma_start3A_185 = tpu.memref_slice %arg4[%add3A, %run_scoped3A_174, %dma_start3A_184] : memref<32x8x1024xf32, #tpu.memory_space<hbm>> -> memref<1x1x1024xf32, #tpu.memory_space<hbm>>
      %dma_start3A_186 = tpu.memref_squeeze %dma_start3A_185 : memref<1x1x1024xf32, #tpu.memory_space<hbm>> -> memref<1024xf32, #tpu.memory_space<hbm>>
      %dma_start3A_187 = arith.constant 4096 : i32
      %dma_start3A_188 = tpu.memref_slice %arg8[%dma_start3A_187] : memref<8192xf32, #tpu.memory_space<vmem>> -> memref<1024xf32, #tpu.memory_space<vmem>>
      tpu.enqueue_dma source(%dma_start3A_188 : memref<1024xf32, #tpu.memory_space<vmem>>) target(%dma_start3A_186 : memref<1024xf32, #tpu.memory_space<hbm>>) target_semaphore(%run_scoped3A_178 : memref<!tpu.dma_semaphore, #tpu.memory_space<semaphore_mem>>)
      %dma_wait3A_189 = arith.constant 4096 : i32
      %dma_wait3A_190 = tpu.memref_slice %arg8[%dma_wait3A_189] : memref<8192xf32, #tpu.memory_space<vmem>> -> memref<1024xf32, #tpu.memory_space<vmem>>
      %dma_wait3A_191 = arith.constant 0 : i32
      %dma_wait3A_192 = tpu.memref_slice %arg4[%add3A, %run_scoped3A_174, %dma_wait3A_191] : memref<32x8x1024xf32, #tpu.memory_space<hbm>> -> memref<1x1x1024xf32, #tpu.memory_space<hbm>>
      %dma_wait3A_193 = tpu.memref_squeeze %dma_wait3A_192 : memref<1x1x1024xf32, #tpu.memory_space<hbm>> -> memref<1024xf32, #tpu.memory_space<hbm>>
      %dma_wait3A_194 = arith.constant 0 : i32
      %dma_wait3A_195 = tpu.memref_slice %arg4[%add3A, %run_scoped3A_174, %dma_wait3A_194] : memref<32x8x1024xf32, #tpu.memory_space<hbm>> -> memref<1x1x1024xf32, #tpu.memory_space<hbm>>
      %dma_wait3A_196 = tpu.memref_squeeze %dma_wait3A_195 : memref<1x1x1024xf32, #tpu.memory_space<hbm>> -> memref<1024xf32, #tpu.memory_space<hbm>>
      %dma_wait3A_197 = arith.constant 4096 : i32
      %dma_wait3A_198 = tpu.memref_slice %arg8[%dma_wait3A_197] : memref<8192xf32, #tpu.memory_space<vmem>> -> memref<1024xf32, #tpu.memory_space<vmem>>
      tpu.wait_dma2 semaphore(%run_scoped3A_178 : memref<!tpu.dma_semaphore, #tpu.memory_space<semaphore_mem>>) src(%dma_wait3A_198 : memref<1024xf32, #tpu.memory_space<vmem>>) dst(%dma_wait3A_196 : memref<1024xf32, #tpu.memory_space<hbm>>)
      tpu.yield
    }) : () -> ()
    %run_scoped3A_175 = arith.constant 5 : i32
    "tpu.region"() ({
      %run_scoped3A_178 = tpu.sem_alloc : memref<!tpu.dma_semaphore, #tpu.memory_space<semaphore_mem>>
      %dma_start3A_179 = arith.constant 5120 : i32
      %dma_start3A_180 = tpu.memref_slice %arg8[%dma_start3A_179] : memref<8192xf32, #tpu.memory_space<vmem>> -> memref<1024xf32, #tpu.memory_space<vmem>>
      %dma_start3A_181 = arith.constant 0 : i32
      %dma_start3A_182 = tpu.memref_slice %arg4[%add3A, %run_scoped3A_175, %dma_start3A_181] : memref<32x8x1024xf32, #tpu.memory_space<hbm>> -> memref<1x1x1024xf32, #tpu.memory_space<hbm>>
      %dma_start3A_183 = tpu.memref_squeeze %dma_start3A_182 : memref<1x1x1024xf32, #tpu.memory_space<hbm>> -> memref<1024xf32, #tpu.memory_space<hbm>>
      %dma_start3A_184 = arith.constant 0 : i32
      %dma_start3A_185 = tpu.memref_slice %arg4[%add3A, %run_scoped3A_175, %dma_start3A_184] : memref<32x8x1024xf32, #tpu.memory_space<hbm>> -> memref<1x1x1024xf32, #tpu.memory_space<hbm>>
      %dma_start3A_186 = tpu.memref_squeeze %dma_start3A_185 : memref<1x1x1024xf32, #tpu.memory_space<hbm>> -> memref<1024xf32, #tpu.memory_space<hbm>>
      %dma_start3A_187 = arith.constant 5120 : i32
      %dma_start3A_188 = tpu.memref_slice %arg8[%dma_start3A_187] : memref<8192xf32, #tpu.memory_space<vmem>> -> memref<1024xf32, #tpu.memory_space<vmem>>
      tpu.enqueue_dma source(%dma_start3A_188 : memref<1024xf32, #tpu.memory_space<vmem>>) target(%dma_start3A_186 : memref<1024xf32, #tpu.memory_space<hbm>>) target_semaphore(%run_scoped3A_178 : memref<!tpu.dma_semaphore, #tpu.memory_space<semaphore_mem>>)
      %dma_wait3A_189 = arith.constant 5120 : i32
      %dma_wait3A_190 = tpu.memref_slice %arg8[%dma_wait3A_189] : memref<8192xf32, #tpu.memory_space<vmem>> -> memref<1024xf32, #tpu.memory_space<vmem>>
      %dma_wait3A_191 = arith.constant 0 : i32
      %dma_wait3A_192 = tpu.memref_slice %arg4[%add3A, %run_scoped3A_175, %dma_wait3A_191] : memref<32x8x1024xf32, #tpu.memory_space<hbm>> -> memref<1x1x1024xf32, #tpu.memory_space<hbm>>
      %dma_wait3A_193 = tpu.memref_squeeze %dma_wait3A_192 : memref<1x1x1024xf32, #tpu.memory_space<hbm>> -> memref<1024xf32, #tpu.memory_space<hbm>>
      %dma_wait3A_194 = arith.constant 0 : i32
      %dma_wait3A_195 = tpu.memref_slice %arg4[%add3A, %run_scoped3A_175, %dma_wait3A_194] : memref<32x8x1024xf32, #tpu.memory_space<hbm>> -> memref<1x1x1024xf32, #tpu.memory_space<hbm>>
      %dma_wait3A_196 = tpu.memref_squeeze %dma_wait3A_195 : memref<1x1x1024xf32, #tpu.memory_space<hbm>> -> memref<1024xf32, #tpu.memory_space<hbm>>
      %dma_wait3A_197 = arith.constant 5120 : i32
      %dma_wait3A_198 = tpu.memref_slice %arg8[%dma_wait3A_197] : memref<8192xf32, #tpu.memory_space<vmem>> -> memref<1024xf32, #tpu.memory_space<vmem>>
      tpu.wait_dma2 semaphore(%run_scoped3A_178 : memref<!tpu.dma_semaphore, #tpu.memory_space<semaphore_mem>>) src(%dma_wait3A_198 : memref<1024xf32, #tpu.memory_space<vmem>>) dst(%dma_wait3A_196 : memref<1024xf32, #tpu.memory_space<hbm>>)
      tpu.yield
    }) : () -> ()
    %run_scoped3A_176 = arith.constant 6 : i32
    "tpu.region"() ({
      %run_scoped3A_178 = tpu.sem_alloc : memref<!tpu.dma_semaphore, #tpu.memory_space<semaphore_mem>>
      %dma_start3A_179 = arith.constant 6144 : i32
      %dma_start3A_180 = tpu.memref_slice %arg8[%dma_start3A_179] : memref<8192xf32, #tpu.memory_space<vmem>> -> memref<1024xf32, #tpu.memory_space<vmem>>
      %dma_start3A_181 = arith.constant 0 : i32
      %dma_start3A_182 = tpu.memref_slice %arg4[%add3A, %run_scoped3A_176, %dma_start3A_181] : memref<32x8x1024xf32, #tpu.memory_space<hbm>> -> memref<1x1x1024xf32, #tpu.memory_space<hbm>>
      %dma_start3A_183 = tpu.memref_squeeze %dma_start3A_182 : memref<1x1x1024xf32, #tpu.memory_space<hbm>> -> memref<1024xf32, #tpu.memory_space<hbm>>
      %dma_start3A_184 = arith.constant 0 : i32
      %dma_start3A_185 = tpu.memref_slice %arg4[%add3A, %run_scoped3A_176, %dma_start3A_184] : memref<32x8x1024xf32, #tpu.memory_space<hbm>> -> memref<1x1x1024xf32, #tpu.memory_space<hbm>>
      %dma_start3A_186 = tpu.memref_squeeze %dma_start3A_185 : memref<1x1x1024xf32, #tpu.memory_space<hbm>> -> memref<1024xf32, #tpu.memory_space<hbm>>
      %dma_start3A_187 = arith.constant 6144 : i32
      %dma_start3A_188 = tpu.memref_slice %arg8[%dma_start3A_187] : memref<8192xf32, #tpu.memory_space<vmem>> -> memref<1024xf32, #tpu.memory_space<vmem>>
      tpu.enqueue_dma source(%dma_start3A_188 : memref<1024xf32, #tpu.memory_space<vmem>>) target(%dma_start3A_186 : memref<1024xf32, #tpu.memory_space<hbm>>) target_semaphore(%run_scoped3A_178 : memref<!tpu.dma_semaphore, #tpu.memory_space<semaphore_mem>>)
      %dma_wait3A_189 = arith.constant 6144 : i32
      %dma_wait3A_190 = tpu.memref_slice %arg8[%dma_wait3A_189] : memref<8192xf32, #tpu.memory_space<vmem>> -> memref<1024xf32, #tpu.memory_space<vmem>>
      %dma_wait3A_191 = arith.constant 0 : i32
      %dma_wait3A_192 = tpu.memref_slice %arg4[%add3A, %run_scoped3A_176, %dma_wait3A_191] : memref<32x8x1024xf32, #tpu.memory_space<hbm>> -> memref<1x1x1024xf32, #tpu.memory_space<hbm>>
      %dma_wait3A_193 = tpu.memref_squeeze %dma_wait3A_192 : memref<1x1x1024xf32, #tpu.memory_space<hbm>> -> memref<1024xf32, #tpu.memory_space<hbm>>
      %dma_wait3A_194 = arith.constant 0 : i32
      %dma_wait3A_195 = tpu.memref_slice %arg4[%add3A, %run_scoped3A_176, %dma_wait3A_194] : memref<32x8x1024xf32, #tpu.memory_space<hbm>> -> memref<1x1x1024xf32, #tpu.memory_space<hbm>>
      %dma_wait3A_196 = tpu.memref_squeeze %dma_wait3A_195 : memref<1x1x1024xf32, #tpu.memory_space<hbm>> -> memref<1024xf32, #tpu.memory_space<hbm>>
      %dma_wait3A_197 = arith.constant 6144 : i32
      %dma_wait3A_198 = tpu.memref_slice %arg8[%dma_wait3A_197] : memref<8192xf32, #tpu.memory_space<vmem>> -> memref<1024xf32, #tpu.memory_space<vmem>>
      tpu.wait_dma2 semaphore(%run_scoped3A_178 : memref<!tpu.dma_semaphore, #tpu.memory_space<semaphore_mem>>) src(%dma_wait3A_198 : memref<1024xf32, #tpu.memory_space<vmem>>) dst(%dma_wait3A_196 : memref<1024xf32, #tpu.memory_space<hbm>>)
      tpu.yield
    }) : () -> ()
    %run_scoped3A_177 = arith.constant 7 : i32
    "tpu.region"() ({
      %run_scoped3A_178 = tpu.sem_alloc : memref<!tpu.dma_semaphore, #tpu.memory_space<semaphore_mem>>
      %dma_start3A_179 = arith.constant 7168 : i32
      %dma_start3A_180 = tpu.memref_slice %arg8[%dma_start3A_179] : memref<8192xf32, #tpu.memory_space<vmem>> -> memref<1024xf32, #tpu.memory_space<vmem>>
      %dma_start3A_181 = arith.constant 0 : i32
      %dma_start3A_182 = tpu.memref_slice %arg4[%add3A, %run_scoped3A_177, %dma_start3A_181] : memref<32x8x1024xf32, #tpu.memory_space<hbm>> -> memref<1x1x1024xf32, #tpu.memory_space<hbm>>
      %dma_start3A_183 = tpu.memref_squeeze %dma_start3A_182 : memref<1x1x1024xf32, #tpu.memory_space<hbm>> -> memref<1024xf32, #tpu.memory_space<hbm>>
      %dma_start3A_184 = arith.constant 0 : i32
      %dma_start3A_185 = tpu.memref_slice %arg4[%add3A, %run_scoped3A_177, %dma_start3A_184] : memref<32x8x1024xf32, #tpu.memory_space<hbm>> -> memref<1x1x1024xf32, #tpu.memory_space<hbm>>
      %dma_start3A_186 = tpu.memref_squeeze %dma_start3A_185 : memref<1x1x1024xf32, #tpu.memory_space<hbm>> -> memref<1024xf32, #tpu.memory_space<hbm>>
      %dma_start3A_187 = arith.constant 7168 : i32
      %dma_start3A_188 = tpu.memref_slice %arg8[%dma_start3A_187] : memref<8192xf32, #tpu.memory_space<vmem>> -> memref<1024xf32, #tpu.memory_space<vmem>>
      tpu.enqueue_dma source(%dma_start3A_188 : memref<1024xf32, #tpu.memory_space<vmem>>) target(%dma_start3A_186 : memref<1024xf32, #tpu.memory_space<hbm>>) target_semaphore(%run_scoped3A_178 : memref<!tpu.dma_semaphore, #tpu.memory_space<semaphore_mem>>)
      %dma_wait3A_189 = arith.constant 7168 : i32
      %dma_wait3A_190 = tpu.memref_slice %arg8[%dma_wait3A_189] : memref<8192xf32, #tpu.memory_space<vmem>> -> memref<1024xf32, #tpu.memory_space<vmem>>
      %dma_wait3A_191 = arith.constant 0 : i32
      %dma_wait3A_192 = tpu.memref_slice %arg4[%add3A, %run_scoped3A_177, %dma_wait3A_191] : memref<32x8x1024xf32, #tpu.memory_space<hbm>> -> memref<1x1x1024xf32, #tpu.memory_space<hbm>>
      %dma_wait3A_193 = tpu.memref_squeeze %dma_wait3A_192 : memref<1x1x1024xf32, #tpu.memory_space<hbm>> -> memref<1024xf32, #tpu.memory_space<hbm>>
      %dma_wait3A_194 = arith.constant 0 : i32
      %dma_wait3A_195 = tpu.memref_slice %arg4[%add3A, %run_scoped3A_177, %dma_wait3A_194] : memref<32x8x1024xf32, #tpu.memory_space<hbm>> -> memref<1x1x1024xf32, #tpu.memory_space<hbm>>
      %dma_wait3A_196 = tpu.memref_squeeze %dma_wait3A_195 : memref<1x1x1024xf32, #tpu.memory_space<hbm>> -> memref<1024xf32, #tpu.memory_space<hbm>>
      %dma_wait3A_197 = arith.constant 7168 : i32
      %dma_wait3A_198 = tpu.memref_slice %arg8[%dma_wait3A_197] : memref<8192xf32, #tpu.memory_space<vmem>> -> memref<1024xf32, #tpu.memory_space<vmem>>
      tpu.wait_dma2 semaphore(%run_scoped3A_178 : memref<!tpu.dma_semaphore, #tpu.memory_space<semaphore_mem>>) src(%dma_wait3A_198 : memref<1024xf32, #tpu.memory_space<vmem>>) dst(%dma_wait3A_196 : memref<1024xf32, #tpu.memory_space<hbm>>)
      tpu.yield
    }) : () -> ()
    return
  }
}

module attributes {stable_mosaic.version = 14 : i64} {
  func.func @_tc_bce_body(%arg0: i32, %arg1: memref<4x1x256x512xf32, #tpu.memory_space<vmem>>, %arg2: memref<1x256x512xi32, #tpu.memory_space<vmem>>, %arg3: memref<5xf32, #tpu.memory_space<smem>>, %arg4: memref<5xf32, #tpu.memory_space<smem>>) attributes {dimension_semantics = [#tpu.dimension_semantics<arbitrary>], iteration_bounds = array<i64: 16>, scalar_prefetch = 0 : i64, scratch_operands = 1 : i64, tpu.core_type = #tpu.core_type<tc>, window_params = [{transform_indices = @transform_0, window_bounds = array<i64: 4, 1, 256, 512>}, {transform_indices = @transform_1, window_bounds = array<i64: 1, 256, 512>}, {transform_indices = @transform_2, window_bounds = array<i64: 5>}]} {
    %eq3A = arith.constant 0 : i32
    %eq3A_0 = arith.cmpi eq, %arg0, %eq3A : i32
    %convert_element_type3A = arith.extui %eq3A_0 : i1 to i32
    %cond3A = arith.constant 0 : i32
    %cond3A_1 = arith.cmpi ne, %convert_element_type3A, %cond3A : i32
    scf.if %cond3A_1 {
      %swap3A_124 = arith.constant 0.000000e+00 : f32
      %swap3A_125 = arith.constant 0 : index
      %swap3A_126 = memref.load %arg4[%swap3A_125] : memref<5xf32, #tpu.memory_space<smem>>
      memref.store %swap3A_124, %arg4[%swap3A_125] : memref<5xf32, #tpu.memory_space<smem>>
      %swap3A_127 = arith.constant 0.000000e+00 : f32
      %swap3A_128 = arith.constant 1 : index
      %swap3A_129 = memref.load %arg4[%swap3A_128] : memref<5xf32, #tpu.memory_space<smem>>
      memref.store %swap3A_127, %arg4[%swap3A_128] : memref<5xf32, #tpu.memory_space<smem>>
      %swap3A_130 = arith.constant 0.000000e+00 : f32
      %swap3A_131 = arith.constant 2 : index
      %swap3A_132 = memref.load %arg4[%swap3A_131] : memref<5xf32, #tpu.memory_space<smem>>
      memref.store %swap3A_130, %arg4[%swap3A_131] : memref<5xf32, #tpu.memory_space<smem>>
      %swap3A_133 = arith.constant 0.000000e+00 : f32
      %swap3A_134 = arith.constant 3 : index
      %swap3A_135 = memref.load %arg4[%swap3A_134] : memref<5xf32, #tpu.memory_space<smem>>
      memref.store %swap3A_133, %arg4[%swap3A_134] : memref<5xf32, #tpu.memory_space<smem>>
      %swap3A_136 = arith.constant 0.000000e+00 : f32
      %swap3A_137 = arith.constant 4 : index
      %swap3A_138 = memref.load %arg4[%swap3A_137] : memref<5xf32, #tpu.memory_space<smem>>
      memref.store %swap3A_136, %arg4[%swap3A_137] : memref<5xf32, #tpu.memory_space<smem>>
    } else {
    }
    %get3A = arith.constant 0 : index
    %get3A_2 = arith.constant 0 : index
    %get3A_3 = arith.constant 0 : index
    %get3A_4 = vector.load %arg2[%get3A, %get3A_2, %get3A_3] : memref<1x256x512xi32, #tpu.memory_space<vmem>>, vector<1x256x512xi32>
    %get3A_5 = vector.shape_cast %get3A_4 : vector<1x256x512xi32> to vector<256x512xi32>
    %convert_element_type3A_6 = arith.sitofp %get3A_5 : vector<256x512xi32> to vector<256x512xf32>
    %get3A_7 = arith.constant 4 : index
    %get3A_8 = memref.load %arg4[%get3A_7] : memref<5xf32, #tpu.memory_space<smem>>
    %reduce_sum3A = vector.shape_cast %convert_element_type3A_6 : vector<256x512xf32> to vector<1x256x512xf32>
    %reduce_sum3A_9 = arith.constant dense<0.000000e+00> : vector<1xf32>
    %reduce_sum3A_10 = vector.multi_reduction <add>, %reduce_sum3A, %reduce_sum3A_9 [1, 2] : vector<1x256x512xf32> to vector<1xf32>
    %reduce_sum3A_11 = vector.shape_cast %reduce_sum3A_10 : vector<1xf32> to vector<1x1x1xf32>
    %reduce_sum3A_12 = vector.extract %reduce_sum3A_11[0, 0, 0] : f32 from vector<1x1x1xf32>
    %add3A = arith.addf %get3A_8, %reduce_sum3A_12 : f32
    %swap3A = arith.constant 4 : index
    %swap3A_13 = memref.load %arg4[%swap3A] : memref<5xf32, #tpu.memory_space<smem>>
    memref.store %add3A, %arg4[%swap3A] : memref<5xf32, #tpu.memory_space<smem>>
    %get3A_14 = arith.constant 0 : index
    %get3A_15 = arith.constant 0 : index
    %get3A_16 = arith.constant 0 : index
    %get3A_17 = arith.constant 0 : index
    %get3A_18 = vector.load %arg1[%get3A_14, %get3A_15, %get3A_16, %get3A_17] : memref<4x1x256x512xf32, #tpu.memory_space<vmem>>, vector<1x1x256x512xf32>
    %get3A_19 = vector.shape_cast %get3A_18 : vector<1x1x256x512xf32> to vector<256x512xf32>
    %max3A = arith.constant 0.000000e+00 : f32
    %max3A_20 = vector.broadcast %max3A : f32 to vector<256x512xf32>
    %max3A_21 = arith.maximumf %get3A_19, %max3A_20 : vector<256x512xf32>
    %mul3A = arith.mulf %get3A_19, %convert_element_type3A_6 : vector<256x512xf32>
    %sub3A = arith.subf %max3A_21, %mul3A : vector<256x512xf32>
    %abs3A = math.absf %get3A_19 : vector<256x512xf32>
    %neg3A = arith.constant 0.000000e+00 : f32
    %neg3A_22 = vector.broadcast %neg3A : f32 to vector<256x512xf32>
    %neg3A_23 = arith.subf %neg3A_22, %abs3A : vector<256x512xf32>
    %exp3A = math.exp %neg3A_23 : vector<256x512xf32>
    %log1p3A = math.log1p %exp3A : vector<256x512xf32>
    %add3A_24 = arith.addf %sub3A, %log1p3A : vector<256x512xf32>
    %get3A_25 = arith.constant 0 : index
    %get3A_26 = memref.load %arg4[%get3A_25] : memref<5xf32, #tpu.memory_space<smem>>
    %reduce_sum3A_27 = vector.shape_cast %add3A_24 : vector<256x512xf32> to vector<1x256x512xf32>
    %reduce_sum3A_28 = arith.constant dense<0.000000e+00> : vector<1xf32>
    %reduce_sum3A_29 = vector.multi_reduction <add>, %reduce_sum3A_27, %reduce_sum3A_28 [1, 2] : vector<1x256x512xf32> to vector<1xf32>
    %reduce_sum3A_30 = vector.shape_cast %reduce_sum3A_29 : vector<1xf32> to vector<1x1x1xf32>
    %reduce_sum3A_31 = vector.extract %reduce_sum3A_30[0, 0, 0] : f32 from vector<1x1x1xf32>
    %add3A_32 = arith.addf %get3A_26, %reduce_sum3A_31 : f32
    %swap3A_33 = arith.constant 0 : index
    %swap3A_34 = memref.load %arg4[%swap3A_33] : memref<5xf32, #tpu.memory_space<smem>>
    memref.store %add3A_32, %arg4[%swap3A_33] : memref<5xf32, #tpu.memory_space<smem>>
    %get3A_35 = arith.constant 1 : index
    %get3A_36 = arith.constant 0 : index
    %get3A_37 = arith.constant 0 : index
    %get3A_38 = arith.constant 0 : index
    %get3A_39 = vector.load %arg1[%get3A_35, %get3A_36, %get3A_37, %get3A_38] : memref<4x1x256x512xf32, #tpu.memory_space<vmem>>, vector<1x1x256x512xf32>
    %get3A_40 = vector.shape_cast %get3A_39 : vector<1x1x256x512xf32> to vector<256x512xf32>
    %max3A_41 = arith.constant 0.000000e+00 : f32
    %max3A_42 = vector.broadcast %max3A_41 : f32 to vector<256x512xf32>
    %max3A_43 = arith.maximumf %get3A_40, %max3A_42 : vector<256x512xf32>
    %mul3A_44 = arith.mulf %get3A_40, %convert_element_type3A_6 : vector<256x512xf32>
    %sub3A_45 = arith.subf %max3A_43, %mul3A_44 : vector<256x512xf32>
    %abs3A_46 = math.absf %get3A_40 : vector<256x512xf32>
    %neg3A_47 = arith.constant 0.000000e+00 : f32
    %neg3A_48 = vector.broadcast %neg3A_47 : f32 to vector<256x512xf32>
    %neg3A_49 = arith.subf %neg3A_48, %abs3A_46 : vector<256x512xf32>
    %exp3A_50 = math.exp %neg3A_49 : vector<256x512xf32>
    %log1p3A_51 = math.log1p %exp3A_50 : vector<256x512xf32>
    %add3A_52 = arith.addf %sub3A_45, %log1p3A_51 : vector<256x512xf32>
    %get3A_53 = arith.constant 1 : index
    %get3A_54 = memref.load %arg4[%get3A_53] : memref<5xf32, #tpu.memory_space<smem>>
    %reduce_sum3A_55 = vector.shape_cast %add3A_52 : vector<256x512xf32> to vector<1x256x512xf32>
    %reduce_sum3A_56 = arith.constant dense<0.000000e+00> : vector<1xf32>
    %reduce_sum3A_57 = vector.multi_reduction <add>, %reduce_sum3A_55, %reduce_sum3A_56 [1, 2] : vector<1x256x512xf32> to vector<1xf32>
    %reduce_sum3A_58 = vector.shape_cast %reduce_sum3A_57 : vector<1xf32> to vector<1x1x1xf32>
    %reduce_sum3A_59 = vector.extract %reduce_sum3A_58[0, 0, 0] : f32 from vector<1x1x1xf32>
    %add3A_60 = arith.addf %get3A_54, %reduce_sum3A_59 : f32
    %swap3A_61 = arith.constant 1 : index
    %swap3A_62 = memref.load %arg4[%swap3A_61] : memref<5xf32, #tpu.memory_space<smem>>
    memref.store %add3A_60, %arg4[%swap3A_61] : memref<5xf32, #tpu.memory_space<smem>>
    %get3A_63 = arith.constant 2 : index
    %get3A_64 = arith.constant 0 : index
    %get3A_65 = arith.constant 0 : index
    %get3A_66 = arith.constant 0 : index
    %get3A_67 = vector.load %arg1[%get3A_63, %get3A_64, %get3A_65, %get3A_66] : memref<4x1x256x512xf32, #tpu.memory_space<vmem>>, vector<1x1x256x512xf32>
    %get3A_68 = vector.shape_cast %get3A_67 : vector<1x1x256x512xf32> to vector<256x512xf32>
    %max3A_69 = arith.constant 0.000000e+00 : f32
    %max3A_70 = vector.broadcast %max3A_69 : f32 to vector<256x512xf32>
    %max3A_71 = arith.maximumf %get3A_68, %max3A_70 : vector<256x512xf32>
    %mul3A_72 = arith.mulf %get3A_68, %convert_element_type3A_6 : vector<256x512xf32>
    %sub3A_73 = arith.subf %max3A_71, %mul3A_72 : vector<256x512xf32>
    %abs3A_74 = math.absf %get3A_68 : vector<256x512xf32>
    %neg3A_75 = arith.constant 0.000000e+00 : f32
    %neg3A_76 = vector.broadcast %neg3A_75 : f32 to vector<256x512xf32>
    %neg3A_77 = arith.subf %neg3A_76, %abs3A_74 : vector<256x512xf32>
    %exp3A_78 = math.exp %neg3A_77 : vector<256x512xf32>
    %log1p3A_79 = math.log1p %exp3A_78 : vector<256x512xf32>
    %add3A_80 = arith.addf %sub3A_73, %log1p3A_79 : vector<256x512xf32>
    %get3A_81 = arith.constant 2 : index
    %get3A_82 = memref.load %arg4[%get3A_81] : memref<5xf32, #tpu.memory_space<smem>>
    %reduce_sum3A_83 = vector.shape_cast %add3A_80 : vector<256x512xf32> to vector<1x256x512xf32>
    %reduce_sum3A_84 = arith.constant dense<0.000000e+00> : vector<1xf32>
    %reduce_sum3A_85 = vector.multi_reduction <add>, %reduce_sum3A_83, %reduce_sum3A_84 [1, 2] : vector<1x256x512xf32> to vector<1xf32>
    %reduce_sum3A_86 = vector.shape_cast %reduce_sum3A_85 : vector<1xf32> to vector<1x1x1xf32>
    %reduce_sum3A_87 = vector.extract %reduce_sum3A_86[0, 0, 0] : f32 from vector<1x1x1xf32>
    %add3A_88 = arith.addf %get3A_82, %reduce_sum3A_87 : f32
    %swap3A_89 = arith.constant 2 : index
    %swap3A_90 = memref.load %arg4[%swap3A_89] : memref<5xf32, #tpu.memory_space<smem>>
    memref.store %add3A_88, %arg4[%swap3A_89] : memref<5xf32, #tpu.memory_space<smem>>
    %get3A_91 = arith.constant 3 : index
    %get3A_92 = arith.constant 0 : index
    %get3A_93 = arith.constant 0 : index
    %get3A_94 = arith.constant 0 : index
    %get3A_95 = vector.load %arg1[%get3A_91, %get3A_92, %get3A_93, %get3A_94] : memref<4x1x256x512xf32, #tpu.memory_space<vmem>>, vector<1x1x256x512xf32>
    %get3A_96 = vector.shape_cast %get3A_95 : vector<1x1x256x512xf32> to vector<256x512xf32>
    %max3A_97 = arith.constant 0.000000e+00 : f32
    %max3A_98 = vector.broadcast %max3A_97 : f32 to vector<256x512xf32>
    %max3A_99 = arith.maximumf %get3A_96, %max3A_98 : vector<256x512xf32>
    %mul3A_100 = arith.mulf %get3A_96, %convert_element_type3A_6 : vector<256x512xf32>
    %sub3A_101 = arith.subf %max3A_99, %mul3A_100 : vector<256x512xf32>
    %abs3A_102 = math.absf %get3A_96 : vector<256x512xf32>
    %neg3A_103 = arith.constant 0.000000e+00 : f32
    %neg3A_104 = vector.broadcast %neg3A_103 : f32 to vector<256x512xf32>
    %neg3A_105 = arith.subf %neg3A_104, %abs3A_102 : vector<256x512xf32>
    %exp3A_106 = math.exp %neg3A_105 : vector<256x512xf32>
    %log1p3A_107 = math.log1p %exp3A_106 : vector<256x512xf32>
    %add3A_108 = arith.addf %sub3A_101, %log1p3A_107 : vector<256x512xf32>
    %get3A_109 = arith.constant 3 : index
    %get3A_110 = memref.load %arg4[%get3A_109] : memref<5xf32, #tpu.memory_space<smem>>
    %reduce_sum3A_111 = vector.shape_cast %add3A_108 : vector<256x512xf32> to vector<1x256x512xf32>
    %reduce_sum3A_112 = arith.constant dense<0.000000e+00> : vector<1xf32>
    %reduce_sum3A_113 = vector.multi_reduction <add>, %reduce_sum3A_111, %reduce_sum3A_112 [1, 2] : vector<1x256x512xf32> to vector<1xf32>
    %reduce_sum3A_114 = vector.shape_cast %reduce_sum3A_113 : vector<1xf32> to vector<1x1x1xf32>
    %reduce_sum3A_115 = vector.extract %reduce_sum3A_114[0, 0, 0] : f32 from vector<1x1x1xf32>
    %add3A_116 = arith.addf %get3A_110, %reduce_sum3A_115 : f32
    %swap3A_117 = arith.constant 3 : index
    %swap3A_118 = memref.load %arg4[%swap3A_117] : memref<5xf32, #tpu.memory_space<smem>>
    memref.store %add3A_116, %arg4[%swap3A_117] : memref<5xf32, #tpu.memory_space<smem>>
    %eq3A_119 = arith.constant 15 : i32
    %eq3A_120 = arith.cmpi eq, %arg0, %eq3A_119 : i32
    %convert_element_type3A_121 = arith.extui %eq3A_120 : i1 to i32
    %cond3A_122 = arith.constant 0 : i32
    %cond3A_123 = arith.cmpi ne, %convert_element_type3A_121, %cond3A_122 : i32
    scf.if %cond3A_123 {
      %get3A_124 = arith.constant 0 : index
      %get3A_125 = memref.load %arg4[%get3A_124] : memref<5xf32, #tpu.memory_space<smem>>
      %swap3A_126 = arith.constant 0 : index
      %swap3A_127 = memref.load %arg3[%swap3A_126] : memref<5xf32, #tpu.memory_space<smem>>
      memref.store %get3A_125, %arg3[%swap3A_126] : memref<5xf32, #tpu.memory_space<smem>>
      %get3A_128 = arith.constant 1 : index
      %get3A_129 = memref.load %arg4[%get3A_128] : memref<5xf32, #tpu.memory_space<smem>>
      %swap3A_130 = arith.constant 1 : index
      %swap3A_131 = memref.load %arg3[%swap3A_130] : memref<5xf32, #tpu.memory_space<smem>>
      memref.store %get3A_129, %arg3[%swap3A_130] : memref<5xf32, #tpu.memory_space<smem>>
      %get3A_132 = arith.constant 2 : index
      %get3A_133 = memref.load %arg4[%get3A_132] : memref<5xf32, #tpu.memory_space<smem>>
      %swap3A_134 = arith.constant 2 : index
      %swap3A_135 = memref.load %arg3[%swap3A_134] : memref<5xf32, #tpu.memory_space<smem>>
      memref.store %get3A_133, %arg3[%swap3A_134] : memref<5xf32, #tpu.memory_space<smem>>
      %get3A_136 = arith.constant 3 : index
      %get3A_137 = memref.load %arg4[%get3A_136] : memref<5xf32, #tpu.memory_space<smem>>
      %swap3A_138 = arith.constant 3 : index
      %swap3A_139 = memref.load %arg3[%swap3A_138] : memref<5xf32, #tpu.memory_space<smem>>
      memref.store %get3A_137, %arg3[%swap3A_138] : memref<5xf32, #tpu.memory_space<smem>>
      %get3A_140 = arith.constant 4 : index
      %get3A_141 = memref.load %arg4[%get3A_140] : memref<5xf32, #tpu.memory_space<smem>>
      %swap3A_142 = arith.constant 4 : index
      %swap3A_143 = memref.load %arg3[%swap3A_142] : memref<5xf32, #tpu.memory_space<smem>>
      memref.store %get3A_141, %arg3[%swap3A_142] : memref<5xf32, #tpu.memory_space<smem>>
    } else {
    }
    return
  }
  func.func @transform_0(%arg0: i32) -> (i32, i32, i32, i32) {
    %jit3A = arith.constant 2 : i32
    %div3A = arith.divsi %arg0, %jit3A : i32
    %sign3A = arith.constant 0 : i32
    %sign3A_0 = arith.cmpi sgt, %arg0, %sign3A : i32
    %sign3A_1 = arith.extui %sign3A_0 : i1 to i32
    %sign3A_2 = arith.constant 0 : i32
    %sign3A_3 = arith.cmpi slt, %arg0, %sign3A_2 : i32
    %sign3A_4 = arith.extui %sign3A_3 : i1 to i32
    %sign3A_5 = arith.subi %sign3A_1, %sign3A_4 : i32
    %sign3A_6 = arith.constant 0 : i32
    %sign3A_7 = arith.cmpi sgt, %jit3A, %sign3A_6 : i32
    %sign3A_8 = arith.extui %sign3A_7 : i1 to i32
    %sign3A_9 = arith.constant 0 : i32
    %sign3A_10 = arith.cmpi slt, %jit3A, %sign3A_9 : i32
    %sign3A_11 = arith.extui %sign3A_10 : i1 to i32
    %sign3A_12 = arith.subi %sign3A_8, %sign3A_11 : i32
    %ne3A = arith.cmpi ne, %sign3A_5, %sign3A_12 : i32
    %rem3A = arith.remsi %arg0, %jit3A : i32
    %ne3A_13 = arith.constant 0 : i32
    %ne3A_14 = arith.cmpi ne, %rem3A, %ne3A_13 : i32
    %and3A = arith.andi %ne3A, %ne3A_14 : i1
    %sub3A = arith.constant 1 : i32
    %sub3A_15 = arith.subi %div3A, %sub3A : i32
    %select_n3A = arith.select %and3A, %sub3A_15, %div3A : i32
    %jit3A_16 = arith.constant 2 : i32
    %eq3A = arith.constant 0 : i32
    %eq3A_17 = arith.cmpi eq, %jit3A_16, %eq3A : i32
    %jit3A_18 = arith.constant 1 : i32
    %select_n3A_19 = arith.select %eq3A_17, %jit3A_18, %jit3A_16 : i32
    %rem3A_20 = arith.remsi %arg0, %select_n3A_19 : i32
    %ne3A_21 = arith.constant 0 : i32
    %ne3A_22 = arith.cmpi ne, %rem3A_20, %ne3A_21 : i32
    %lt3A = arith.constant 0 : i32
    %lt3A_23 = arith.cmpi slt, %rem3A_20, %lt3A : i32
    %lt3A_24 = arith.constant 0 : i32
    %lt3A_25 = arith.cmpi slt, %select_n3A_19, %lt3A_24 : i32
    %ne3A_26 = arith.xori %lt3A_23, %lt3A_25 : i1
    %and3A_27 = arith.andi %ne3A_26, %ne3A_22 : i1
    %add3A = arith.addi %rem3A_20, %select_n3A_19 : i32
    %select_n3A_28 = arith.select %and3A_27, %add3A, %rem3A_20 : i32
    %c0_i32 = arith.constant 0 : i32
    %c0_i32_29 = arith.constant 0 : i32
    %c0_i32_30 = arith.constant 0 : i32
    return %c0_i32, %select_n3A, %select_n3A_28, %c0_i32_29 : i32, i32, i32, i32
  }
  func.func @transform_1(%arg0: i32) -> (i32, i32, i32) {
    %jit3A = arith.constant 2 : i32
    %div3A = arith.divsi %arg0, %jit3A : i32
    %sign3A = arith.constant 0 : i32
    %sign3A_0 = arith.cmpi sgt, %arg0, %sign3A : i32
    %sign3A_1 = arith.extui %sign3A_0 : i1 to i32
    %sign3A_2 = arith.constant 0 : i32
    %sign3A_3 = arith.cmpi slt, %arg0, %sign3A_2 : i32
    %sign3A_4 = arith.extui %sign3A_3 : i1 to i32
    %sign3A_5 = arith.subi %sign3A_1, %sign3A_4 : i32
    %sign3A_6 = arith.constant 0 : i32
    %sign3A_7 = arith.cmpi sgt, %jit3A, %sign3A_6 : i32
    %sign3A_8 = arith.extui %sign3A_7 : i1 to i32
    %sign3A_9 = arith.constant 0 : i32
    %sign3A_10 = arith.cmpi slt, %jit3A, %sign3A_9 : i32
    %sign3A_11 = arith.extui %sign3A_10 : i1 to i32
    %sign3A_12 = arith.subi %sign3A_8, %sign3A_11 : i32
    %ne3A = arith.cmpi ne, %sign3A_5, %sign3A_12 : i32
    %rem3A = arith.remsi %arg0, %jit3A : i32
    %ne3A_13 = arith.constant 0 : i32
    %ne3A_14 = arith.cmpi ne, %rem3A, %ne3A_13 : i32
    %and3A = arith.andi %ne3A, %ne3A_14 : i1
    %sub3A = arith.constant 1 : i32
    %sub3A_15 = arith.subi %div3A, %sub3A : i32
    %select_n3A = arith.select %and3A, %sub3A_15, %div3A : i32
    %jit3A_16 = arith.constant 2 : i32
    %eq3A = arith.constant 0 : i32
    %eq3A_17 = arith.cmpi eq, %jit3A_16, %eq3A : i32
    %jit3A_18 = arith.constant 1 : i32
    %select_n3A_19 = arith.select %eq3A_17, %jit3A_18, %jit3A_16 : i32
    %rem3A_20 = arith.remsi %arg0, %select_n3A_19 : i32
    %ne3A_21 = arith.constant 0 : i32
    %ne3A_22 = arith.cmpi ne, %rem3A_20, %ne3A_21 : i32
    %lt3A = arith.constant 0 : i32
    %lt3A_23 = arith.cmpi slt, %rem3A_20, %lt3A : i32
    %lt3A_24 = arith.constant 0 : i32
    %lt3A_25 = arith.cmpi slt, %select_n3A_19, %lt3A_24 : i32
    %ne3A_26 = arith.xori %lt3A_23, %lt3A_25 : i1
    %and3A_27 = arith.andi %ne3A_26, %ne3A_22 : i1
    %add3A = arith.addi %rem3A_20, %select_n3A_19 : i32
    %select_n3A_28 = arith.select %and3A_27, %add3A, %rem3A_20 : i32
    %c0_i32 = arith.constant 0 : i32
    %c0_i32_29 = arith.constant 0 : i32
    return %select_n3A, %select_n3A_28, %c0_i32 : i32, i32, i32
  }
  func.func @transform_2(%arg0: i32) -> i32 {
    %c0_i32 = arith.constant 0 : i32
    %c0_i32_0 = arith.constant 0 : i32
    return %c0_i32 : i32
  }
}

module attributes {stable_mosaic.version = 14 : i64} {
  func.func @_tc_combine_body(%arg0: memref<32x8x1024xf32, #tpu.memory_space<vmem>>, %arg1: memref<5xf32, #tpu.memory_space<smem>>, %arg2: memref<1x1xf32, #tpu.memory_space<smem>>) attributes {dimension_semantics = [], scalar_prefetch = 0 : i64, scratch_operands = 0 : i64, tpu.core_type = #tpu.core_type<tc>} {
    %get3A = arith.constant 0 : index
    %get3A_0 = arith.constant 0 : index
    %get3A_1 = arith.constant 0 : index
    %get3A_2 = vector.load %arg0[%get3A, %get3A_0, %get3A_1] : memref<32x8x1024xf32, #tpu.memory_space<vmem>>, vector<32x8x1024xf32>
    %mul3A = arith.constant 9.765625E-4 : f32
    %mul3A_3 = vector.broadcast %mul3A : f32 to vector<32x8x1024xf32>
    %mul3A_4 = arith.mulf %get3A_2, %mul3A_3 : vector<32x8x1024xf32>
    %floor3A = math.floor %mul3A_4 : vector<32x8x1024xf32>
    %reduce_sum3A = arith.constant dense<0.000000e+00> : vector<8x1024xf32>
    %reduce_sum3A_5 = vector.multi_reduction <add>, %floor3A, %reduce_sum3A [0] : vector<32x8x1024xf32> to vector<8x1024xf32>
    %mul3A_6 = arith.constant 1.024000e+03 : f32
    %mul3A_7 = vector.broadcast %mul3A_6 : f32 to vector<32x8x1024xf32>
    %mul3A_8 = arith.mulf %mul3A_7, %floor3A : vector<32x8x1024xf32>
    %sub3A = arith.subf %get3A_2, %mul3A_8 : vector<32x8x1024xf32>
    %reduce_sum3A_9 = arith.constant dense<0.000000e+00> : vector<8x1024xf32>
    %reduce_sum3A_10 = vector.multi_reduction <add>, %sub3A, %reduce_sum3A_9 [0] : vector<32x8x1024xf32> to vector<8x1024xf32>
    %iota3A = tpu.iota {dimensions = array<i32: 0>} : vector<1024x1024xi32>
    %iota3A_11 = tpu.iota {dimensions = array<i32: 1>} : vector<1024x1024xi32>
    %gt3A = arith.cmpi sgt, %iota3A, %iota3A_11 : vector<1024x1024xi32>
    %convert_element_type3A = arith.extui %gt3A : vector<1024x1024xi1> to vector<1024x1024xi32>
    %convert_element_type3A_12 = arith.sitofp %convert_element_type3A : vector<1024x1024xi32> to vector<1024x1024xf32>
    %dot_general3A = arith.constant dense<0.000000e+00> : vector<8x1024xf32>
    %dot_general3A_13 = tpu.matmul %reduce_sum3A_5, %convert_element_type3A_12, %dot_general3A {dimension_numbers = #tpu.dot_dimension_numbers<[1], [0], [0], [1], [0, 0, 1, 1], [], []>, transpose_lhs_hint = false} : vector<8x1024xf32>, vector<1024x1024xf32>, vector<8x1024xf32> -> vector<8x1024xf32>
    %slice3A = vector.extract_strided_slice %reduce_sum3A_5 {offsets = [0, 0], sizes = [4, 1024], strides = [1, 1]} : vector<8x1024xf32> to vector<4x1024xf32>
    %slice3A_14 = vector.extract_strided_slice %reduce_sum3A_5 {offsets = [4, 0], sizes = [4, 1024], strides = [1, 1]} : vector<8x1024xf32> to vector<4x1024xf32>
    %slice3A_15 = vector.extract_strided_slice %reduce_sum3A_10 {offsets = [0, 0], sizes = [4, 1024], strides = [1, 1]} : vector<8x1024xf32> to vector<4x1024xf32>
    %slice3A_16 = vector.extract_strided_slice %reduce_sum3A_10 {offsets = [4, 0], sizes = [4, 1024], strides = [1, 1]} : vector<8x1024xf32> to vector<4x1024xf32>
    %slice3A_17 = vector.extract_strided_slice %dot_general3A_13 {offsets = [0, 0], sizes = [4, 1024], strides = [1, 1]} : vector<8x1024xf32> to vector<4x1024xf32>
    %mul3A_18 = arith.constant 5.000000e-01 : f32
    %mul3A_19 = vector.broadcast %mul3A_18 : f32 to vector<4x1024xf32>
    %mul3A_20 = arith.mulf %mul3A_19, %slice3A : vector<4x1024xf32>
    %add3A = arith.addf %slice3A_17, %mul3A_20 : vector<4x1024xf32>
    %slice3A_21 = vector.extract_strided_slice %dot_general3A_13 {offsets = [4, 0], sizes = [4, 1024], strides = [1, 1]} : vector<8x1024xf32> to vector<4x1024xf32>
    %mul3A_22 = arith.constant 5.000000e-01 : f32
    %mul3A_23 = vector.broadcast %mul3A_22 : f32 to vector<4x1024xf32>
    %mul3A_24 = arith.mulf %mul3A_23, %slice3A_14 : vector<4x1024xf32>
    %add3A_25 = arith.addf %slice3A_21, %mul3A_24 : vector<4x1024xf32>
    %get3A_26 = arith.constant 4 : index
    %get3A_27 = memref.load %arg1[%get3A_26] : memref<5xf32, #tpu.memory_space<smem>>
    %sub3A_28 = arith.constant 0x4A000000 : f32
    %sub3A_29 = arith.subf %sub3A_28, %get3A_27 : f32
    %add3A_30 = vector.broadcast %get3A_27 : f32 to vector<4x1024xf32>
    %add3A_31 = arith.addf %add3A_30, %add3A : vector<4x1024xf32>
    %div3A = arith.divf %slice3A_16, %add3A_31 : vector<4x1024xf32>
    %sub3A_32 = vector.broadcast %get3A_27 : f32 to vector<4x1024xf32>
    %sub3A_33 = arith.subf %sub3A_32, %add3A_25 : vector<4x1024xf32>
    %mul3A_34 = arith.mulf %slice3A_15, %sub3A_33 : vector<4x1024xf32>
    %add3A_35 = arith.constant 1.000000e+00 : f32
    %add3A_36 = vector.broadcast %add3A_35 : f32 to vector<4x1024xf32>
    %add3A_37 = arith.addf %add3A_31, %add3A_36 : vector<4x1024xf32>
    %mul3A_38 = arith.mulf %add3A_31, %add3A_37 : vector<4x1024xf32>
    %div3A_39 = arith.divf %mul3A_34, %mul3A_38 : vector<4x1024xf32>
    %add3A_40 = arith.addf %div3A, %div3A_39 : vector<4x1024xf32>
    %reduce_sum3A_41 = vector.shape_cast %add3A_40 : vector<4x1024xf32> to vector<1x4x1024xf32>
    %reduce_sum3A_42 = arith.constant dense<0.000000e+00> : vector<1xf32>
    %reduce_sum3A_43 = vector.multi_reduction <add>, %reduce_sum3A_41, %reduce_sum3A_42 [1, 2] : vector<1x4x1024xf32> to vector<1xf32>
    %reduce_sum3A_44 = vector.shape_cast %reduce_sum3A_43 : vector<1xf32> to vector<1x1x1xf32>
    %reduce_sum3A_45 = vector.extract %reduce_sum3A_44[0, 0, 0] : f32 from vector<1x1x1xf32>
    %add3A_46 = vector.broadcast %sub3A_29 : f32 to vector<4x1024xf32>
    %add3A_47 = arith.addf %add3A_46, %add3A_25 : vector<4x1024xf32>
    %div3A_48 = arith.divf %slice3A_15, %add3A_47 : vector<4x1024xf32>
    %sub3A_49 = vector.broadcast %sub3A_29 : f32 to vector<4x1024xf32>
    %sub3A_50 = arith.subf %sub3A_49, %add3A : vector<4x1024xf32>
    %mul3A_51 = arith.mulf %slice3A_16, %sub3A_50 : vector<4x1024xf32>
    %add3A_52 = arith.constant 1.000000e+00 : f32
    %add3A_53 = vector.broadcast %add3A_52 : f32 to vector<4x1024xf32>
    %add3A_54 = arith.addf %add3A_47, %add3A_53 : vector<4x1024xf32>
    %mul3A_55 = arith.mulf %add3A_47, %add3A_54 : vector<4x1024xf32>
    %div3A_56 = arith.divf %mul3A_51, %mul3A_55 : vector<4x1024xf32>
    %add3A_57 = arith.addf %div3A_48, %div3A_56 : vector<4x1024xf32>
    %reduce_sum3A_58 = vector.shape_cast %add3A_57 : vector<4x1024xf32> to vector<1x4x1024xf32>
    %reduce_sum3A_59 = arith.constant dense<0.000000e+00> : vector<1xf32>
    %reduce_sum3A_60 = vector.multi_reduction <add>, %reduce_sum3A_58, %reduce_sum3A_59 [1, 2] : vector<1x4x1024xf32> to vector<1xf32>
    %reduce_sum3A_61 = vector.shape_cast %reduce_sum3A_60 : vector<1xf32> to vector<1x1x1xf32>
    %reduce_sum3A_62 = vector.extract %reduce_sum3A_61[0, 0, 0] : f32 from vector<1x1x1xf32>
    %add3A_63 = arith.addf %reduce_sum3A_45, %reduce_sum3A_62 : f32
    %mul3A_64 = arith.constant 5.000000e-01 : f32
    %mul3A_65 = arith.mulf %mul3A_64, %add3A_63 : f32
    %get3A_66 = arith.constant 0 : index
    %get3A_67 = memref.load %arg1[%get3A_66] : memref<5xf32, #tpu.memory_space<smem>>
    %get3A_68 = arith.constant 1 : index
    %get3A_69 = memref.load %arg1[%get3A_68] : memref<5xf32, #tpu.memory_space<smem>>
    %add3A_70 = arith.addf %get3A_67, %get3A_69 : f32
    %get3A_71 = arith.constant 2 : index
    %get3A_72 = memref.load %arg1[%get3A_71] : memref<5xf32, #tpu.memory_space<smem>>
    %add3A_73 = arith.addf %add3A_70, %get3A_72 : f32
    %get3A_74 = arith.constant 3 : index
    %get3A_75 = memref.load %arg1[%get3A_74] : memref<5xf32, #tpu.memory_space<smem>>
    %add3A_76 = arith.addf %add3A_73, %get3A_75 : f32
    %div3A_77 = arith.constant 0x4A000000 : f32
    %div3A_78 = arith.divf %add3A_76, %div3A_77 : f32
    %add3A_79 = arith.addf %div3A_78, %mul3A_65 : f32
    %mul3A_80 = arith.constant 1.000000e-01 : f32
    %mul3A_81 = arith.mulf %mul3A_80, %add3A_79 : f32
    %swap3A = arith.constant 0 : index
    %swap3A_82 = arith.constant 0 : index
    %swap3A_83 = memref.load %arg2[%swap3A, %swap3A_82] : memref<1x1xf32, #tpu.memory_space<smem>>
    memref.store %mul3A_81, %arg2[%swap3A, %swap3A_82] : memref<1x1xf32, #tpu.memory_space<smem>>
    return
  }
}

</mosaic_0001>

<sc_bundles>
// kernel: kernel.5.cloned.1.call-start
scs
__scs_entry_jumppad:
0x0: {  	(pc) =	sbr.rel $0x88, $3  }
0x1: {  	(tag) =	ssettag $0x0;
	lr =	simm.s32 $0x1  }
0x2: {  	[smem:$0x3F9F] =	sst lr;
	_ =	strace $0xD0000000  }
0x3: {  	_ = 	snop  }
0x4: {  	_ = 	snop  }
0x5: {  	_ = 	snop  }
0x6: {  	_ = 	snop  }
0x7: {  	_ = 	snop  }
__scs_overlays_trampoline_lowered:
0x8: {  	[smem:$0x3FAE] =	sst s0  }
0x9: {  	[smem:$0x3FAF] =	sst s1  }
0xa: {  	[smem:$0x3FB0] =	sst s2  }
0xb: {  	[smem:$0x3FB1] =	sst s3  }
0xc: {  	[smem:$0x3FB2] =	sst s4  }
0xd: {  	[smem:$0x3FB3] =	sst s5  }
0xe: {  	[smem:$0x3FB4] =	sst s6  }
0xf: {  	[smem:$0x3FB5] =	sst s7  }
0x10: {  	[smem:$0x3FB6] =	sst s8  }
0x11: {  	[smem:$0x3FB7] =	sst s9;
	s0 =	simm.s32 @!p0 $0x0  }
0x12: {  	s1 =	sld [smem:$0x3F9D];
	s0 =	simm.s32 @p0 $0x1  }
0x13: {  	[smem:$0x3FB8] =	sst s0;
	s0 =	simm.s32 @!p1 $0x0  }
0x14: {  	s2 =	sld [smem:$0x3F9C];
	s0 =	simm.s32 @p1 $0x1  }
0x15: {  	[smem:$0x3FB9] =	sst s0;
	s0 =	simm.s32 @!p2 $0x0  }
0x16: {  	s3 =	sld [smem:$0x3FDB];
	s0 =	simm.s32 @p2 $0x1  }
0x17: {  	s4 =	simm.s32 $0x1BF5;
	[smem:$0x3FBB] =	sst s0  }
0x18: {  	s0 =	sld [smem:$0x3F9E];
	_ =	swait.ge [sflag:s4], $0x0  }
0x19: {  	s7 =	sld [smem:$0x3F9F]  }
0x1a: {  	s8 =	sadd.s32 $0xFFFFE003, lr  }
0x1b: {  	s9 =	sadd.s32 $0xFFFFFEF7, lr;
	s5 =	simm.s32 $0xFFFFFFFF;
	p2 =	slt.u32 s8, $0xFFFFF086  }
0x1c: {  	p1 =	slt.u32 s9, $0xF7A;
	s5 =	simm.s32 @!p2 $0x0  }
0x1d: {  	s5 =	simm.s32 @p1 $0x1;
	p0 =	seq.s32 s7, s2  }
0x1e: {  	s7 =	smul.u32 @!p0 $0xF7A, s2;
	p2 =	seq.s32 @!p0 s5, $0x0  }
0x1f: {  	s9 =	smul.u32 $0xF7A, s1;
	s8 =	simm.s32 @!p0 $0x1BF5;
	p2 =	por !p2, p0  }
0x20: {  	[sflag:s8] =	ssyncset.s32 @!p0 $0xFFFFF086;
	s6 =	sadd.s32 @!p0 s3, s7;
	s7 =	simm.s32 @!p0 $0x108  }
0x21: {  	s3 =	sadd.s32 s3, s9;
	s6 =	sadd.s32 @!p0 $0x88, s6;
	s7 =	simm.s32 @p2 $0x1082  }
0x22: {  	[simem:s7], [sflag:s8] =	dma.local @!p0 [hbm:s6], $0xF7A  }
0x23: {  	s9 =	sor.u32 $0xD0000000, s2;
	s6 =	simm.s32 $0x108;
	_ =	swait.ge @!p0 [sflag:s8], $0x0  }
0x24: {  	s3 =	sadd.s32 $0x88, s3;
	s6 =	simm.s32 @!p1 $0x1082;
	[sflag:s4] =	ssyncset.s32 $0xFFFFF086  }
0x25: {  	[simem:s6], [sflag:s4] =	dma.local [hbm:s3], $0xF7A  }
0x26: {  	[smem:$0x3F9F] =	sst s1;
	(tag) =	ssettag s2;
	_ =	strace s9  }
0x27: {  	s1 =	sld [smem:$0x3FAF]  }
0x28: {  	s2 =	sld [smem:$0x3FB0]  }
0x29: {  	s4 =	sld [smem:$0x3FB2]  }
0x2a: {  	p0 =	seq.s32 s5, $0x0;
	s5 =	sld [smem:$0x3FB3]  }
0x2b: {  	s6 =	sld [smem:$0x3FB4]  }
0x2c: {  	s7 =	sld [smem:$0x3FB5]  }
0x2d: {  	s3 =	simm.s32 $0x108;
	s8 =	sld [smem:$0x3FB6]  }
0x2e: {  	s3 =	simm.s32 @!p0 $0x1082;
	s9 =	sld [smem:$0x3FB7]  }
0x2f: {  	lr =	sadd.s32 s0, s3;
	s0 =	sld [smem:$0x3FAE]  }
0x30: {  	s3 =	sld [smem:$0x3FB1]  }
0x31: {  	[smem:$0x3FBA] =	sst s10  }
0x32: {  	s10 =	sld [smem:$0x3FB8];
	_ =	sdelay $0x3  }
0x33: {  	p0 =	seq.s32 s10, $0x1;
	s10 =	sld [smem:$0x3FBA];
	_ =	sdelay $0x3  }
0x34: {  	[smem:$0x3FBA] =	sst s10  }
0x35: {  	s10 =	sld [smem:$0x3FB9];
	_ =	sdelay $0x3  }
0x36: {  	p1 =	seq.s32 s10, $0x1;
	s10 =	sld [smem:$0x3FBA];
	_ =	sdelay $0x3  }
0x37: {  	[smem:$0x3FBA] =	sst s10  }
0x38: {  	s10 =	sld [smem:$0x3FBB]  }
0x39: {  	_ = 	snop;
	(pc) =	sbr.ind lr, $3  }
0x3a: {  	_ = 	snop  }
0x3b: {  	_ = 	snop  }
0x3c: {  	p2 =	seq.s32 s10, $0x1;
	s10 =	sld [smem:$0x3FBA]  }
0x3d: {  	_ =	shalt  }
0x3e: {  	_ =	shalt  }
0x3f: {  	_ =	shalt  }
0x40: {  	_ =	shalt  }
0x41: {  	_ =	shalt  }
0x42: {  	_ =	shalt  }
0x43: {  	_ =	shalt  }
0x44: {  	_ =	shalt  }
0x45: {  	_ =	shalt  }
0x46: {  	_ =	shalt  }
0x47: {  	_ =	shalt  }
0x48: {  	_ =	shalt  }
0x49: {  	_ =	shalt  }
0x4a: {  	_ =	shalt  }
0x4b: {  	_ =	shalt  }
0x4c: {  	_ =	shalt  }
0x4d: {  	_ =	shalt  }
0x4e: {  	_ =	shalt  }
0x4f: {  	_ =	shalt  }
0x50: {  	_ =	shalt  }
0x51: {  	_ =	shalt  }
0x52: {  	_ =	shalt  }
0x53: {  	_ =	shalt  }
0x54: {  	_ =	shalt  }
0x55: {  	_ =	shalt  }
0x56: {  	_ =	shalt  }
0x57: {  	_ =	shalt  }
0x58: {  	_ =	shalt  }
0x59: {  	_ =	shalt  }
0x5a: {  	_ =	shalt  }
0x5b: {  	_ =	shalt  }
0x5c: {  	_ =	shalt  }
0x5d: {  	_ =	shalt  }
0x5e: {  	_ =	shalt  }
0x5f: {  	_ =	shalt  }
0x60: {  	_ =	shalt  }
0x61: {  	_ =	shalt  }
0x62: {  	_ =	shalt  }
0x63: {  	_ =	shalt  }
0x64: {  	_ =	shalt  }
0x65: {  	_ =	shalt  }
0x66: {  	_ =	shalt  }
0x67: {  	_ =	shalt  }
0x68: {  	_ =	shalt  }
0x69: {  	_ =	shalt  }
0x6a: {  	_ =	shalt  }
0x6b: {  	_ =	shalt  }
0x6c: {  	_ =	shalt  }
0x6d: {  	_ =	shalt  }
0x6e: {  	_ =	shalt  }
0x6f: {  	_ =	shalt  }
0x70: {  	_ =	shalt  }
0x71: {  	_ =	shalt  }
0x72: {  	_ =	shalt  }
0x73: {  	_ =	shalt  }
0x74: {  	_ =	shalt  }
0x75: {  	_ =	shalt  }
0x76: {  	_ =	shalt  }
0x77: {  	_ =	shalt  }
0x78: {  	_ =	shalt  }
0x79: {  	_ =	shalt  }
0x7a: {  	_ =	shalt  }
0x7b: {  	_ =	shalt  }
0x7c: {  	_ =	shalt  }
0x7d: {  	_ =	shalt  }
0x7e: {  	_ =	shalt  }
0x7f: {  	_ =	shalt  }
0x80: {  	_ =	shalt  }
0x81: {  	_ =	shalt  }
0x82: {  	_ =	shalt  }
0x83: {  	_ =	shalt  }
0x84: {  	_ =	shalt  }
0x85: {  	_ =	shalt  }
0x86: {  	_ =	shalt  }
0x87: {  	_ =	shalt  }
.Lfunc_end0:
.L_simem_size_0:
called_computation_lowered:
.L_overlay_start_0:
0x88: {  	s2 =	sld [smem:$0x3FD9]  }
0x89: {  	s3 =	sld [smem:$0x3FFE];
	_ =	sdelay $0x1  }
0x8a: {  	s1 =	srdreg.scid  }
0x8b: {  	s0 =	sand.u32 $0x1, s1  }
0x8c: {  	s17 =	sshll.u32 s0, $0xA;
	s2 =	sadd.s32 s3, s2  }
0x8d: {  	s2 =	sadd.s32 s2, s17  }
0x8e: {  	[smem:$0x3FC6] =	sst s2  }
0x8f: {  	_ = 	snop  }
0x90: {  	s2 =	sld [smem:$0x3FC9]  }
0x91: {  	s18 =	sld [smem:$0x3FC8];
	(tm) =	ssettm $0x1  }
0x92: {  	s4 =	sld [smem:$0x3FFB];
	_ =	sdelay $0x3  }
0x93: {  	_ =	strace s4  }
0x94: {  	s4 =	sld [smem:$0x3FFC];
	_ =	sdelay $0x3  }
0x95: {  	_ =	strace s4  }
0x96: {  	s4 =	sld [smem:$0x3FFD];
	_ =	sdelay $0x3  }
0x97: {  	_ =	strace s4  }
0x98: {  	_ =	strace $0x8FFFFFFF  }
0x99: {  	s19 =	sld [smem:$0x3FDB];
	_ =	sdelay $0x1  }
0x9a: {  	s5 =	simm.s32 $_scs_section_size  }
0x9b: {  	s6 =	simm.s32 $_size__tile_overlayer_lowered;
	s7 =	simm.s32 $_tile_overlayer_lowered  }
0x9c: {  	s22 =	simm.s32 $0x1BFF;
	s21 =	sshll.u32 s7, $0x1;
	s4 =	sadd.s32 s5, s19  }
0x9d: {  	s8 =	simm.s32 $0x0;
	s20 =	sshll.u32 s6, $0x1;
	s6 =	sadd.s32 s21, s4  }
0x9e: {  	[timem:s8], [sflag:s22] =	dma.local [hbm:s6], s20  }
0x9f: {  	_ =	swait.ge [sflag:s22], s20  }
0xa0: {  	s5 =	ssub.s32 $0x0, s20;
	[sflag:s22] =	ssyncset.done $0x0  }
0xa1: {  	[sflag:s22] =	ssyncadd.s32 s5;
	_ =	sdelay $0x1  }
0xa2: {  	s23 =	simm.s32 $0x1B8B  }
0xa3: {  	_ =	swait.ge [sflag:s23], $0x1  }
0xa4: {  	[sflag:s23] =	ssyncset.done $0x0  }
0xa5: {  	s25 =	simm.s32 $0x1B8E;
	s24 =	sld [smem:$0x3FFE];
	[sflag:s23] =	ssyncadd.s32 $0xFFFFFFFF  }
0xa6: {  	s26 =	simm.s32 $execute0_lowered;
	[smem:$0x3FD2] =	sst s25  }
0xa7: {  	s6 =	sshll.u32 s26, $0x1;
	_ =	strace $0x80000046;
	[dreg:$0x1] =	wrdreg $0xFFFFFFFF  }
0xa8: {  	s28 =	simm.s32 $_size_execute0_lowered;
	s4 =	sadd.s32 s4, s6;
	[dreg:$0x0] =	wrdreg $0x0  }
0xa9: {  	s6 =	sshll.u32 s28, $0x1;
	[dreg:$0x2] =	wrdreg s4  }
0xaa: {  	[dreg:$0x3] =	wrdreg s6  }
0xab: {  	[dreg:$0x4] =	wrdreg $0xC0  }
0xac: {  	_ =	task [dreg:s8], $0x5FFFF  }
0xad: {  	[dreg:$0x1] =	wrdreg $0xFFFFFFFF  }
0xae: {  	[dreg:$0x0] =	wrdreg $0x60  }
0xaf: {  	[dreg:$0x2] =	wrdreg s2  }
0xb0: {  	[dreg:$0x3] =	wrdreg s18  }
0xb1: {  	[dreg:$0x4] =	wrdreg s24  }
0xb2: {  	[dreg:$0x5] =	wrdreg $0x9  }
0xb3: {  	_ =	task.clear_ibuf [dreg:s8], $0x6FFFF;
	_ =	strace $0x90000046  }
0xb4: {  	s29 =	simm.s32 $0x9;
	_ =	strace $0x80000048  }
0xb5: {  	_ =	swait.ge [sflag:s29], $0x1  }
0xb6: {  	[sflag:s29] =	ssyncadd.s32 $0xFFFFFFFF  }
0xb7: {  	_ =	strace $0x90000048  }
0xb8: {  	_ =	sfence  }
0xb9: {  	s30 =	sld [smem:$0x0];
	_ =	sdelay $0x2  }
0xba: {  	s31 =	sshll.u32 s1, $0xD;
	s1 =	sshrl.u32 s1, $0x2  }
0xbb: {  	s3 =	sand.u32 $0x4000, s31;
	s1 =	sadd.s32 s1, s30  }
0xbc: {  	s0 =	sor.u32 s3, s0;
	s1 =	sshll.u32 s1, $0x11  }
0xbd: {  	s0 =	sor.u32 s1, s0  }
0xbe: {  	s0 =	sadd.s32 $0x8F2B, s0  }
0xbf: {  	[sflag:s0] =	ssyncadd.remote.s32 $0x1  }
0xc0: {  	_ =	sfence.sel $0xFFFF  }
0xc1: {  	[dreg:$0x0] =	wrdreg $0xFFFFFFFF;
	(pc) =	sbr.abs _section_cstart, $3  }
0xc2: {  	[dreg:$0x1] =	wrdreg $0xFFFFFFFF  }
0xc3: {  	_ =	task.clear_ibuf [dreg:s8], $0x2FFFF;
	_ =	strace $0x9FFFFFFF  }
0xc4: {  	(tm) =	ssettm $0x7FFFFFFF  }
0xc5: {  	_ =	shalt  }
tec
execute0_lowered:
.L_overlay_start_1:
0x0: {  	(tag) =	ssettag $0x1  }
0x1: {  	s0 =	rddreg [dreg:$0x0]  }
0x2: {  	s1 =	rddreg [dreg:$0x1]  }
0x3: {  	s3 =	rddreg [dreg:$0x2];
	s2 =	simm.s32 $0x0  }
0x4: {  	s4 =	srdreg.scid;
	s7 =	stileid.u32;
	s22 =	simm.s32 $0x8000  }
0x5: {  	s23 =	simm.s32 $0x3;
	s24 =	simm.s32 $0x10000;
	s28 =	simm.s32 $0x2  }
0x6: {  	s29 =	simm.s32 $0x80;
	s30 =	simm.s32 $0x400;
	[smem:$0x7FF] =	sst s2  }
0x7: {  	s4 =	sand.u32 $0x1, s4;
	s5 =	sshll.u32 s7, $0x1;
	s7 =	sshll.u32 s7, $0xE  }
0x8: {  	s10 =	sadd.s32 $0x40000, s0;
	s11 =	sadd.s32 $0x80000, s0;
	s12 =	sadd.s32 $0xC0000, s0  }
0x9: {  	_ =	strace $0x80000047;
	s5 =	sor.u32 s4, s5;
	s4 =	ssub.s32 $0x2, s4  }
0xa: {  	s7 =	sand.u32 $0x38000, s7;
	s6 =	sshll.u32 s5, $0xA;
	s5 =	sshll.u32 s5, $0xD  }
0xb: {  	s25 =	sshrl.u32 s4, $0x1;
	s5 =	sand.u32 $0x6000, s5;
	s3 =	sadd.s32 s6, s3  }
0xc: {  	s4 =	ssub.s32 s4, s25;
	s25 =	simm.s32 $0x1;
	s7 =	sor.u32 s7, s5  }
0xd: {  	s14 =	sadd.s32 $0x810, s3;
	s15 =	sadd.s32 $0x820, s3;
	s16 =	sadd.s32 $0x830, s3  }
0xe: {  	s17 =	sadd.s32 $0x840, s3;
	s18 =	sadd.s32 $0x850, s3;
	s19 =	sadd.s32 $0x860, s3  }
0xf: {  	s20 =	sadd.s32 $0x870, s3;
	s21 =	smax.u32 s4, $0x1;
	s5 =	sadd.s32 s0, s7  }
0x10: {  	s26 =	sadd.s32 s1, s7;
	s31 =	sadd.s32 s7, s10;
	[dreg:$0x4] =	wrdreg s5  }
0x11: {  	s6 =	sadd.s32 s7, s11;
	s13 =	sor.u32 $0x1000, s7;
	[dreg:$0x5] =	wrdreg s26  }
0x12: {  	s7 =	sadd.s32 s7, s12;
	[dreg:$0x6] =	wrdreg s31;
	s8 =	sadd.s32 s0, s13  }
0x13: {  	s9 =	sadd.s32 s1, s13;
	s10 =	sadd.s32 s13, s10;
	s11 =	sadd.s32 s13, s11  }
0x14: {  	v0 =	vimm.f32 $0.0e+00;
	s12 =	sadd.s32 s13, s12;
	s13 =	sadd.s32 $0x800, s3;
	s26 =	simm.s32 $0x18000  }
.LBB2_1:
0x15: {  	s0 =	simm.s32 $0x40;
	s1 =	simm.s32 $0x0  }
.LBB2_2:
0x16: {  	p0 =	sne.s32 s0, $0x7FC0;
	[tilespmem:s1+$0x18000] =	vst v0;
	s1 =	smov.u32 s0;
	s0 =	sadd.s32 $0x40, s0  }
.Ltmp0:
0x17: {  	(pc) =	sbr.rel @p0 .LBB2_2-.Ltmp0, $2  }
0x18: {  	_ =	sdelay $0x2  }
0x19: {  	s1 =	sshra.s32 s1, $0x2  }
0x1a: {  	[tilespmem:s1+$0x18000] =	vst v0;
	s0 =	simm.s32 $0x0;
	s5 =	rddreg [dreg:$0x4]  }
0x1b: {  	[tilespmem:s22], [sflag:$0x1] =	stream.linear.gather [hbm4b:s5+s0], $0x8000, $0x38;
	[tilespmem:$0x1A000] =	vst v63  }
0x1c: {  	s3 =	rddreg [dreg:$0x5]  }
0x1d: {  	[tilespmem:s0], [sflag:$0x3] =	stream.linear.gather [hbm4b:s3+s0], $0x8000, $0x38;
	[tilespmem:$0x1A000] =	vst v63  }
0x1e: {  	_ =	swait.ge [sflag:s23], $0x8000  }
0x1f: {  	[sflag:s23] =	ssyncset.done $0x0  }
0x20: {  	s4 =	rddreg [dreg:$0x6];
	[sflag:s23] =	ssyncadd.s32 $0xFFFF8000  }
0x21: {  	[tilespmem:s24], [sflag:$0x2] =	stream.linear.gather [hbm4b:s4+s0], $0x8000, $0x38;
	[tilespmem:$0x1A000] =	vst v63  }
0x22: {  	s5 =	sand.u32 $0x7000, s0;
	s3 =	sand.u32 $0xC00, s0;
	_ =	swait.ge [sflag:s25], $0x8000  }
0x23: {  	s1 =	sor.u32 s3, s5;
	s0 =	sand.u32 $0x380, s0;
	[sflag:s25] =	ssyncset.done $0x0  }
0x24: {  	s0 =	sor.u32 s0, s1;
	[sflag:s25] =	ssyncadd.s32 $0xFFFF8000  }
0x25: {  	v8 =	vld [tilespmem:s0+$0x70]  }
0x26: {  	v1 =	vld [tilespmem:s0+$0x8070]  }
0x27: {  	v2 =	vld [tilespmem:s0+$0x0]  }
0x28: {  	v3 =	vld [tilespmem:s0+$0x10]  }
0x29: {  	v4 =	vld [tilespmem:s0+$0x20]  }
0x2a: {  	v5 =	vld [tilespmem:s0+$0x30]  }
0x2b: {  	v7 =	vld [tilespmem:s0+$0x40]  }
0x2c: {  	v11 =	vld [tilespmem:s0+$0x60]  }
0x2d: {  	v13 =	vld [tilespmem:s0+$0x8000];
	v6 =	vshll.u32 v8, $0x1F  }
0x2e: {  	v16 =	vld [tilespmem:s0+$0x8010];
	v1 =	vxor.u32 v1, v6  }
0x2f: {  	v9 =	vshll.u32 v2, $0x1F;
	v10 =	vadd.f32 $1.000000000e+00, v1  }
0x30: {  	v2 =	vshll.u32 v2, $0xC;
	v12 =	vshll.u32 v3, $0x1F;
	v15 =	vshll.u32 v4, $0x1F  }
0x31: {  	v17 =	vshll.u32 v5, $0x1F;
	v19 =	vshll.u32 v7, $0x1F;
	v6 =	vld [tilespmem:s0+$0x50];
	v14 =	vmin.f32 v10, $7.989999770e+00  }
0x32: {  	v18 =	vld [tilespmem:s0+$0x8020];
	v23 =	vshll.u32 v11, $0x1F;
	v8 =	vshll.u32 v8, $0xC;
	v14 =	vmul.f32 $1.280000000e+02, v14  }
0x33: {  	v20 =	vld [tilespmem:s0+$0x8030];
	v9 =	vxor.u32 v13, v9;
	v12 =	vxor.u32 v16, v12;
	v1 =	vshll.u32 v3, $0xC  }
0x34: {  	v3 =	vshll.u32 v4, $0xC;
	v4 =	vshll.u32 v5, $0xC;
	v14 =	vadd.f32 $8.388608000e+06, v14  }
0x35: {  	v22 =	vld [tilespmem:s0+$0x8040];
	v5 =	vshll.u32 v7, $0xC;
	v7 =	vshll.u32 v11, $0xC;
	vm0 =	vgt.f32 v10, $0.0e+00  }
0x36: {  	v24 =	vld [tilespmem:s0+$0x8050];
	v21 =	vshll.u32 v6, $0x1F;
	v6 =	vshll.u32 v6, $0xC;
	v11 =	vand.u32 $0x3FF, v14  }
0x37: {  	v16 =	vld [tilespmem:s0+$0x8060];
	v14 =	vadd.f32 $1.000000000e+00, v9;
	v25 =	vor.u32 v8, v11;
	v8 =	vxor.u32 v18, v15  }
0x38: {  	v11 =	vadd.f32 $1.000000000e+00, v12;
	v12 =	vadd.f32 $1.000000000e+00, v8;
	v8 =	vxor.u32 v20, v17  }
0x39: {  	v15 =	vadd.f32 $1.024000000e+03, v10;
	v17 =	vmin.f32 v14, $7.989999770e+00;
	v9 =	vadd.f32 $1.000000000e+00, v8  }
0x3a: {  	v8 =	vxor.u32 v22, v19;
	v18 =	vmin.f32 v11, $7.989999770e+00;
	v17 =	vmul.f32 $1.280000000e+02, v17  }
0x3b: {  	v13 =	vadd.f32 $1.000000000e+00, v8;
	v8 =	vxor.u32 v24, v21;
	v18 =	vmul.f32 $1.280000000e+02, v18  }
0x3c: {  	v10 =	vadd.f32 $1.000000000e+00, v8;
	v8 =	vxor.u32 v16, v23;
	v16 =	vmin.f32 v12, $7.989999770e+00  }
0x3d: {  	v19 =	vmin.f32 v9, $7.989999770e+00;
	v23 =	vadd.f32 $8.388608000e+06, v17;
	v8 =	vadd.f32 $1.000000000e+00, v8  }
0x3e: {  	v20 =	vmin.f32 v13, $7.989999770e+00;
	v22 =	vmul.f32 $1.280000000e+02, v16;
	v63 =	vmul.f32 $1.280000000e+02, v19  }
0x3f: {  	v19 =	vadd.f32 $8.388608000e+06, v18;
	v21 =	vmin.f32 v10, $7.989999770e+00;
	v17 =	vmul.f32 $1.280000000e+02, v20  }
0x40: {  	s31 =	simm.s32 $0x80;
	[tilespmem:v25+s26+$0x0] =	vst.idx.add.f32.msk vm0, v15;
	v15 =	vand.u32 $0x3FF, v23;
	v16 =	vmin.f32 v8, $7.989999770e+00;
	v18 =	vmul.f32 $1.280000000e+02, v21  }
0x41: {  	s3 =	simm.s32 $0x400;
	s1 =	simm.s32 $0x20;
	s0 =	simm.s32 $0x0;
	v20 =	vadd.f32 $8.388608000e+06, v22;
	v21 =	vadd.f32 $8.388608000e+06, v63;
	v16 =	vmul.f32 $1.280000000e+02, v16  }
.LBB2_4:
0x42: {  	s4 =	sand.u32 $0x7000, s31;
	s5 =	sand.u32 $0xC00, s3;
	s0 =	sadd.s32 $0x8, s0;
	v19 =	vand.u32 $0x3FF, v19;
	v17 =	vadd.f32 $8.388608000e+06, v17;
	v18 =	vadd.f32 $8.388608000e+06, v18  }
0x43: {  	v16 =	vadd.f32 $8.388608000e+06, v16;
	s4 =	sor.u32 s5, s4;
	s5 =	sand.u32 $0x380, s1;
	p0 =	slt.u32 s0, $0x7F8;
	v20 =	vand.u32 $0x3FF, v20;
	v21 =	vand.u32 $0x3FF, v21  }
0x44: {  	v22 =	vadd.f32 $1.024000000e+03, v14;
	s4 =	sor.u32 s5, s4;
	v17 =	vand.u32 $0x3FF, v17;
	v18 =	vand.u32 $0x3FF, v18  }
0x45: {  	v24 =	vadd.f32 $1.024000000e+03, v11;
	v25 =	vadd.f32 $1.024000000e+03, v12;
	v16 =	vand.u32 $0x3FF, v16;
	v23 =	vld [tilespmem:s4+$0x70]  }
0x46: {  	v15 =	vor.u32 v2, v15;
	v27 =	vadd.f32 $1.024000000e+03, v9;
	v28 =	vadd.f32 $1.024000000e+03, v13;
	v26 =	vld [tilespmem:s4+$0x8070]  }
0x47: {  	v29 =	vadd.f32 $1.024000000e+03, v10;
	v30 =	vadd.f32 $1.024000000e+03, v8;
	v19 =	vor.u32 v1, v19;
	v2 =	vld [tilespmem:s4+$0x0]  }
0x48: {  	v20 =	vor.u32 v3, v20;
	v21 =	vor.u32 v4, v21;
	v17 =	vor.u32 v5, v17;
	v1 =	vld [tilespmem:s4+$0x10]  }
0x49: {  	vm4 =	vgt.f32 v14, $0.0e+00;
	v18 =	vor.u32 v6, v18;
	v16 =	vor.u32 v7, v16;
	v3 =	vld [tilespmem:s4+$0x20]  }
0x4a: {  	vm5 =	vgt.f32 v11, $0.0e+00;
	vm3 =	vgt.f32 v12, $0.0e+00;
	v4 =	vld [tilespmem:s4+$0x30];
	v5 =	vshll.u32 v23, $0x1F  }
0x4b: {  	vm2 =	vgt.f32 v9, $0.0e+00;
	vm0 =	vgt.f32 v13, $0.0e+00;
	v6 =	vld [tilespmem:s4+$0x40];
	v5 =	vxor.u32 v26, v5  }
0x4c: {  	v9 =	vshll.u32 v2, $0x1F;
	v2 =	vshll.u32 v2, $0xC;
	v7 =	vld [tilespmem:s4+$0x50];
	v13 =	vadd.f32 $1.000000000e+00, v5  }
0x4d: {  	vm1 =	vgt.f32 v10, $0.0e+00;
	v11 =	vshll.u32 v1, $0x1F;
	v1 =	vshll.u32 v1, $0xC;
	v12 =	vld [tilespmem:s4+$0x60]  }
0x4e: {  	v10 =	vld [tilespmem:s4+$0x8000];
	v26 =	vshll.u32 v3, $0x1F;
	v3 =	vshll.u32 v3, $0xC;
	v5 =	vmin.f32 v13, $7.989999770e+00  }
0x4f: {  	v14 =	vld [tilespmem:s4+$0x8010];
	v31 =	vshll.u32 v4, $0x1F;
	v4 =	vshll.u32 v4, $0xC;
	v32 =	vmul.f32 $1.280000000e+02, v5  }
0x50: {  	vm6 =	vgt.f32 v8, $0.0e+00;
	v33 =	vld [tilespmem:s4+$0x8020];
	v34 =	vshll.u32 v6, $0x1F;
	v5 =	vshll.u32 v6, $0xC  }
0x51: {  	v8 =	vld [tilespmem:s4+$0x8030];
	v35 =	vshll.u32 v7, $0x1F;
	v6 =	vshll.u32 v7, $0xC;
	v32 =	vadd.f32 $8.388608000e+06, v32  }
0x52: {  	v36 =	vld [tilespmem:s4+$0x8040];
	v37 =	vshll.u32 v12, $0x1F;
	v7 =	vshll.u32 v12, $0xC  }
0x53: {  	vm7 =	vgt.f32 v13, $0.0e+00;
	v12 =	vshll.u32 v23, $0xC;
	v38 =	vld [tilespmem:s4+$0x8050];
	v23 =	vand.u32 $0x3FF, v32  }
0x54: {  	v9 =	vxor.u32 v10, v9;
	v10 =	vxor.u32 v14, v11;
	v32 =	vld [tilespmem:s4+$0x8060];
	v23 =	vor.u32 v12, v23  }
0x55: {  	v14 =	vadd.f32 $1.000000000e+00, v9;
	v11 =	vadd.f32 $1.000000000e+00, v10;
	v9 =	vxor.u32 v33, v26;
	[tilespmem:v15+s26+$0x0] =	vst.idx.add.f32.msk vm4, v22  }
0x56: {  	v12 =	vadd.f32 $1.000000000e+00, v9;
	v8 =	vxor.u32 v8, v31;
	[tilespmem:v19+s26+$0x0] =	vst.idx.add.f32.msk vm5, v24  }
0x57: {  	v15 =	vadd.f32 $1.024000000e+03, v13;
	v9 =	vadd.f32 $1.000000000e+00, v8;
	v8 =	vxor.u32 v36, v34;
	[tilespmem:v20+s26+$0x0] =	vst.idx.add.f32.msk vm3, v25  }
0x58: {  	v19 =	vmin.f32 v14, $7.989999770e+00;
	v13 =	vadd.f32 $1.000000000e+00, v8;
	v8 =	vxor.u32 v38, v35;
	[tilespmem:v21+s26+$0x0] =	vst.idx.add.f32.msk vm2, v27  }
0x59: {  	v20 =	vmin.f32 v11, $7.989999770e+00;
	v10 =	vadd.f32 $1.000000000e+00, v8;
	v8 =	vxor.u32 v32, v37;
	[tilespmem:v23+s26+$0x0] =	vst.idx.add.f32.msk vm7, v15  }
0x5a: {  	v15 =	vmin.f32 v12, $7.989999770e+00;
	v21 =	vmin.f32 v9, $7.989999770e+00;
	v8 =	vadd.f32 $1.000000000e+00, v8;
	[tilespmem:v17+s26+$0x0] =	vst.idx.add.f32.msk vm0, v28  }
.Ltmp1:
0x5b: {  	v17 =	vmul.f32 $1.280000000e+02, v19;
	v19 =	vmin.f32 v13, $7.989999770e+00;
	v22 =	vmin.f32 v10, $7.989999770e+00;
	[tilespmem:v18+s26+$0x0] =	vst.idx.add.f32.msk vm1, v29;
	(pc) =	sbr.rel @p0 .LBB2_4-.Ltmp1, $4  }
0x5c: {  	v18 =	vmul.f32 $1.280000000e+02, v20;
	v20 =	vmul.f32 $1.280000000e+02, v15;
	v15 =	vmin.f32 v8, $7.989999770e+00;
	[tilespmem:v16+s26+$0x0] =	vst.idx.add.f32.msk vm6, v30  }
0x5d: {  	v21 =	vmul.f32 $1.280000000e+02, v21;
	v23 =	vadd.f32 $8.388608000e+06, v17;
	v17 =	vmul.f32 $1.280000000e+02, v19  }
0x5e: {  	v19 =	vadd.f32 $8.388608000e+06, v18;
	v18 =	vmul.f32 $1.280000000e+02, v22;
	v16 =	vmul.f32 $1.280000000e+02, v15  }
0x5f: {  	s3 =	sadd.s32 $0x400, s3;
	s31 =	sadd.s32 $0x80, s31;
	s1 =	sadd.s32 $0x20, s1;
	v21 =	vadd.f32 $8.388608000e+06, v21;
	v20 =	vadd.f32 $8.388608000e+06, v20;
	v15 =	vand.u32 $0x3FF, v23  }
0x60: {  	v17 =	vadd.f32 $8.388608000e+06, v17  }
0x61: {  	v19 =	vand.u32 $0x3FF, v19;
	v18 =	vadd.f32 $8.388608000e+06, v18;
	v16 =	vadd.f32 $8.388608000e+06, v16  }
0x62: {  	vm0 =	vgt.f32 v14, $0.0e+00;
	v14 =	vadd.f32 $1.024000000e+03, v14;
	v2 =	vor.u32 v2, v15  }
0x63: {  	vm1 =	vgt.f32 v11, $0.0e+00;
	vm2 =	vgt.f32 v12, $0.0e+00;
	vm3 =	vgt.f32 v9, $0.0e+00  }
0x64: {  	v11 =	vadd.f32 $1.024000000e+03, v11;
	v20 =	vand.u32 $0x3FF, v20;
	v1 =	vor.u32 v1, v19  }
0x65: {  	vm4 =	vgt.f32 v13, $0.0e+00;
	v21 =	vand.u32 $0x3FF, v21;
	v3 =	vor.u32 v3, v20  }
0x66: {  	v12 =	vadd.f32 $1.024000000e+03, v12;
	v15 =	vand.u32 $0x3FF, v17;
	v4 =	vor.u32 v4, v21  }
0x67: {  	vm5 =	vgt.f32 v10, $0.0e+00;
	v17 =	vand.u32 $0x3FF, v18;
	v5 =	vor.u32 v5, v15  }
0x68: {  	vm6 =	vgt.f32 v8, $0.0e+00;
	v15 =	vand.u32 $0x3FF, v16;
	v6 =	vor.u32 v6, v17;
	[tilespmem:v2+s26+$0x0] =	vst.idx.add.f32.msk vm0, v14  }
0x69: {  	v7 =	vor.u32 v7, v15;
	v2 =	vadd.f32 $1.024000000e+03, v9;
	[tilespmem:v1+s26+$0x0] =	vst.idx.add.f32.msk vm1, v11  }
0x6a: {  	v1 =	vadd.f32 $1.024000000e+03, v13;
	[tilespmem:v3+s26+$0x0] =	vst.idx.add.f32.msk vm2, v12  }
0x6b: {  	v3 =	vadd.f32 $1.024000000e+03, v10;
	[tilespmem:v4+s26+$0x0] =	vst.idx.add.f32.msk vm3, v2  }
0x6c: {  	v2 =	vadd.f32 $1.024000000e+03, v8;
	[tilespmem:v5+s26+$0x0] =	vst.idx.add.f32.msk vm4, v1  }
0x6d: {  	[tilespmem:v6+s26+$0x0] =	vst.idx.add.f32.msk vm5, v3  }
0x6e: {  	s0 =	simm.s32 $0x0;
	[tilespmem:v7+s26+$0x0] =	vst.idx.add.f32.msk vm6, v2  }
0x6f: {  	[tilespmem:s22], [sflag:$0x1] =	stream.linear.gather [hbm4b:s6+s0], $0x8000, $0x38;
	[tilespmem:$0x1A000] =	vst v63  }
0x70: {  	s1 =	sand.u32 $0x7000, s0;
	s3 =	sand.u32 $0xC00, s0;
	_ =	swait.ge [sflag:s28], $0x8000  }
0x71: {  	s1 =	sor.u32 s3, s1;
	s0 =	sand.u32 $0x380, s0;
	[sflag:s28] =	ssyncset.done $0x0  }
0x72: {  	s0 =	sor.u32 s0, s1;
	[sflag:s28] =	ssyncadd.s32 $0xFFFF8000  }
0x73: {  	v1 =	vld [tilespmem:s0+$0x70]  }
0x74: {  	v2 =	vld [tilespmem:s0+$0x10070]  }
0x75: {  	v4 =	vld [tilespmem:s0+$0x10]  }
0x76: {  	v5 =	vld [tilespmem:s0+$0x20]  }
0x77: {  	v6 =	vld [tilespmem:s0+$0x30]  }
0x78: {  	v3 =	vld [tilespmem:s0+$0x0]  }
0x79: {  	v8 =	vld [tilespmem:s0+$0x40]  }
0x7a: {  	v7 =	vshll.u32 v1, $0x1F;
	v11 =	vshll.u32 v4, $0x1F;
	v12 =	vshll.u32 v4, $0xC;
	v4 =	vld [tilespmem:s0+$0x10000]  }
0x7b: {  	v14 =	vshll.u32 v5, $0x1F;
	v16 =	vshll.u32 v5, $0xC;
	v5 =	vld [tilespmem:s0+$0x10010];
	v2 =	vxor.u32 v2, v7  }
0x7c: {  	v15 =	vshll.u32 v6, $0x1F;
	v17 =	vshll.u32 v6, $0xC;
	v6 =	vld [tilespmem:s0+$0x10020];
	v9 =	vadd.f32 $1.000000000e+00, v2  }
0x7d: {  	v7 =	vld [tilespmem:s0+$0x50]  }
0x7e: {  	v10 =	vshll.u32 v3, $0xC;
	v2 =	vshll.u32 v3, $0x1F;
	v3 =	vld [tilespmem:s0+$0x60];
	v13 =	vmin.f32 v9, $7.989999770e+00  }
0x7f: {  	v18 =	vshll.u32 v8, $0x1F;
	v13 =	vmul.f32 $1.280000000e+02, v13  }
0x80: {  	v20 =	vld [tilespmem:s0+$0x10030];
	v19 =	vshll.u32 v8, $0xC;
	v1 =	vshll.u32 v1, $0xC;
	vm15 =	vgt.f32 v9, $0.0e+00  }
0x81: {  	v2 =	vxor.u32 v4, v2;
	v5 =	vxor.u32 v5, v11;
	v8 =	vadd.f32 $8.388608000e+06, v13  }
0x82: {  	v6 =	vxor.u32 v6, v14;
	v21 =	vshll.u32 v7, $0x1F;
	v22 =	vshll.u32 v7, $0xC;
	v13 =	vld [tilespmem:s0+$0x10040]  }
0x83: {  	v23 =	vshll.u32 v3, $0x1F;
	v24 =	vshll.u32 v3, $0xC;
	v3 =	vld [tilespmem:s0+$0x10050];
	v4 =	vand.u32 $0x380, v8  }
0x84: {  	v7 =	vadd.f32 $1.000000000e+00, v5;
	v1 =	vor.u32 v1, v4;
	v4 =	vand.u32 $0x7F, v8  }
0x85: {  	v11 =	vld [tilespmem:s0+$0x10060];
	v8 =	vadd.f32 $1.000000000e+00, v2;
	v2 =	vxor.u32 v20, v15;
	v1 =	vor.u32 v4, v1  }
0x86: {  	v5 =	vadd.f32 $1.000000000e+00, v6;
	v6 =	vadd.f32 $1.000000000e+00, v2;
	v20 =	vor.u32 $0x400, v1  }
0x87: {  	v1 =	vxor.u32 v13, v18;
	v18 =	vadd.f32 $1.024000000e+03, v9;
	v9 =	vmin.f32 v8, $7.989999770e+00  }
0x88: {  	v13 =	vmin.f32 v5, $7.989999770e+00;
	v2 =	vadd.f32 $1.000000000e+00, v1;
	v1 =	vxor.u32 v3, v21  }
0x89: {  	v14 =	vmin.f32 v6, $7.989999770e+00;
	v9 =	vmul.f32 $1.280000000e+02, v9;
	v13 =	vmul.f32 $1.280000000e+02, v13  }
0x8a: {  	v3 =	vadd.f32 $1.000000000e+00, v1;
	v1 =	vxor.u32 v11, v23;
	v11 =	vmin.f32 v7, $7.989999770e+00  }
0x8b: {  	v4 =	vadd.f32 $1.000000000e+00, v1;
	v15 =	vmin.f32 v2, $7.989999770e+00;
	v1 =	vadd.f32 $1.024000000e+03, v8  }
0x8c: {  	v11 =	vmul.f32 $1.280000000e+02, v11;
	v25 =	vadd.f32 $8.388608000e+06, v9;
	v9 =	vmul.f32 $1.280000000e+02, v14  }
0x8d: {  	v21 =	vmin.f32 v3, $7.989999770e+00;
	v14 =	vmul.f32 $1.280000000e+02, v15;
	v23 =	vmin.f32 v4, $7.989999770e+00  }
0x8e: {  	v26 =	vadd.f32 $8.388608000e+06, v11;
	v11 =	vmul.f32 $1.280000000e+02, v21;
	v15 =	vand.u32 $0x380, v25  }
0x8f: {  	v27 =	vadd.f32 $8.388608000e+06, v9;
	v21 =	vmul.f32 $1.280000000e+02, v23;
	v23 =	vadd.f32 $8.388608000e+06, v13  }
0x90: {  	v28 =	vadd.f32 $8.388608000e+06, v14;
	v15 =	vor.u32 v10, v15;
	v13 =	vand.u32 $0x380, v26  }
0x91: {  	[tilespmem:v20+s26+$0x0] =	vst.idx.add.f32.msk vm15, v18;
	v9 =	vadd.f32 $8.388608000e+06, v11;
	v20 =	vand.u32 $0x7F, v27;
	v11 =	vand.u32 $0x380, v23  }
0x92: {  	v10 =	vor.u32 v12, v13;
	v12 =	vand.u32 $0x380, v27;
	v13 =	vadd.f32 $8.388608000e+06, v21  }
0x93: {  	v18 =	vand.u32 $0x7F, v28;
	v14 =	vor.u32 v16, v11;
	v11 =	vand.u32 $0x380, v28  }
0x94: {  	v16 =	vor.u32 v17, v12;
	v17 =	vand.u32 $0x380, v9;
	v12 =	vor.u32 v19, v11  }
0x95: {  	s31 =	simm.s32 $0x400;
	v21 =	vand.u32 $0x380, v13;
	v11 =	vor.u32 v22, v17;
	v22 =	vand.u32 $0x7F, v25  }
0x96: {  	s3 =	simm.s32 $0x80;
	s1 =	simm.s32 $0x20;
	s0 =	simm.s32 $0x0;
	v19 =	vand.u32 $0x7F, v26;
	v17 =	vor.u32 v24, v21;
	v21 =	vand.u32 $0x7F, v23  }
.LBB2_6:
0x97: {  	s4 =	sand.u32 $0x7000, s3;
	s5 =	sand.u32 $0xC00, s31;
	s0 =	sadd.s32 $0x8, s0;
	v15 =	vor.u32 v22, v15;
	v9 =	vand.u32 $0x7F, v9;
	v13 =	vand.u32 $0x7F, v13  }
0x98: {  	v10 =	vor.u32 v19, v10;
	v14 =	vor.u32 v21, v14;
	v16 =	vor.u32 v20, v16;
	s4 =	sor.u32 s5, s4;
	s5 =	sand.u32 $0x380, s1;
	p0 =	slt.u32 s0, $0x7F8  }
0x99: {  	v12 =	vor.u32 v18, v12;
	v9 =	vor.u32 v9, v11;
	v11 =	vor.u32 v13, v17;
	s4 =	sor.u32 s5, s4  }
0x9a: {  	v18 =	vadd.f32 $1.024000000e+03, v5;
	v15 =	vor.u32 $0x400, v15;
	v17 =	vadd.f32 $1.024000000e+03, v7;
	v13 =	vld [tilespmem:s4+$0x70]  }
0x9b: {  	v20 =	vadd.f32 $1.024000000e+03, v6;
	v21 =	vadd.f32 $1.024000000e+03, v2;
	v10 =	vor.u32 $0x400, v10;
	v19 =	vld [tilespmem:s4+$0x10070]  }
0x9c: {  	v23 =	vadd.f32 $1.024000000e+03, v3;
	v24 =	vadd.f32 $1.024000000e+03, v4;
	v14 =	vor.u32 $0x400, v14;
	v22 =	vld [tilespmem:s4+$0x0]  }
0x9d: {  	v16 =	vor.u32 $0x400, v16;
	v12 =	vor.u32 $0x400, v12;
	v9 =	vor.u32 $0x400, v9;
	v25 =	vld [tilespmem:s4+$0x10]  }
0x9e: {  	vm6 =	vgt.f32 v8, $0.0e+00;
	vm4 =	vgt.f32 v7, $0.0e+00;
	v11 =	vor.u32 $0x400, v11;
	v26 =	vld [tilespmem:s4+$0x20]  }
0x9f: {  	vm5 =	vgt.f32 v5, $0.0e+00;
	vm3 =	vgt.f32 v6, $0.0e+00;
	v7 =	vld [tilespmem:s4+$0x30];
	v8 =	vshll.u32 v13, $0x1F  }
0xa0: {  	vm2 =	vgt.f32 v2, $0.0e+00;
	vm0 =	vgt.f32 v3, $0.0e+00;
	v5 =	vld [tilespmem:s4+$0x40];
	v6 =	vxor.u32 v19, v8  }
0xa1: {  	v2 =	vshll.u32 v22, $0x1F;
	v19 =	vshll.u32 v22, $0xC;
	v3 =	vld [tilespmem:s4+$0x50];
	v22 =	vadd.f32 $1.000000000e+00, v6  }
0xa2: {  	vm1 =	vgt.f32 v4, $0.0e+00;
	v6 =	vshll.u32 v25, $0x1F;
	v25 =	vshll.u32 v25, $0xC;
	v8 =	vld [tilespmem:s4+$0x60]  }
0xa3: {  	v4 =	vld [tilespmem:s4+$0x10000];
	v27 =	vshll.u32 v26, $0x1F;
	v26 =	vshll.u32 v26, $0xC;
	v28 =	vmin.f32 v22, $7.989999770e+00  }
0xa4: {  	v29 =	vld [tilespmem:s4+$0x10010];
	v30 =	vshll.u32 v7, $0x1F;
	v31 =	vshll.u32 v7, $0xC;
	v7 =	vmul.f32 $1.280000000e+02, v28  }
0xa5: {  	v28 =	vld [tilespmem:s4+$0x10020];
	v32 =	vshll.u32 v5, $0x1F;
	v33 =	vshll.u32 v5, $0xC  }
0xa6: {  	v5 =	vld [tilespmem:s4+$0x10030];
	v34 =	vshll.u32 v3, $0x1F;
	v35 =	vshll.u32 v3, $0xC;
	v3 =	vadd.f32 $8.388608000e+06, v7  }
0xa7: {  	v36 =	vld [tilespmem:s4+$0x10040];
	v37 =	vshll.u32 v8, $0x1F;
	v38 =	vshll.u32 v8, $0xC  }
0xa8: {  	v8 =	vshll.u32 v13, $0xC;
	v2 =	vxor.u32 v4, v2;
	v4 =	vld [tilespmem:s4+$0x10050];
	v7 =	vand.u32 $0x380, v3  }
0xa9: {  	v3 =	vand.u32 $0x7F, v3;
	v6 =	vxor.u32 v29, v6;
	v13 =	vld [tilespmem:s4+$0x10060];
	v7 =	vor.u32 v8, v7  }
0xaa: {  	vm7 =	vgt.f32 v22, $0.0e+00;
	v27 =	vxor.u32 v28, v27;
	v3 =	vor.u32 v3, v7;
	[tilespmem:v15+s26+$0x0] =	vst.idx.add.f32.msk vm6, v1  }
0xab: {  	v8 =	vadd.f32 $1.000000000e+00, v2;
	v1 =	vxor.u32 v5, v30;
	v15 =	vor.u32 $0x400, v3;
	[tilespmem:v10+s26+$0x0] =	vst.idx.add.f32.msk vm4, v17  }
0xac: {  	v7 =	vadd.f32 $1.000000000e+00, v6;
	v5 =	vadd.f32 $1.000000000e+00, v27;
	v2 =	vxor.u32 v36, v32;
	[tilespmem:v14+s26+$0x0] =	vst.idx.add.f32.msk vm5, v18  }
0xad: {  	v6 =	vadd.f32 $1.000000000e+00, v1;
	v2 =	vadd.f32 $1.000000000e+00, v2;
	v1 =	vxor.u32 v4, v34;
	[tilespmem:v16+s26+$0x0] =	vst.idx.add.f32.msk vm3, v20  }
0xae: {  	v10 =	vadd.f32 $1.024000000e+03, v22;
	v3 =	vadd.f32 $1.000000000e+00, v1;
	v1 =	vxor.u32 v13, v37;
	[tilespmem:v12+s26+$0x0] =	vst.idx.add.f32.msk vm2, v21  }
0xaf: {  	v12 =	vmin.f32 v8, $7.989999770e+00;
	v13 =	vmin.f32 v7, $7.989999770e+00;
	v4 =	vadd.f32 $1.000000000e+00, v1;
	[tilespmem:v9+s26+$0x0] =	vst.idx.add.f32.msk vm0, v23  }
0xb0: {  	v14 =	vmin.f32 v6, $7.989999770e+00;
	v9 =	vmin.f32 v5, $7.989999770e+00;
	v16 =	vmin.f32 v2, $7.989999770e+00;
	[tilespmem:v15+s26+$0x0] =	vst.idx.add.f32.msk vm7, v10  }
0xb1: {  	v10 =	vmul.f32 $1.280000000e+02, v12;
	v12 =	vmin.f32 v3, $7.989999770e+00;
	v15 =	vmin.f32 v4, $7.989999770e+00;
	[tilespmem:v11+s26+$0x0] =	vst.idx.add.f32.msk vm1, v24  }
0xb2: {  	v1 =	vadd.f32 $1.024000000e+03, v8;
	v9 =	vmul.f32 $1.280000000e+02, v9;
	v11 =	vmul.f32 $1.280000000e+02, v13  }
0xb3: {  	v13 =	vmul.f32 $1.280000000e+02, v16;
	v17 =	vadd.f32 $8.388608000e+06, v10;
	v10 =	vmul.f32 $1.280000000e+02, v14  }
0xb4: {  	v18 =	vadd.f32 $8.388608000e+06, v11;
	v11 =	vmul.f32 $1.280000000e+02, v12;
	v12 =	vmul.f32 $1.280000000e+02, v15  }
0xb5: {  	v20 =	vadd.f32 $8.388608000e+06, v9;
	v14 =	vand.u32 $0x380, v17;
	v23 =	vadd.f32 $8.388608000e+06, v10  }
0xb6: {  	v24 =	vadd.f32 $8.388608000e+06, v13;
	v10 =	vand.u32 $0x380, v18;
	v9 =	vadd.f32 $8.388608000e+06, v11  }
0xb7: {  	v11 =	vand.u32 $0x380, v20;
	v13 =	vadd.f32 $8.388608000e+06, v12;
	v16 =	vand.u32 $0x380, v23  }
.Ltmp2:
0xb8: {  	v15 =	vor.u32 v19, v14;
	v12 =	vand.u32 $0x380, v24;
	v19 =	vand.u32 $0x380, v9;
	(pc) =	sbr.rel @p0 .LBB2_6-.Ltmp2, $4  }
0xb9: {  	v10 =	vor.u32 v25, v10;
	v14 =	vor.u32 v26, v11;
	v21 =	vand.u32 $0x380, v13  }
0xba: {  	v12 =	vor.u32 v33, v12;
	v16 =	vor.u32 v31, v16;
	v11 =	vor.u32 v35, v19  }
0xbb: {  	v22 =	vand.u32 $0x7F, v17;
	v19 =	vand.u32 $0x7F, v18;
	v17 =	vor.u32 v38, v21  }
0xbc: {  	s31 =	sadd.s32 $0x400, s31;
	s3 =	sadd.s32 $0x80, s3;
	s1 =	sadd.s32 $0x20, s1;
	v21 =	vand.u32 $0x7F, v20;
	v20 =	vand.u32 $0x7F, v23;
	v18 =	vand.u32 $0x7F, v24  }
0xbd: {  	v15 =	vor.u32 v22, v15;
	v9 =	vand.u32 $0x7F, v9;
	v13 =	vand.u32 $0x7F, v13  }
0xbe: {  	v10 =	vor.u32 v19, v10;
	v14 =	vor.u32 v21, v14;
	vm0 =	vgt.f32 v8, $0.0e+00  }
0xbf: {  	v8 =	vor.u32 v20, v16;
	vm1 =	vgt.f32 v7, $0.0e+00;
	v15 =	vor.u32 $0x400, v15  }
0xc0: {  	v12 =	vor.u32 v18, v12;
	vm2 =	vgt.f32 v5, $0.0e+00;
	v10 =	vor.u32 $0x400, v10  }
0xc1: {  	vm4 =	vgt.f32 v2, $0.0e+00;
	v9 =	vor.u32 v9, v11;
	v11 =	vor.u32 $0x400, v14  }
0xc2: {  	vm3 =	vgt.f32 v6, $0.0e+00;
	v7 =	vadd.f32 $1.024000000e+03, v7;
	v12 =	vor.u32 $0x400, v12  }
0xc3: {  	vm5 =	vgt.f32 v3, $0.0e+00;
	v5 =	vadd.f32 $1.024000000e+03, v5;
	v8 =	vor.u32 $0x400, v8  }
0xc4: {  	vm6 =	vgt.f32 v4, $0.0e+00;
	v13 =	vor.u32 v13, v17;
	v9 =	vor.u32 $0x400, v9;
	[tilespmem:v15+s26+$0x0] =	vst.idx.add.f32.msk vm0, v1  }
0xc5: {  	v2 =	vadd.f32 $1.024000000e+03, v2;
	v1 =	vadd.f32 $1.024000000e+03, v6;
	v6 =	vor.u32 $0x400, v13;
	[tilespmem:v10+s26+$0x0] =	vst.idx.add.f32.msk vm1, v7  }
0xc6: {  	[tilespmem:v11+s26+$0x0] =	vst.idx.add.f32.msk vm2, v5  }
0xc7: {  	v3 =	vadd.f32 $1.024000000e+03, v3;
	[tilespmem:v12+s26+$0x0] =	vst.idx.add.f32.msk vm4, v2  }
0xc8: {  	[tilespmem:v8+s26+$0x0] =	vst.idx.add.f32.msk vm3, v1;
	v1 =	vadd.f32 $1.024000000e+03, v4  }
0xc9: {  	[tilespmem:v9+s26+$0x0] =	vst.idx.add.f32.msk vm5, v3  }
0xca: {  	s0 =	simm.s32 $0x0;
	[tilespmem:v6+s26+$0x0] =	vst.idx.add.f32.msk vm6, v1  }
0xcb: {  	[tilespmem:s24], [sflag:$0x2] =	stream.linear.gather [hbm4b:s7+s0], $0x8000, $0x38;
	[tilespmem:$0x1A000] =	vst v63  }
0xcc: {  	s1 =	sand.u32 $0x7000, s0;
	s3 =	sand.u32 $0xC00, s0;
	_ =	swait.ge [sflag:s25], $0x8000  }
0xcd: {  	s1 =	sor.u32 s3, s1;
	s0 =	sand.u32 $0x380, s0;
	[sflag:s25] =	ssyncset.done $0x0  }
0xce: {  	s0 =	sor.u32 s0, s1;
	[sflag:s25] =	ssyncadd.s32 $0xFFFF8000  }
0xcf: {  	v1 =	vld [tilespmem:s0+$0x70]  }
0xd0: {  	v2 =	vld [tilespmem:s0+$0x8070]  }
0xd1: {  	v4 =	vld [tilespmem:s0+$0x10]  }
0xd2: {  	v5 =	vld [tilespmem:s0+$0x20]  }
0xd3: {  	v6 =	vld [tilespmem:s0+$0x30]  }
0xd4: {  	v3 =	vld [tilespmem:s0+$0x0]  }
0xd5: {  	v8 =	vld [tilespmem:s0+$0x40]  }
0xd6: {  	v7 =	vshll.u32 v1, $0x1F;
	v11 =	vshll.u32 v4, $0x1F;
	v12 =	vshll.u32 v4, $0xC;
	v4 =	vld [tilespmem:s0+$0x8000]  }
0xd7: {  	v14 =	vshll.u32 v5, $0x1F;
	v16 =	vshll.u32 v5, $0xC;
	v5 =	vld [tilespmem:s0+$0x8010];
	v2 =	vxor.u32 v2, v7  }
0xd8: {  	v15 =	vshll.u32 v6, $0x1F;
	v17 =	vshll.u32 v6, $0xC;
	v6 =	vld [tilespmem:s0+$0x8020];
	v9 =	vadd.f32 $1.000000000e+00, v2  }
0xd9: {  	v7 =	vld [tilespmem:s0+$0x50]  }
0xda: {  	v10 =	vshll.u32 v3, $0xC;
	v2 =	vshll.u32 v3, $0x1F;
	v3 =	vld [tilespmem:s0+$0x60];
	v13 =	vmin.f32 v9, $7.989999770e+00  }
0xdb: {  	v18 =	vshll.u32 v8, $0x1F;
	v13 =	vmul.f32 $1.280000000e+02, v13  }
0xdc: {  	v20 =	vld [tilespmem:s0+$0x8030];
	v19 =	vshll.u32 v8, $0xC;
	v1 =	vshll.u32 v1, $0xC;
	vm15 =	vgt.f32 v9, $0.0e+00  }
0xdd: {  	v2 =	vxor.u32 v4, v2;
	v5 =	vxor.u32 v5, v11;
	v8 =	vadd.f32 $8.388608000e+06, v13  }
0xde: {  	v6 =	vxor.u32 v6, v14;
	v21 =	vshll.u32 v7, $0x1F;
	v22 =	vshll.u32 v7, $0xC;
	v13 =	vld [tilespmem:s0+$0x8040]  }
0xdf: {  	v23 =	vshll.u32 v3, $0x1F;
	v24 =	vshll.u32 v3, $0xC;
	v3 =	vld [tilespmem:s0+$0x8050];
	v4 =	vand.u32 $0x380, v8  }
0xe0: {  	v7 =	vadd.f32 $1.000000000e+00, v5;
	v1 =	vor.u32 v1, v4;
	v4 =	vand.u32 $0x7F, v8  }
0xe1: {  	v11 =	vld [tilespmem:s0+$0x8060];
	v8 =	vadd.f32 $1.000000000e+00, v2;
	v2 =	vxor.u32 v20, v15;
	v1 =	vor.u32 v4, v1  }
0xe2: {  	v5 =	vadd.f32 $1.000000000e+00, v6;
	v6 =	vadd.f32 $1.000000000e+00, v2;
	v20 =	vor.u32 $0x800, v1  }
0xe3: {  	v1 =	vxor.u32 v13, v18;
	v18 =	vadd.f32 $1.024000000e+03, v9;
	v9 =	vmin.f32 v8, $7.989999770e+00  }
0xe4: {  	v13 =	vmin.f32 v5, $7.989999770e+00;
	v2 =	vadd.f32 $1.000000000e+00, v1;
	v1 =	vxor.u32 v3, v21  }
0xe5: {  	v14 =	vmin.f32 v6, $7.989999770e+00;
	v9 =	vmul.f32 $1.280000000e+02, v9;
	v13 =	vmul.f32 $1.280000000e+02, v13  }
0xe6: {  	v3 =	vadd.f32 $1.000000000e+00, v1;
	v1 =	vxor.u32 v11, v23;
	v11 =	vmin.f32 v7, $7.989999770e+00  }
0xe7: {  	v4 =	vadd.f32 $1.000000000e+00, v1;
	v15 =	vmin.f32 v2, $7.989999770e+00;
	v1 =	vadd.f32 $1.024000000e+03, v8  }
0xe8: {  	v11 =	vmul.f32 $1.280000000e+02, v11;
	v25 =	vadd.f32 $8.388608000e+06, v9;
	v9 =	vmul.f32 $1.280000000e+02, v14  }
0xe9: {  	v21 =	vmin.f32 v3, $7.989999770e+00;
	v14 =	vmul.f32 $1.280000000e+02, v15;
	v23 =	vmin.f32 v4, $7.989999770e+00  }
0xea: {  	v26 =	vadd.f32 $8.388608000e+06, v11;
	v11 =	vmul.f32 $1.280000000e+02, v21;
	v15 =	vand.u32 $0x380, v25  }
0xeb: {  	v27 =	vadd.f32 $8.388608000e+06, v9;
	v21 =	vmul.f32 $1.280000000e+02, v23;
	v23 =	vadd.f32 $8.388608000e+06, v13  }
0xec: {  	v28 =	vadd.f32 $8.388608000e+06, v14;
	v15 =	vor.u32 v10, v15;
	v13 =	vand.u32 $0x380, v26  }
0xed: {  	[tilespmem:v20+s26+$0x0] =	vst.idx.add.f32.msk vm15, v18;
	v9 =	vadd.f32 $8.388608000e+06, v11;
	v20 =	vand.u32 $0x7F, v27;
	v11 =	vand.u32 $0x380, v23  }
0xee: {  	v10 =	vor.u32 v12, v13;
	v12 =	vand.u32 $0x380, v27;
	v13 =	vadd.f32 $8.388608000e+06, v21  }
0xef: {  	v18 =	vand.u32 $0x7F, v28;
	v14 =	vor.u32 v16, v11;
	v11 =	vand.u32 $0x380, v28  }
0xf0: {  	v16 =	vor.u32 v17, v12;
	v17 =	vand.u32 $0x380, v9;
	v12 =	vor.u32 v19, v11  }
0xf1: {  	s31 =	simm.s32 $0x400;
	v21 =	vand.u32 $0x380, v13;
	v11 =	vor.u32 v22, v17;
	v22 =	vand.u32 $0x7F, v25  }
0xf2: {  	s3 =	simm.s32 $0x80;
	s1 =	simm.s32 $0x20;
	s0 =	simm.s32 $0x0;
	v19 =	vand.u32 $0x7F, v26;
	v17 =	vor.u32 v24, v21;
	v21 =	vand.u32 $0x7F, v23  }
.LBB2_8:
0xf3: {  	s4 =	sand.u32 $0x7000, s3;
	s5 =	sand.u32 $0xC00, s31;
	s0 =	sadd.s32 $0x8, s0;
	v15 =	vor.u32 v22, v15;
	v9 =	vand.u32 $0x7F, v9;
	v13 =	vand.u32 $0x7F, v13  }
0xf4: {  	v10 =	vor.u32 v19, v10;
	v14 =	vor.u32 v21, v14;
	v16 =	vor.u32 v20, v16;
	s4 =	sor.u32 s5, s4;
	s5 =	sand.u32 $0x380, s1;
	p0 =	slt.u32 s0, $0x7F8  }
0xf5: {  	v12 =	vor.u32 v18, v12;
	v9 =	vor.u32 v9, v11;
	v11 =	vor.u32 v13, v17;
	s4 =	sor.u32 s5, s4  }
0xf6: {  	v18 =	vadd.f32 $1.024000000e+03, v5;
	v15 =	vor.u32 $0x800, v15;
	v17 =	vadd.f32 $1.024000000e+03, v7;
	v13 =	vld [tilespmem:s4+$0x70]  }
0xf7: {  	v20 =	vadd.f32 $1.024000000e+03, v6;
	v21 =	vadd.f32 $1.024000000e+03, v2;
	v10 =	vor.u32 $0x800, v10;
	v19 =	vld [tilespmem:s4+$0x8070]  }
0xf8: {  	v23 =	vadd.f32 $1.024000000e+03, v3;
	v24 =	vadd.f32 $1.024000000e+03, v4;
	v14 =	vor.u32 $0x800, v14;
	v22 =	vld [tilespmem:s4+$0x0]  }
0xf9: {  	v16 =	vor.u32 $0x800, v16;
	v12 =	vor.u32 $0x800, v12;
	v9 =	vor.u32 $0x800, v9;
	v25 =	vld [tilespmem:s4+$0x10]  }
0xfa: {  	vm6 =	vgt.f32 v8, $0.0e+00;
	vm4 =	vgt.f32 v7, $0.0e+00;
	v11 =	vor.u32 $0x800, v11;
	v26 =	vld [tilespmem:s4+$0x20]  }
0xfb: {  	vm5 =	vgt.f32 v5, $0.0e+00;
	vm3 =	vgt.f32 v6, $0.0e+00;
	v7 =	vld [tilespmem:s4+$0x30];
	v8 =	vshll.u32 v13, $0x1F  }
0xfc: {  	vm2 =	vgt.f32 v2, $0.0e+00;
	vm0 =	vgt.f32 v3, $0.0e+00;
	v5 =	vld [tilespmem:s4+$0x40];
	v6 =	vxor.u32 v19, v8  }
0xfd: {  	v2 =	vshll.u32 v22, $0x1F;
	v19 =	vshll.u32 v22, $0xC;
	v3 =	vld [tilespmem:s4+$0x50];
	v22 =	vadd.f32 $1.000000000e+00, v6  }
0xfe: {  	vm1 =	vgt.f32 v4, $0.0e+00;
	v6 =	vshll.u32 v25, $0x1F;
	v25 =	vshll.u32 v25, $0xC;
	v8 =	vld [tilespmem:s4+$0x60]  }
0xff: {  	v4 =	vld [tilespmem:s4+$0x8000];
	v27 =	vshll.u32 v26, $0x1F;
	v26 =	vshll.u32 v26, $0xC;
	v28 =	vmin.f32 v22, $7.989999770e+00  }
0x100: {  	v29 =	vld [tilespmem:s4+$0x8010];
	v30 =	vshll.u32 v7, $0x1F;
	v31 =	vshll.u32 v7, $0xC;
	v7 =	vmul.f32 $1.280000000e+02, v28  }
0x101: {  	v28 =	vld [tilespmem:s4+$0x8020];
	v32 =	vshll.u32 v5, $0x1F;
	v33 =	vshll.u32 v5, $0xC  }
0x102: {  	v5 =	vld [tilespmem:s4+$0x8030];
	v34 =	vshll.u32 v3, $0x1F;
	v35 =	vshll.u32 v3, $0xC;
	v3 =	vadd.f32 $8.388608000e+06, v7  }
0x103: {  	v36 =	vld [tilespmem:s4+$0x8040];
	v37 =	vshll.u32 v8, $0x1F;
	v38 =	vshll.u32 v8, $0xC  }
0x104: {  	v8 =	vshll.u32 v13, $0xC;
	v2 =	vxor.u32 v4, v2;
	v4 =	vld [tilespmem:s4+$0x8050];
	v7 =	vand.u32 $0x380, v3  }
0x105: {  	v3 =	vand.u32 $0x7F, v3;
	v6 =	vxor.u32 v29, v6;
	v13 =	vld [tilespmem:s4+$0x8060];
	v7 =	vor.u32 v8, v7  }
0x106: {  	vm7 =	vgt.f32 v22, $0.0e+00;
	v27 =	vxor.u32 v28, v27;
	v3 =	vor.u32 v3, v7;
	[tilespmem:v15+s26+$0x0] =	vst.idx.add.f32.msk vm6, v1  }
0x107: {  	v8 =	vadd.f32 $1.000000000e+00, v2;
	v1 =	vxor.u32 v5, v30;
	v15 =	vor.u32 $0x800, v3;
	[tilespmem:v10+s26+$0x0] =	vst.idx.add.f32.msk vm4, v17  }
0x108: {  	v7 =	vadd.f32 $1.000000000e+00, v6;
	v5 =	vadd.f32 $1.000000000e+00, v27;
	v2 =	vxor.u32 v36, v32;
	[tilespmem:v14+s26+$0x0] =	vst.idx.add.f32.msk vm5, v18  }
0x109: {  	v6 =	vadd.f32 $1.000000000e+00, v1;
	v2 =	vadd.f32 $1.000000000e+00, v2;
	v1 =	vxor.u32 v4, v34;
	[tilespmem:v16+s26+$0x0] =	vst.idx.add.f32.msk vm3, v20  }
0x10a: {  	v10 =	vadd.f32 $1.024000000e+03, v22;
	v3 =	vadd.f32 $1.000000000e+00, v1;
	v1 =	vxor.u32 v13, v37;
	[tilespmem:v12+s26+$0x0] =	vst.idx.add.f32.msk vm2, v21  }
0x10b: {  	v12 =	vmin.f32 v8, $7.989999770e+00;
	v13 =	vmin.f32 v7, $7.989999770e+00;
	v4 =	vadd.f32 $1.000000000e+00, v1;
	[tilespmem:v9+s26+$0x0] =	vst.idx.add.f32.msk vm0, v23  }
0x10c: {  	v14 =	vmin.f32 v6, $7.989999770e+00;
	v9 =	vmin.f32 v5, $7.989999770e+00;
	v16 =	vmin.f32 v2, $7.989999770e+00;
	[tilespmem:v15+s26+$0x0] =	vst.idx.add.f32.msk vm7, v10  }
0x10d: {  	v10 =	vmul.f32 $1.280000000e+02, v12;
	v12 =	vmin.f32 v3, $7.989999770e+00;
	v15 =	vmin.f32 v4, $7.989999770e+00;
	[tilespmem:v11+s26+$0x0] =	vst.idx.add.f32.msk vm1, v24  }
0x10e: {  	v1 =	vadd.f32 $1.024000000e+03, v8;
	v9 =	vmul.f32 $1.280000000e+02, v9;
	v11 =	vmul.f32 $1.280000000e+02, v13  }
0x10f: {  	v13 =	vmul.f32 $1.280000000e+02, v16;
	v17 =	vadd.f32 $8.388608000e+06, v10;
	v10 =	vmul.f32 $1.280000000e+02, v14  }
0x110: {  	v18 =	vadd.f32 $8.388608000e+06, v11;
	v11 =	vmul.f32 $1.280000000e+02, v12;
	v12 =	vmul.f32 $1.280000000e+02, v15  }
0x111: {  	v20 =	vadd.f32 $8.388608000e+06, v9;
	v14 =	vand.u32 $0x380, v17;
	v23 =	vadd.f32 $8.388608000e+06, v10  }
0x112: {  	v24 =	vadd.f32 $8.388608000e+06, v13;
	v10 =	vand.u32 $0x380, v18;
	v9 =	vadd.f32 $8.388608000e+06, v11  }
0x113: {  	v11 =	vand.u32 $0x380, v20;
	v13 =	vadd.f32 $8.388608000e+06, v12;
	v16 =	vand.u32 $0x380, v23  }
.Ltmp3:
0x114: {  	v15 =	vor.u32 v19, v14;
	v12 =	vand.u32 $0x380, v24;
	v19 =	vand.u32 $0x380, v9;
	(pc) =	sbr.rel @p0 .LBB2_8-.Ltmp3, $4  }
0x115: {  	v10 =	vor.u32 v25, v10;
	v14 =	vor.u32 v26, v11;
	v21 =	vand.u32 $0x380, v13  }
0x116: {  	v12 =	vor.u32 v33, v12;
	v16 =	vor.u32 v31, v16;
	v11 =	vor.u32 v35, v19  }
0x117: {  	v22 =	vand.u32 $0x7F, v17;
	v19 =	vand.u32 $0x7F, v18;
	v17 =	vor.u32 v38, v21  }
0x118: {  	s31 =	sadd.s32 $0x400, s31;
	s3 =	sadd.s32 $0x80, s3;
	s1 =	sadd.s32 $0x20, s1;
	v21 =	vand.u32 $0x7F, v20;
	v20 =	vand.u32 $0x7F, v23;
	v18 =	vand.u32 $0x7F, v24  }
0x119: {  	v15 =	vor.u32 v22, v15;
	v9 =	vand.u32 $0x7F, v9;
	v13 =	vand.u32 $0x7F, v13  }
0x11a: {  	v10 =	vor.u32 v19, v10;
	v14 =	vor.u32 v21, v14;
	vm0 =	vgt.f32 v8, $0.0e+00  }
0x11b: {  	v8 =	vor.u32 v20, v16;
	vm1 =	vgt.f32 v7, $0.0e+00;
	v15 =	vor.u32 $0x800, v15  }
0x11c: {  	v12 =	vor.u32 v18, v12;
	vm2 =	vgt.f32 v5, $0.0e+00;
	v10 =	vor.u32 $0x800, v10  }
0x11d: {  	vm4 =	vgt.f32 v2, $0.0e+00;
	v9 =	vor.u32 v9, v11;
	v11 =	vor.u32 $0x800, v14  }
0x11e: {  	vm3 =	vgt.f32 v6, $0.0e+00;
	v7 =	vadd.f32 $1.024000000e+03, v7;
	v12 =	vor.u32 $0x800, v12  }
0x11f: {  	vm5 =	vgt.f32 v3, $0.0e+00;
	v5 =	vadd.f32 $1.024000000e+03, v5;
	v8 =	vor.u32 $0x800, v8  }
0x120: {  	vm6 =	vgt.f32 v4, $0.0e+00;
	v13 =	vor.u32 v13, v17;
	v9 =	vor.u32 $0x800, v9;
	[tilespmem:v15+s26+$0x0] =	vst.idx.add.f32.msk vm0, v1  }
0x121: {  	v2 =	vadd.f32 $1.024000000e+03, v2;
	v1 =	vadd.f32 $1.024000000e+03, v6;
	v6 =	vor.u32 $0x800, v13;
	[tilespmem:v10+s26+$0x0] =	vst.idx.add.f32.msk vm1, v7  }
0x122: {  	[tilespmem:v11+s26+$0x0] =	vst.idx.add.f32.msk vm2, v5  }
0x123: {  	v3 =	vadd.f32 $1.024000000e+03, v3;
	[tilespmem:v12+s26+$0x0] =	vst.idx.add.f32.msk vm4, v2  }
0x124: {  	[tilespmem:v8+s26+$0x0] =	vst.idx.add.f32.msk vm3, v1;
	v1 =	vadd.f32 $1.024000000e+03, v4  }
0x125: {  	[tilespmem:v9+s26+$0x0] =	vst.idx.add.f32.msk vm5, v3  }
0x126: {  	s0 =	simm.s32 $0x0;
	[tilespmem:v6+s26+$0x0] =	vst.idx.add.f32.msk vm6, v1  }
0x127: {  	[tilespmem:s22], [sflag:$0x1] =	stream.linear.gather [hbm4b:s8+s0], $0x8000, $0x38;
	[tilespmem:$0x1A000] =	vst v63  }
0x128: {  	s1 =	sand.u32 $0x7000, s0;
	s3 =	sand.u32 $0xC00, s0;
	_ =	swait.ge [sflag:s28], $0x8000  }
0x129: {  	s1 =	sor.u32 s3, s1;
	s0 =	sand.u32 $0x380, s0;
	[sflag:s28] =	ssyncset.done $0x0  }
0x12a: {  	s0 =	sor.u32 s0, s1;
	[sflag:s28] =	ssyncadd.s32 $0xFFFF8000  }
0x12b: {  	v1 =	vld [tilespmem:s0+$0x70]  }
0x12c: {  	v2 =	vld [tilespmem:s0+$0x10070]  }
0x12d: {  	v4 =	vld [tilespmem:s0+$0x10]  }
0x12e: {  	v5 =	vld [tilespmem:s0+$0x20]  }
0x12f: {  	v6 =	vld [tilespmem:s0+$0x30]  }
0x130: {  	v3 =	vld [tilespmem:s0+$0x0]  }
0x131: {  	v8 =	vld [tilespmem:s0+$0x40]  }
0x132: {  	v7 =	vshll.u32 v1, $0x1F;
	v11 =	vshll.u32 v4, $0x1F;
	v12 =	vshll.u32 v4, $0xC;
	v4 =	vld [tilespmem:s0+$0x10000]  }
0x133: {  	v14 =	vshll.u32 v5, $0x1F;
	v16 =	vshll.u32 v5, $0xC;
	v5 =	vld [tilespmem:s0+$0x10010];
	v2 =	vxor.u32 v2, v7  }
0x134: {  	v15 =	vshll.u32 v6, $0x1F;
	v17 =	vshll.u32 v6, $0xC;
	v6 =	vld [tilespmem:s0+$0x10020];
	v9 =	vadd.f32 $1.000000000e+00, v2  }
0x135: {  	v7 =	vld [tilespmem:s0+$0x50]  }
0x136: {  	v10 =	vshll.u32 v3, $0xC;
	v2 =	vshll.u32 v3, $0x1F;
	v3 =	vld [tilespmem:s0+$0x60];
	v13 =	vmin.f32 v9, $7.989999770e+00  }
0x137: {  	v18 =	vshll.u32 v8, $0x1F;
	v13 =	vmul.f32 $1.280000000e+02, v13  }
0x138: {  	v20 =	vld [tilespmem:s0+$0x10030];
	v19 =	vshll.u32 v8, $0xC;
	v1 =	vshll.u32 v1, $0xC;
	vm15 =	vgt.f32 v9, $0.0e+00  }
0x139: {  	v2 =	vxor.u32 v4, v2;
	v5 =	vxor.u32 v5, v11;
	v8 =	vadd.f32 $8.388608000e+06, v13  }
0x13a: {  	v6 =	vxor.u32 v6, v14;
	v21 =	vshll.u32 v7, $0x1F;
	v22 =	vshll.u32 v7, $0xC;
	v13 =	vld [tilespmem:s0+$0x10040]  }
0x13b: {  	v23 =	vshll.u32 v3, $0x1F;
	v24 =	vshll.u32 v3, $0xC;
	v3 =	vld [tilespmem:s0+$0x10050];
	v4 =	vand.u32 $0x380, v8  }
0x13c: {  	v7 =	vadd.f32 $1.000000000e+00, v5;
	v1 =	vor.u32 v1, v4;
	v4 =	vand.u32 $0x7F, v8  }
0x13d: {  	v11 =	vld [tilespmem:s0+$0x10060];
	v8 =	vadd.f32 $1.000000000e+00, v2;
	v2 =	vxor.u32 v20, v15;
	v1 =	vor.u32 v4, v1  }
0x13e: {  	v5 =	vadd.f32 $1.000000000e+00, v6;
	v6 =	vadd.f32 $1.000000000e+00, v2;
	v20 =	vor.u32 $0xC00, v1  }
0x13f: {  	v1 =	vxor.u32 v13, v18;
	v18 =	vadd.f32 $1.024000000e+03, v9;
	v9 =	vmin.f32 v8, $7.989999770e+00  }
0x140: {  	v13 =	vmin.f32 v5, $7.989999770e+00;
	v2 =	vadd.f32 $1.000000000e+00, v1;
	v1 =	vxor.u32 v3, v21  }
0x141: {  	v14 =	vmin.f32 v6, $7.989999770e+00;
	v9 =	vmul.f32 $1.280000000e+02, v9;
	v13 =	vmul.f32 $1.280000000e+02, v13  }
0x142: {  	v3 =	vadd.f32 $1.000000000e+00, v1;
	v1 =	vxor.u32 v11, v23;
	v11 =	vmin.f32 v7, $7.989999770e+00  }
0x143: {  	v4 =	vadd.f32 $1.000000000e+00, v1;
	v15 =	vmin.f32 v2, $7.989999770e+00;
	v1 =	vadd.f32 $1.024000000e+03, v8  }
0x144: {  	v11 =	vmul.f32 $1.280000000e+02, v11;
	v25 =	vadd.f32 $8.388608000e+06, v9;
	v9 =	vmul.f32 $1.280000000e+02, v14  }
0x145: {  	v21 =	vmin.f32 v3, $7.989999770e+00;
	v14 =	vmul.f32 $1.280000000e+02, v15;
	v23 =	vmin.f32 v4, $7.989999770e+00  }
0x146: {  	v26 =	vadd.f32 $8.388608000e+06, v11;
	v11 =	vmul.f32 $1.280000000e+02, v21;
	v15 =	vand.u32 $0x380, v25  }
0x147: {  	v27 =	vadd.f32 $8.388608000e+06, v9;
	v21 =	vmul.f32 $1.280000000e+02, v23;
	v23 =	vadd.f32 $8.388608000e+06, v13  }
0x148: {  	v28 =	vadd.f32 $8.388608000e+06, v14;
	v15 =	vor.u32 v10, v15;
	v13 =	vand.u32 $0x380, v26  }
0x149: {  	[tilespmem:v20+s26+$0x0] =	vst.idx.add.f32.msk vm15, v18;
	v9 =	vadd.f32 $8.388608000e+06, v11;
	v20 =	vand.u32 $0x7F, v27;
	v11 =	vand.u32 $0x380, v23  }
0x14a: {  	v10 =	vor.u32 v12, v13;
	v12 =	vand.u32 $0x380, v27;
	v13 =	vadd.f32 $8.388608000e+06, v21  }
0x14b: {  	v18 =	vand.u32 $0x7F, v28;
	v14 =	vor.u32 v16, v11;
	v11 =	vand.u32 $0x380, v28  }
0x14c: {  	v16 =	vor.u32 v17, v12;
	v17 =	vand.u32 $0x380, v9;
	v12 =	vor.u32 v19, v11  }
0x14d: {  	s31 =	simm.s32 $0x400;
	v21 =	vand.u32 $0x380, v13;
	v11 =	vor.u32 v22, v17;
	v22 =	vand.u32 $0x7F, v25  }
0x14e: {  	s3 =	simm.s32 $0x80;
	s1 =	simm.s32 $0x20;
	s0 =	simm.s32 $0x0;
	v19 =	vand.u32 $0x7F, v26;
	v17 =	vor.u32 v24, v21;
	v21 =	vand.u32 $0x7F, v23  }
.LBB2_10:
0x14f: {  	s4 =	sand.u32 $0x7000, s3;
	s5 =	sand.u32 $0xC00, s31;
	s0 =	sadd.s32 $0x8, s0;
	v15 =	vor.u32 v22, v15;
	v9 =	vand.u32 $0x7F, v9;
	v13 =	vand.u32 $0x7F, v13  }
0x150: {  	v10 =	vor.u32 v19, v10;
	v14 =	vor.u32 v21, v14;
	v16 =	vor.u32 v20, v16;
	s4 =	sor.u32 s5, s4;
	s5 =	sand.u32 $0x380, s1;
	p0 =	slt.u32 s0, $0x7F8  }
0x151: {  	v12 =	vor.u32 v18, v12;
	v9 =	vor.u32 v9, v11;
	v11 =	vor.u32 v13, v17;
	s4 =	sor.u32 s5, s4  }
0x152: {  	v18 =	vadd.f32 $1.024000000e+03, v5;
	v15 =	vor.u32 $0xC00, v15;
	v17 =	vadd.f32 $1.024000000e+03, v7;
	v13 =	vld [tilespmem:s4+$0x70]  }
0x153: {  	v20 =	vadd.f32 $1.024000000e+03, v6;
	v21 =	vadd.f32 $1.024000000e+03, v2;
	v10 =	vor.u32 $0xC00, v10;
	v19 =	vld [tilespmem:s4+$0x10070]  }
0x154: {  	v23 =	vadd.f32 $1.024000000e+03, v3;
	v24 =	vadd.f32 $1.024000000e+03, v4;
	v14 =	vor.u32 $0xC00, v14;
	v22 =	vld [tilespmem:s4+$0x0]  }
0x155: {  	v16 =	vor.u32 $0xC00, v16;
	v12 =	vor.u32 $0xC00, v12;
	v9 =	vor.u32 $0xC00, v9;
	v25 =	vld [tilespmem:s4+$0x10]  }
0x156: {  	vm6 =	vgt.f32 v8, $0.0e+00;
	vm4 =	vgt.f32 v7, $0.0e+00;
	v11 =	vor.u32 $0xC00, v11;
	v26 =	vld [tilespmem:s4+$0x20]  }
0x157: {  	vm5 =	vgt.f32 v5, $0.0e+00;
	vm3 =	vgt.f32 v6, $0.0e+00;
	v7 =	vld [tilespmem:s4+$0x30];
	v8 =	vshll.u32 v13, $0x1F  }
0x158: {  	vm2 =	vgt.f32 v2, $0.0e+00;
	vm0 =	vgt.f32 v3, $0.0e+00;
	v5 =	vld [tilespmem:s4+$0x40];
	v6 =	vxor.u32 v19, v8  }
0x159: {  	v2 =	vshll.u32 v22, $0x1F;
	v19 =	vshll.u32 v22, $0xC;
	v3 =	vld [tilespmem:s4+$0x50];
	v22 =	vadd.f32 $1.000000000e+00, v6  }
0x15a: {  	vm1 =	vgt.f32 v4, $0.0e+00;
	v6 =	vshll.u32 v25, $0x1F;
	v25 =	vshll.u32 v25, $0xC;
	v8 =	vld [tilespmem:s4+$0x60]  }
0x15b: {  	v4 =	vld [tilespmem:s4+$0x10000];
	v27 =	vshll.u32 v26, $0x1F;
	v26 =	vshll.u32 v26, $0xC;
	v28 =	vmin.f32 v22, $7.989999770e+00  }
0x15c: {  	v29 =	vld [tilespmem:s4+$0x10010];
	v30 =	vshll.u32 v7, $0x1F;
	v31 =	vshll.u32 v7, $0xC;
	v7 =	vmul.f32 $1.280000000e+02, v28  }
0x15d: {  	v28 =	vld [tilespmem:s4+$0x10020];
	v32 =	vshll.u32 v5, $0x1F;
	v33 =	vshll.u32 v5, $0xC  }
0x15e: {  	v5 =	vld [tilespmem:s4+$0x10030];
	v34 =	vshll.u32 v3, $0x1F;
	v35 =	vshll.u32 v3, $0xC;
	v3 =	vadd.f32 $8.388608000e+06, v7  }
0x15f: {  	v36 =	vld [tilespmem:s4+$0x10040];
	v37 =	vshll.u32 v8, $0x1F;
	v38 =	vshll.u32 v8, $0xC  }
0x160: {  	v8 =	vshll.u32 v13, $0xC;
	v2 =	vxor.u32 v4, v2;
	v4 =	vld [tilespmem:s4+$0x10050];
	v7 =	vand.u32 $0x380, v3  }
0x161: {  	v3 =	vand.u32 $0x7F, v3;
	v6 =	vxor.u32 v29, v6;
	v13 =	vld [tilespmem:s4+$0x10060];
	v7 =	vor.u32 v8, v7  }
0x162: {  	vm7 =	vgt.f32 v22, $0.0e+00;
	v27 =	vxor.u32 v28, v27;
	v3 =	vor.u32 v3, v7;
	[tilespmem:v15+s26+$0x0] =	vst.idx.add.f32.msk vm6, v1  }
0x163: {  	v8 =	vadd.f32 $1.000000000e+00, v2;
	v1 =	vxor.u32 v5, v30;
	v15 =	vor.u32 $0xC00, v3;
	[tilespmem:v10+s26+$0x0] =	vst.idx.add.f32.msk vm4, v17  }
0x164: {  	v7 =	vadd.f32 $1.000000000e+00, v6;
	v5 =	vadd.f32 $1.000000000e+00, v27;
	v2 =	vxor.u32 v36, v32;
	[tilespmem:v14+s26+$0x0] =	vst.idx.add.f32.msk vm5, v18  }
0x165: {  	v6 =	vadd.f32 $1.000000000e+00, v1;
	v2 =	vadd.f32 $1.000000000e+00, v2;
	v1 =	vxor.u32 v4, v34;
	[tilespmem:v16+s26+$0x0] =	vst.idx.add.f32.msk vm3, v20  }
0x166: {  	v10 =	vadd.f32 $1.024000000e+03, v22;
	v3 =	vadd.f32 $1.000000000e+00, v1;
	v1 =	vxor.u32 v13, v37;
	[tilespmem:v12+s26+$0x0] =	vst.idx.add.f32.msk vm2, v21  }
0x167: {  	v12 =	vmin.f32 v8, $7.989999770e+00;
	v13 =	vmin.f32 v7, $7.989999770e+00;
	v4 =	vadd.f32 $1.000000000e+00, v1;
	[tilespmem:v9+s26+$0x0] =	vst.idx.add.f32.msk vm0, v23  }
0x168: {  	v14 =	vmin.f32 v6, $7.989999770e+00;
	v9 =	vmin.f32 v5, $7.989999770e+00;
	v16 =	vmin.f32 v2, $7.989999770e+00;
	[tilespmem:v15+s26+$0x0] =	vst.idx.add.f32.msk vm7, v10  }
0x169: {  	v10 =	vmul.f32 $1.280000000e+02, v12;
	v12 =	vmin.f32 v3, $7.989999770e+00;
	v15 =	vmin.f32 v4, $7.989999770e+00;
	[tilespmem:v11+s26+$0x0] =	vst.idx.add.f32.msk vm1, v24  }
0x16a: {  	v1 =	vadd.f32 $1.024000000e+03, v8;
	v9 =	vmul.f32 $1.280000000e+02, v9;
	v11 =	vmul.f32 $1.280000000e+02, v13  }
0x16b: {  	v13 =	vmul.f32 $1.280000000e+02, v16;
	v17 =	vadd.f32 $8.388608000e+06, v10;
	v10 =	vmul.f32 $1.280000000e+02, v14  }
0x16c: {  	v18 =	vadd.f32 $8.388608000e+06, v11;
	v11 =	vmul.f32 $1.280000000e+02, v12;
	v12 =	vmul.f32 $1.280000000e+02, v15  }
0x16d: {  	v20 =	vadd.f32 $8.388608000e+06, v9;
	v14 =	vand.u32 $0x380, v17;
	v23 =	vadd.f32 $8.388608000e+06, v10  }
0x16e: {  	v24 =	vadd.f32 $8.388608000e+06, v13;
	v10 =	vand.u32 $0x380, v18;
	v9 =	vadd.f32 $8.388608000e+06, v11  }
0x16f: {  	v11 =	vand.u32 $0x380, v20;
	v13 =	vadd.f32 $8.388608000e+06, v12;
	v16 =	vand.u32 $0x380, v23  }
.Ltmp4:
0x170: {  	v15 =	vor.u32 v19, v14;
	v12 =	vand.u32 $0x380, v24;
	v19 =	vand.u32 $0x380, v9;
	(pc) =	sbr.rel @p0 .LBB2_10-.Ltmp4, $4  }
0x171: {  	v10 =	vor.u32 v25, v10;
	v14 =	vor.u32 v26, v11;
	v21 =	vand.u32 $0x380, v13  }
0x172: {  	v12 =	vor.u32 v33, v12;
	v16 =	vor.u32 v31, v16;
	v11 =	vor.u32 v35, v19  }
0x173: {  	v22 =	vand.u32 $0x7F, v17;
	v19 =	vand.u32 $0x7F, v18;
	v17 =	vor.u32 v38, v21  }
0x174: {  	s31 =	sadd.s32 $0x400, s31;
	s3 =	sadd.s32 $0x80, s3;
	s1 =	sadd.s32 $0x20, s1;
	v21 =	vand.u32 $0x7F, v20;
	v20 =	vand.u32 $0x7F, v23;
	v18 =	vand.u32 $0x7F, v24  }
0x175: {  	v15 =	vor.u32 v22, v15;
	v9 =	vand.u32 $0x7F, v9;
	v13 =	vand.u32 $0x7F, v13  }
0x176: {  	v10 =	vor.u32 v19, v10;
	v14 =	vor.u32 v21, v14;
	vm0 =	vgt.f32 v8, $0.0e+00  }
0x177: {  	v8 =	vor.u32 v20, v16;
	vm1 =	vgt.f32 v7, $0.0e+00;
	v15 =	vor.u32 $0xC00, v15  }
0x178: {  	v12 =	vor.u32 v18, v12;
	vm2 =	vgt.f32 v5, $0.0e+00;
	v10 =	vor.u32 $0xC00, v10  }
0x179: {  	vm4 =	vgt.f32 v2, $0.0e+00;
	v9 =	vor.u32 v9, v11;
	v11 =	vor.u32 $0xC00, v14  }
0x17a: {  	vm3 =	vgt.f32 v6, $0.0e+00;
	v7 =	vadd.f32 $1.024000000e+03, v7;
	v12 =	vor.u32 $0xC00, v12  }
0x17b: {  	vm5 =	vgt.f32 v3, $0.0e+00;
	v5 =	vadd.f32 $1.024000000e+03, v5;
	v8 =	vor.u32 $0xC00, v8  }
0x17c: {  	vm6 =	vgt.f32 v4, $0.0e+00;
	v13 =	vor.u32 v13, v17;
	v9 =	vor.u32 $0xC00, v9;
	[tilespmem:v15+s26+$0x0] =	vst.idx.add.f32.msk vm0, v1  }
0x17d: {  	v2 =	vadd.f32 $1.024000000e+03, v2;
	v1 =	vadd.f32 $1.024000000e+03, v6;
	v6 =	vor.u32 $0xC00, v13;
	[tilespmem:v10+s26+$0x0] =	vst.idx.add.f32.msk vm1, v7  }
0x17e: {  	[tilespmem:v11+s26+$0x0] =	vst.idx.add.f32.msk vm2, v5  }
0x17f: {  	v3 =	vadd.f32 $1.024000000e+03, v3;
	[tilespmem:v12+s26+$0x0] =	vst.idx.add.f32.msk vm4, v2  }
0x180: {  	[tilespmem:v8+s26+$0x0] =	vst.idx.add.f32.msk vm3, v1;
	v1 =	vadd.f32 $1.024000000e+03, v4  }
0x181: {  	[tilespmem:v9+s26+$0x0] =	vst.idx.add.f32.msk vm5, v3  }
0x182: {  	s0 =	simm.s32 $0x0;
	[tilespmem:v6+s26+$0x0] =	vst.idx.add.f32.msk vm6, v1  }
0x183: {  	[tilespmem:s0], [sflag:$0x3] =	stream.linear.gather [hbm4b:s9+s0], $0x8000, $0x38;
	[tilespmem:$0x1A000] =	vst v63  }
0x184: {  	_ =	swait.ge [sflag:s23], $0x8000  }
0x185: {  	[sflag:s23] =	ssyncset.done $0x0  }
0x186: {  	[sflag:s23] =	ssyncadd.s32 $0xFFFF8000  }
0x187: {  	[tilespmem:s24], [sflag:$0x2] =	stream.linear.gather [hbm4b:s10+s0], $0x8000, $0x38;
	[tilespmem:$0x1A000] =	vst v63  }
0x188: {  	s1 =	sand.u32 $0x7000, s0;
	s3 =	sand.u32 $0xC00, s0;
	_ =	swait.ge [sflag:s25], $0x8000  }
0x189: {  	s1 =	sor.u32 s3, s1;
	s0 =	sand.u32 $0x380, s0;
	[sflag:s25] =	ssyncset.done $0x0  }
0x18a: {  	s0 =	sor.u32 s0, s1;
	[sflag:s25] =	ssyncadd.s32 $0xFFFF8000  }
0x18b: {  	v8 =	vld [tilespmem:s0+$0x70]  }
0x18c: {  	v1 =	vld [tilespmem:s0+$0x8070]  }
0x18d: {  	v2 =	vld [tilespmem:s0+$0x0]  }
0x18e: {  	v3 =	vld [tilespmem:s0+$0x10]  }
0x18f: {  	v4 =	vld [tilespmem:s0+$0x20]  }
0x190: {  	v5 =	vld [tilespmem:s0+$0x30]  }
0x191: {  	v7 =	vld [tilespmem:s0+$0x40]  }
0x192: {  	v11 =	vld [tilespmem:s0+$0x60]  }
0x193: {  	v13 =	vld [tilespmem:s0+$0x8000];
	v6 =	vshll.u32 v8, $0x1F  }
0x194: {  	v16 =	vld [tilespmem:s0+$0x8010];
	v1 =	vxor.u32 v1, v6  }
0x195: {  	v9 =	vshll.u32 v2, $0x1F;
	v10 =	vadd.f32 $1.000000000e+00, v1  }
0x196: {  	v2 =	vshll.u32 v2, $0xC;
	v12 =	vshll.u32 v3, $0x1F;
	v15 =	vshll.u32 v4, $0x1F  }
0x197: {  	v17 =	vshll.u32 v5, $0x1F;
	v19 =	vshll.u32 v7, $0x1F;
	v6 =	vld [tilespmem:s0+$0x50];
	v14 =	vmin.f32 v10, $7.989999770e+00  }
0x198: {  	v18 =	vld [tilespmem:s0+$0x8020];
	v23 =	vshll.u32 v11, $0x1F;
	v8 =	vshll.u32 v8, $0xC;
	v14 =	vmul.f32 $1.280000000e+02, v14  }
0x199: {  	v20 =	vld [tilespmem:s0+$0x8030];
	v9 =	vxor.u32 v13, v9;
	v12 =	vxor.u32 v16, v12;
	v1 =	vshll.u32 v3, $0xC  }
0x19a: {  	v3 =	vshll.u32 v4, $0xC;
	v4 =	vshll.u32 v5, $0xC;
	v14 =	vadd.f32 $8.388608000e+06, v14  }
0x19b: {  	v22 =	vld [tilespmem:s0+$0x8040];
	v5 =	vshll.u32 v7, $0xC;
	v7 =	vshll.u32 v11, $0xC;
	vm15 =	vgt.f32 v10, $0.0e+00  }
0x19c: {  	v24 =	vld [tilespmem:s0+$0x8050];
	v21 =	vshll.u32 v6, $0x1F;
	v6 =	vshll.u32 v6, $0xC;
	v11 =	vand.u32 $0x3FF, v14  }
0x19d: {  	v16 =	vld [tilespmem:s0+$0x8060];
	v14 =	vadd.f32 $1.000000000e+00, v9;
	v25 =	vor.u32 v8, v11;
	v8 =	vxor.u32 v18, v15  }
0x19e: {  	v11 =	vadd.f32 $1.000000000e+00, v12;
	v12 =	vadd.f32 $1.000000000e+00, v8;
	v8 =	vxor.u32 v20, v17  }
0x19f: {  	v15 =	vadd.f32 $1.024000000e+03, v10;
	v17 =	vmin.f32 v14, $7.989999770e+00;
	v9 =	vadd.f32 $1.000000000e+00, v8  }
0x1a0: {  	v8 =	vxor.u32 v22, v19;
	v18 =	vmin.f32 v11, $7.989999770e+00;
	v17 =	vmul.f32 $1.280000000e+02, v17  }
0x1a1: {  	v13 =	vadd.f32 $1.000000000e+00, v8;
	v8 =	vxor.u32 v24, v21;
	v18 =	vmul.f32 $1.280000000e+02, v18  }
0x1a2: {  	v10 =	vadd.f32 $1.000000000e+00, v8;
	v8 =	vxor.u32 v16, v23;
	v16 =	vmin.f32 v12, $7.989999770e+00  }
0x1a3: {  	v19 =	vmin.f32 v9, $7.989999770e+00;
	v23 =	vadd.f32 $8.388608000e+06, v17;
	v8 =	vadd.f32 $1.000000000e+00, v8  }
0x1a4: {  	v20 =	vmin.f32 v13, $7.989999770e+00;
	v22 =	vmul.f32 $1.280000000e+02, v16;
	v63 =	vmul.f32 $1.280000000e+02, v19  }
0x1a5: {  	v19 =	vadd.f32 $8.388608000e+06, v18;
	v21 =	vmin.f32 v10, $7.989999770e+00;
	v17 =	vmul.f32 $1.280000000e+02, v20  }
0x1a6: {  	s31 =	simm.s32 $0x80;
	[tilespmem:v25+s26+$0x0] =	vst.idx.add.f32.msk vm15, v15;
	v15 =	vand.u32 $0x3FF, v23;
	v16 =	vmin.f32 v8, $7.989999770e+00;
	v18 =	vmul.f32 $1.280000000e+02, v21  }
0x1a7: {  	s3 =	simm.s32 $0x400;
	s1 =	simm.s32 $0x20;
	s0 =	simm.s32 $0x0;
	v20 =	vadd.f32 $8.388608000e+06, v22;
	v21 =	vadd.f32 $8.388608000e+06, v63;
	v16 =	vmul.f32 $1.280000000e+02, v16  }
.LBB2_12:
0x1a8: {  	s4 =	sand.u32 $0x7000, s31;
	s5 =	sand.u32 $0xC00, s3;
	s0 =	sadd.s32 $0x8, s0;
	v19 =	vand.u32 $0x3FF, v19;
	v17 =	vadd.f32 $8.388608000e+06, v17;
	v18 =	vadd.f32 $8.388608000e+06, v18  }
0x1a9: {  	v16 =	vadd.f32 $8.388608000e+06, v16;
	s4 =	sor.u32 s5, s4;
	s5 =	sand.u32 $0x380, s1;
	p0 =	slt.u32 s0, $0x7F8;
	v20 =	vand.u32 $0x3FF, v20;
	v21 =	vand.u32 $0x3FF, v21  }
0x1aa: {  	v22 =	vadd.f32 $1.024000000e+03, v14;
	s4 =	sor.u32 s5, s4;
	v17 =	vand.u32 $0x3FF, v17;
	v18 =	vand.u32 $0x3FF, v18  }
0x1ab: {  	v24 =	vadd.f32 $1.024000000e+03, v11;
	v25 =	vadd.f32 $1.024000000e+03, v12;
	v16 =	vand.u32 $0x3FF, v16;
	v23 =	vld [tilespmem:s4+$0x70]  }
0x1ac: {  	v15 =	vor.u32 v2, v15;
	v27 =	vadd.f32 $1.024000000e+03, v9;
	v28 =	vadd.f32 $1.024000000e+03, v13;
	v26 =	vld [tilespmem:s4+$0x8070]  }
0x1ad: {  	v29 =	vadd.f32 $1.024000000e+03, v10;
	v30 =	vadd.f32 $1.024000000e+03, v8;
	v19 =	vor.u32 v1, v19;
	v2 =	vld [tilespmem:s4+$0x0]  }
0x1ae: {  	v20 =	vor.u32 v3, v20;
	v21 =	vor.u32 v4, v21;
	v17 =	vor.u32 v5, v17;
	v1 =	vld [tilespmem:s4+$0x10]  }
0x1af: {  	vm4 =	vgt.f32 v14, $0.0e+00;
	v18 =	vor.u32 v6, v18;
	v16 =	vor.u32 v7, v16;
	v3 =	vld [tilespmem:s4+$0x20]  }
0x1b0: {  	vm5 =	vgt.f32 v11, $0.0e+00;
	vm3 =	vgt.f32 v12, $0.0e+00;
	v4 =	vld [tilespmem:s4+$0x30];
	v5 =	vshll.u32 v23, $0x1F  }
0x1b1: {  	vm2 =	vgt.f32 v9, $0.0e+00;
	vm0 =	vgt.f32 v13, $0.0e+00;
	v6 =	vld [tilespmem:s4+$0x40];
	v5 =	vxor.u32 v26, v5  }
0x1b2: {  	v9 =	vshll.u32 v2, $0x1F;
	v2 =	vshll.u32 v2, $0xC;
	v7 =	vld [tilespmem:s4+$0x50];
	v13 =	vadd.f32 $1.000000000e+00, v5  }
0x1b3: {  	vm1 =	vgt.f32 v10, $0.0e+00;
	v11 =	vshll.u32 v1, $0x1F;
	v1 =	vshll.u32 v1, $0xC;
	v12 =	vld [tilespmem:s4+$0x60]  }
0x1b4: {  	v10 =	vld [tilespmem:s4+$0x8000];
	v26 =	vshll.u32 v3, $0x1F;
	v3 =	vshll.u32 v3, $0xC;
	v5 =	vmin.f32 v13, $7.989999770e+00  }
0x1b5: {  	v14 =	vld [tilespmem:s4+$0x8010];
	v31 =	vshll.u32 v4, $0x1F;
	v4 =	vshll.u32 v4, $0xC;
	v32 =	vmul.f32 $1.280000000e+02, v5  }
0x1b6: {  	vm6 =	vgt.f32 v8, $0.0e+00;
	v33 =	vld [tilespmem:s4+$0x8020];
	v34 =	vshll.u32 v6, $0x1F;
	v5 =	vshll.u32 v6, $0xC  }
0x1b7: {  	v8 =	vld [tilespmem:s4+$0x8030];
	v35 =	vshll.u32 v7, $0x1F;
	v6 =	vshll.u32 v7, $0xC;
	v32 =	vadd.f32 $8.388608000e+06, v32  }
0x1b8: {  	v36 =	vld [tilespmem:s4+$0x8040];
	v37 =	vshll.u32 v12, $0x1F;
	v7 =	vshll.u32 v12, $0xC  }
0x1b9: {  	vm7 =	vgt.f32 v13, $0.0e+00;
	v12 =	vshll.u32 v23, $0xC;
	v38 =	vld [tilespmem:s4+$0x8050];
	v23 =	vand.u32 $0x3FF, v32  }
0x1ba: {  	v9 =	vxor.u32 v10, v9;
	v10 =	vxor.u32 v14, v11;
	v32 =	vld [tilespmem:s4+$0x8060];
	v23 =	vor.u32 v12, v23  }
0x1bb: {  	v14 =	vadd.f32 $1.000000000e+00, v9;
	v11 =	vadd.f32 $1.000000000e+00, v10;
	v9 =	vxor.u32 v33, v26;
	[tilespmem:v15+s26+$0x0] =	vst.idx.add.f32.msk vm4, v22  }
0x1bc: {  	v12 =	vadd.f32 $1.000000000e+00, v9;
	v8 =	vxor.u32 v8, v31;
	[tilespmem:v19+s26+$0x0] =	vst.idx.add.f32.msk vm5, v24  }
0x1bd: {  	v15 =	vadd.f32 $1.024000000e+03, v13;
	v9 =	vadd.f32 $1.000000000e+00, v8;
	v8 =	vxor.u32 v36, v34;
	[tilespmem:v20+s26+$0x0] =	vst.idx.add.f32.msk vm3, v25  }
0x1be: {  	v19 =	vmin.f32 v14, $7.989999770e+00;
	v13 =	vadd.f32 $1.000000000e+00, v8;
	v8 =	vxor.u32 v38, v35;
	[tilespmem:v21+s26+$0x0] =	vst.idx.add.f32.msk vm2, v27  }
0x1bf: {  	v20 =	vmin.f32 v11, $7.989999770e+00;
	v10 =	vadd.f32 $1.000000000e+00, v8;
	v8 =	vxor.u32 v32, v37;
	[tilespmem:v23+s26+$0x0] =	vst.idx.add.f32.msk vm7, v15  }
0x1c0: {  	v15 =	vmin.f32 v12, $7.989999770e+00;
	v21 =	vmin.f32 v9, $7.989999770e+00;
	v8 =	vadd.f32 $1.000000000e+00, v8;
	[tilespmem:v17+s26+$0x0] =	vst.idx.add.f32.msk vm0, v28  }
.Ltmp5:
0x1c1: {  	v17 =	vmul.f32 $1.280000000e+02, v19;
	v19 =	vmin.f32 v13, $7.989999770e+00;
	v22 =	vmin.f32 v10, $7.989999770e+00;
	[tilespmem:v18+s26+$0x0] =	vst.idx.add.f32.msk vm1, v29;
	(pc) =	sbr.rel @p0 .LBB2_12-.Ltmp5, $4  }
0x1c2: {  	v18 =	vmul.f32 $1.280000000e+02, v20;
	v20 =	vmul.f32 $1.280000000e+02, v15;
	v15 =	vmin.f32 v8, $7.989999770e+00;
	[tilespmem:v16+s26+$0x0] =	vst.idx.add.f32.msk vm6, v30  }
0x1c3: {  	v21 =	vmul.f32 $1.280000000e+02, v21;
	v23 =	vadd.f32 $8.388608000e+06, v17;
	v17 =	vmul.f32 $1.280000000e+02, v19  }
0x1c4: {  	v19 =	vadd.f32 $8.388608000e+06, v18;
	v18 =	vmul.f32 $1.280000000e+02, v22;
	v16 =	vmul.f32 $1.280000000e+02, v15  }
0x1c5: {  	s3 =	sadd.s32 $0x400, s3;
	s31 =	sadd.s32 $0x80, s31;
	s1 =	sadd.s32 $0x20, s1;
	v21 =	vadd.f32 $8.388608000e+06, v21;
	v20 =	vadd.f32 $8.388608000e+06, v20;
	v15 =	vand.u32 $0x3FF, v23  }
0x1c6: {  	v17 =	vadd.f32 $8.388608000e+06, v17  }
0x1c7: {  	v19 =	vand.u32 $0x3FF, v19;
	v18 =	vadd.f32 $8.388608000e+06, v18;
	v16 =	vadd.f32 $8.388608000e+06, v16  }
0x1c8: {  	vm0 =	vgt.f32 v14, $0.0e+00;
	v14 =	vadd.f32 $1.024000000e+03, v14;
	v2 =	vor.u32 v2, v15  }
0x1c9: {  	vm1 =	vgt.f32 v11, $0.0e+00;
	vm2 =	vgt.f32 v12, $0.0e+00;
	vm3 =	vgt.f32 v9, $0.0e+00  }
0x1ca: {  	v11 =	vadd.f32 $1.024000000e+03, v11;
	v20 =	vand.u32 $0x3FF, v20;
	v1 =	vor.u32 v1, v19  }
0x1cb: {  	vm4 =	vgt.f32 v13, $0.0e+00;
	v21 =	vand.u32 $0x3FF, v21;
	v3 =	vor.u32 v3, v20  }
0x1cc: {  	v12 =	vadd.f32 $1.024000000e+03, v12;
	v15 =	vand.u32 $0x3FF, v17;
	v4 =	vor.u32 v4, v21  }
0x1cd: {  	vm5 =	vgt.f32 v10, $0.0e+00;
	v17 =	vand.u32 $0x3FF, v18;
	v5 =	vor.u32 v5, v15  }
0x1ce: {  	vm6 =	vgt.f32 v8, $0.0e+00;
	v15 =	vand.u32 $0x3FF, v16;
	v6 =	vor.u32 v6, v17;
	[tilespmem:v2+s26+$0x0] =	vst.idx.add.f32.msk vm0, v14  }
0x1cf: {  	v7 =	vor.u32 v7, v15;
	v2 =	vadd.f32 $1.024000000e+03, v9;
	[tilespmem:v1+s26+$0x0] =	vst.idx.add.f32.msk vm1, v11  }
0x1d0: {  	v1 =	vadd.f32 $1.024000000e+03, v13;
	[tilespmem:v3+s26+$0x0] =	vst.idx.add.f32.msk vm2, v12  }
0x1d1: {  	v3 =	vadd.f32 $1.024000000e+03, v10;
	[tilespmem:v4+s26+$0x0] =	vst.idx.add.f32.msk vm3, v2  }
0x1d2: {  	v2 =	vadd.f32 $1.024000000e+03, v8;
	[tilespmem:v5+s26+$0x0] =	vst.idx.add.f32.msk vm4, v1  }
0x1d3: {  	[tilespmem:v6+s26+$0x0] =	vst.idx.add.f32.msk vm5, v3  }
0x1d4: {  	s0 =	simm.s32 $0x0;
	[tilespmem:v7+s26+$0x0] =	vst.idx.add.f32.msk vm6, v2  }
0x1d5: {  	[tilespmem:s22], [sflag:$0x1] =	stream.linear.gather [hbm4b:s11+s0], $0x8000, $0x38;
	[tilespmem:$0x1A000] =	vst v63  }
0x1d6: {  	s1 =	sand.u32 $0x7000, s0;
	s3 =	sand.u32 $0xC00, s0;
	_ =	swait.ge [sflag:s28], $0x8000  }
0x1d7: {  	s1 =	sor.u32 s3, s1;
	s0 =	sand.u32 $0x380, s0;
	[sflag:s28] =	ssyncset.done $0x0  }
0x1d8: {  	s0 =	sor.u32 s0, s1;
	[sflag:s28] =	ssyncadd.s32 $0xFFFF8000  }
0x1d9: {  	v1 =	vld [tilespmem:s0+$0x70]  }
0x1da: {  	v2 =	vld [tilespmem:s0+$0x10070]  }
0x1db: {  	v4 =	vld [tilespmem:s0+$0x10]  }
0x1dc: {  	v5 =	vld [tilespmem:s0+$0x20]  }
0x1dd: {  	v6 =	vld [tilespmem:s0+$0x30]  }
0x1de: {  	v3 =	vld [tilespmem:s0+$0x0]  }
0x1df: {  	v8 =	vld [tilespmem:s0+$0x40]  }
0x1e0: {  	v7 =	vshll.u32 v1, $0x1F;
	v11 =	vshll.u32 v4, $0x1F;
	v12 =	vshll.u32 v4, $0xC;
	v4 =	vld [tilespmem:s0+$0x10000]  }
0x1e1: {  	v14 =	vshll.u32 v5, $0x1F;
	v16 =	vshll.u32 v5, $0xC;
	v5 =	vld [tilespmem:s0+$0x10010];
	v2 =	vxor.u32 v2, v7  }
0x1e2: {  	v15 =	vshll.u32 v6, $0x1F;
	v17 =	vshll.u32 v6, $0xC;
	v6 =	vld [tilespmem:s0+$0x10020];
	v9 =	vadd.f32 $1.000000000e+00, v2  }
0x1e3: {  	v7 =	vld [tilespmem:s0+$0x50]  }
0x1e4: {  	v10 =	vshll.u32 v3, $0xC;
	v2 =	vshll.u32 v3, $0x1F;
	v3 =	vld [tilespmem:s0+$0x60];
	v13 =	vmin.f32 v9, $7.989999770e+00  }
0x1e5: {  	v18 =	vshll.u32 v8, $0x1F;
	v13 =	vmul.f32 $1.280000000e+02, v13  }
0x1e6: {  	v20 =	vld [tilespmem:s0+$0x10030];
	v19 =	vshll.u32 v8, $0xC;
	v1 =	vshll.u32 v1, $0xC;
	vm15 =	vgt.f32 v9, $0.0e+00  }
0x1e7: {  	v2 =	vxor.u32 v4, v2;
	v5 =	vxor.u32 v5, v11;
	v8 =	vadd.f32 $8.388608000e+06, v13  }
0x1e8: {  	v6 =	vxor.u32 v6, v14;
	v21 =	vshll.u32 v7, $0x1F;
	v22 =	vshll.u32 v7, $0xC;
	v13 =	vld [tilespmem:s0+$0x10040]  }
0x1e9: {  	v23 =	vshll.u32 v3, $0x1F;
	v24 =	vshll.u32 v3, $0xC;
	v3 =	vld [tilespmem:s0+$0x10050];
	v4 =	vand.u32 $0x380, v8  }
0x1ea: {  	v7 =	vadd.f32 $1.000000000e+00, v5;
	v1 =	vor.u32 v1, v4;
	v4 =	vand.u32 $0x7F, v8  }
0x1eb: {  	v11 =	vld [tilespmem:s0+$0x10060];
	v8 =	vadd.f32 $1.000000000e+00, v2;
	v2 =	vxor.u32 v20, v15;
	v1 =	vor.u32 v4, v1  }
0x1ec: {  	v5 =	vadd.f32 $1.000000000e+00, v6;
	v6 =	vadd.f32 $1.000000000e+00, v2;
	v20 =	vor.u32 $0x400, v1  }
0x1ed: {  	v1 =	vxor.u32 v13, v18;
	v18 =	vadd.f32 $1.024000000e+03, v9;
	v9 =	vmin.f32 v8, $7.989999770e+00  }
0x1ee: {  	v13 =	vmin.f32 v5, $7.989999770e+00;
	v2 =	vadd.f32 $1.000000000e+00, v1;
	v1 =	vxor.u32 v3, v21  }
0x1ef: {  	v14 =	vmin.f32 v6, $7.989999770e+00;
	v9 =	vmul.f32 $1.280000000e+02, v9;
	v13 =	vmul.f32 $1.280000000e+02, v13  }
0x1f0: {  	v3 =	vadd.f32 $1.000000000e+00, v1;
	v1 =	vxor.u32 v11, v23;
	v11 =	vmin.f32 v7, $7.989999770e+00  }
0x1f1: {  	v4 =	vadd.f32 $1.000000000e+00, v1;
	v15 =	vmin.f32 v2, $7.989999770e+00;
	v1 =	vadd.f32 $1.024000000e+03, v8  }
0x1f2: {  	v11 =	vmul.f32 $1.280000000e+02, v11;
	v25 =	vadd.f32 $8.388608000e+06, v9;
	v9 =	vmul.f32 $1.280000000e+02, v14  }
0x1f3: {  	v21 =	vmin.f32 v3, $7.989999770e+00;
	v14 =	vmul.f32 $1.280000000e+02, v15;
	v23 =	vmin.f32 v4, $7.989999770e+00  }
0x1f4: {  	v26 =	vadd.f32 $8.388608000e+06, v11;
	v11 =	vmul.f32 $1.280000000e+02, v21;
	v15 =	vand.u32 $0x380, v25  }
0x1f5: {  	v27 =	vadd.f32 $8.388608000e+06, v9;
	v21 =	vmul.f32 $1.280000000e+02, v23;
	v23 =	vadd.f32 $8.388608000e+06, v13  }
0x1f6: {  	v28 =	vadd.f32 $8.388608000e+06, v14;
	v15 =	vor.u32 v10, v15;
	v13 =	vand.u32 $0x380, v26  }
0x1f7: {  	[tilespmem:v20+s26+$0x0] =	vst.idx.add.f32.msk vm15, v18;
	v9 =	vadd.f32 $8.388608000e+06, v11;
	v20 =	vand.u32 $0x7F, v27;
	v11 =	vand.u32 $0x380, v23  }
0x1f8: {  	v10 =	vor.u32 v12, v13;
	v12 =	vand.u32 $0x380, v27;
	v13 =	vadd.f32 $8.388608000e+06, v21  }
0x1f9: {  	v18 =	vand.u32 $0x7F, v28;
	v14 =	vor.u32 v16, v11;
	v11 =	vand.u32 $0x380, v28  }
0x1fa: {  	v16 =	vor.u32 v17, v12;
	v17 =	vand.u32 $0x380, v9;
	v12 =	vor.u32 v19, v11  }
0x1fb: {  	s31 =	simm.s32 $0x400;
	v21 =	vand.u32 $0x380, v13;
	v11 =	vor.u32 v22, v17;
	v22 =	vand.u32 $0x7F, v25  }
0x1fc: {  	s3 =	simm.s32 $0x80;
	s1 =	simm.s32 $0x20;
	s0 =	simm.s32 $0x0;
	v19 =	vand.u32 $0x7F, v26;
	v17 =	vor.u32 v24, v21;
	v21 =	vand.u32 $0x7F, v23  }
.LBB2_14:
0x1fd: {  	s4 =	sand.u32 $0x7000, s3;
	s5 =	sand.u32 $0xC00, s31;
	s0 =	sadd.s32 $0x8, s0;
	v15 =	vor.u32 v22, v15;
	v9 =	vand.u32 $0x7F, v9;
	v13 =	vand.u32 $0x7F, v13  }
0x1fe: {  	v10 =	vor.u32 v19, v10;
	v14 =	vor.u32 v21, v14;
	v16 =	vor.u32 v20, v16;
	s4 =	sor.u32 s5, s4;
	s5 =	sand.u32 $0x380, s1;
	p0 =	slt.u32 s0, $0x7F8  }
0x1ff: {  	v12 =	vor.u32 v18, v12;
	v9 =	vor.u32 v9, v11;
	v11 =	vor.u32 v13, v17;
	s4 =	sor.u32 s5, s4  }
0x200: {  	v18 =	vadd.f32 $1.024000000e+03, v5;
	v15 =	vor.u32 $0x400, v15;
	v17 =	vadd.f32 $1.024000000e+03, v7;
	v13 =	vld [tilespmem:s4+$0x70]  }
0x201: {  	v20 =	vadd.f32 $1.024000000e+03, v6;
	v21 =	vadd.f32 $1.024000000e+03, v2;
	v10 =	vor.u32 $0x400, v10;
	v19 =	vld [tilespmem:s4+$0x10070]  }
0x202: {  	v23 =	vadd.f32 $1.024000000e+03, v3;
	v24 =	vadd.f32 $1.024000000e+03, v4;
	v14 =	vor.u32 $0x400, v14;
	v22 =	vld [tilespmem:s4+$0x0]  }
0x203: {  	v16 =	vor.u32 $0x400, v16;
	v12 =	vor.u32 $0x400, v12;
	v9 =	vor.u32 $0x400, v9;
	v25 =	vld [tilespmem:s4+$0x10]  }
0x204: {  	vm6 =	vgt.f32 v8, $0.0e+00;
	vm4 =	vgt.f32 v7, $0.0e+00;
	v11 =	vor.u32 $0x400, v11;
	v26 =	vld [tilespmem:s4+$0x20]  }
0x205: {  	vm5 =	vgt.f32 v5, $0.0e+00;
	vm3 =	vgt.f32 v6, $0.0e+00;
	v7 =	vld [tilespmem:s4+$0x30];
	v8 =	vshll.u32 v13, $0x1F  }
0x206: {  	vm2 =	vgt.f32 v2, $0.0e+00;
	vm0 =	vgt.f32 v3, $0.0e+00;
	v5 =	vld [tilespmem:s4+$0x40];
	v6 =	vxor.u32 v19, v8  }
0x207: {  	v2 =	vshll.u32 v22, $0x1F;
	v19 =	vshll.u32 v22, $0xC;
	v3 =	vld [tilespmem:s4+$0x50];
	v22 =	vadd.f32 $1.000000000e+00, v6  }
0x208: {  	vm1 =	vgt.f32 v4, $0.0e+00;
	v6 =	vshll.u32 v25, $0x1F;
	v25 =	vshll.u32 v25, $0xC;
	v8 =	vld [tilespmem:s4+$0x60]  }
0x209: {  	v4 =	vld [tilespmem:s4+$0x10000];
	v27 =	vshll.u32 v26, $0x1F;
	v26 =	vshll.u32 v26, $0xC;
	v28 =	vmin.f32 v22, $7.989999770e+00  }
0x20a: {  	v29 =	vld [tilespmem:s4+$0x10010];
	v30 =	vshll.u32 v7, $0x1F;
	v31 =	vshll.u32 v7, $0xC;
	v7 =	vmul.f32 $1.280000000e+02, v28  }
0x20b: {  	v28 =	vld [tilespmem:s4+$0x10020];
	v32 =	vshll.u32 v5, $0x1F;
	v33 =	vshll.u32 v5, $0xC  }
0x20c: {  	v5 =	vld [tilespmem:s4+$0x10030];
	v34 =	vshll.u32 v3, $0x1F;
	v35 =	vshll.u32 v3, $0xC;
	v3 =	vadd.f32 $8.388608000e+06, v7  }
0x20d: {  	v36 =	vld [tilespmem:s4+$0x10040];
	v37 =	vshll.u32 v8, $0x1F;
	v38 =	vshll.u32 v8, $0xC  }
0x20e: {  	v8 =	vshll.u32 v13, $0xC;
	v2 =	vxor.u32 v4, v2;
	v4 =	vld [tilespmem:s4+$0x10050];
	v7 =	vand.u32 $0x380, v3  }
0x20f: {  	v3 =	vand.u32 $0x7F, v3;
	v6 =	vxor.u32 v29, v6;
	v13 =	vld [tilespmem:s4+$0x10060];
	v7 =	vor.u32 v8, v7  }
0x210: {  	vm7 =	vgt.f32 v22, $0.0e+00;
	v27 =	vxor.u32 v28, v27;
	v3 =	vor.u32 v3, v7;
	[tilespmem:v15+s26+$0x0] =	vst.idx.add.f32.msk vm6, v1  }
0x211: {  	v8 =	vadd.f32 $1.000000000e+00, v2;
	v1 =	vxor.u32 v5, v30;
	v15 =	vor.u32 $0x400, v3;
	[tilespmem:v10+s26+$0x0] =	vst.idx.add.f32.msk vm4, v17  }
0x212: {  	v7 =	vadd.f32 $1.000000000e+00, v6;
	v5 =	vadd.f32 $1.000000000e+00, v27;
	v2 =	vxor.u32 v36, v32;
	[tilespmem:v14+s26+$0x0] =	vst.idx.add.f32.msk vm5, v18  }
0x213: {  	v6 =	vadd.f32 $1.000000000e+00, v1;
	v2 =	vadd.f32 $1.000000000e+00, v2;
	v1 =	vxor.u32 v4, v34;
	[tilespmem:v16+s26+$0x0] =	vst.idx.add.f32.msk vm3, v20  }
0x214: {  	v10 =	vadd.f32 $1.024000000e+03, v22;
	v3 =	vadd.f32 $1.000000000e+00, v1;
	v1 =	vxor.u32 v13, v37;
	[tilespmem:v12+s26+$0x0] =	vst.idx.add.f32.msk vm2, v21  }
0x215: {  	v12 =	vmin.f32 v8, $7.989999770e+00;
	v13 =	vmin.f32 v7, $7.989999770e+00;
	v4 =	vadd.f32 $1.000000000e+00, v1;
	[tilespmem:v9+s26+$0x0] =	vst.idx.add.f32.msk vm0, v23  }
0x216: {  	v14 =	vmin.f32 v6, $7.989999770e+00;
	v9 =	vmin.f32 v5, $7.989999770e+00;
	v16 =	vmin.f32 v2, $7.989999770e+00;
	[tilespmem:v15+s26+$0x0] =	vst.idx.add.f32.msk vm7, v10  }
0x217: {  	v10 =	vmul.f32 $1.280000000e+02, v12;
	v12 =	vmin.f32 v3, $7.989999770e+00;
	v15 =	vmin.f32 v4, $7.989999770e+00;
	[tilespmem:v11+s26+$0x0] =	vst.idx.add.f32.msk vm1, v24  }
0x218: {  	v1 =	vadd.f32 $1.024000000e+03, v8;
	v9 =	vmul.f32 $1.280000000e+02, v9;
	v11 =	vmul.f32 $1.280000000e+02, v13  }
0x219: {  	v13 =	vmul.f32 $1.280000000e+02, v16;
	v17 =	vadd.f32 $8.388608000e+06, v10;
	v10 =	vmul.f32 $1.280000000e+02, v14  }
0x21a: {  	v18 =	vadd.f32 $8.388608000e+06, v11;
	v11 =	vmul.f32 $1.280000000e+02, v12;
	v12 =	vmul.f32 $1.280000000e+02, v15  }
0x21b: {  	v20 =	vadd.f32 $8.388608000e+06, v9;
	v14 =	vand.u32 $0x380, v17;
	v23 =	vadd.f32 $8.388608000e+06, v10  }
0x21c: {  	v24 =	vadd.f32 $8.388608000e+06, v13;
	v10 =	vand.u32 $0x380, v18;
	v9 =	vadd.f32 $8.388608000e+06, v11  }
0x21d: {  	v11 =	vand.u32 $0x380, v20;
	v13 =	vadd.f32 $8.388608000e+06, v12;
	v16 =	vand.u32 $0x380, v23  }
.Ltmp6:
0x21e: {  	v15 =	vor.u32 v19, v14;
	v12 =	vand.u32 $0x380, v24;
	v19 =	vand.u32 $0x380, v9;
	(pc) =	sbr.rel @p0 .LBB2_14-.Ltmp6, $4  }
0x21f: {  	v10 =	vor.u32 v25, v10;
	v14 =	vor.u32 v26, v11;
	v21 =	vand.u32 $0x380, v13  }
0x220: {  	v12 =	vor.u32 v33, v12;
	v16 =	vor.u32 v31, v16;
	v11 =	vor.u32 v35, v19  }
0x221: {  	v22 =	vand.u32 $0x7F, v17;
	v19 =	vand.u32 $0x7F, v18;
	v17 =	vor.u32 v38, v21  }
0x222: {  	s31 =	sadd.s32 $0x400, s31;
	s3 =	sadd.s32 $0x80, s3;
	s1 =	sadd.s32 $0x20, s1;
	v21 =	vand.u32 $0x7F, v20;
	v20 =	vand.u32 $0x7F, v23;
	v18 =	vand.u32 $0x7F, v24  }
0x223: {  	v15 =	vor.u32 v22, v15;
	v9 =	vand.u32 $0x7F, v9;
	v13 =	vand.u32 $0x7F, v13  }
0x224: {  	v10 =	vor.u32 v19, v10;
	v14 =	vor.u32 v21, v14;
	vm0 =	vgt.f32 v8, $0.0e+00  }
0x225: {  	v8 =	vor.u32 v20, v16;
	vm1 =	vgt.f32 v7, $0.0e+00;
	v15 =	vor.u32 $0x400, v15  }
0x226: {  	v12 =	vor.u32 v18, v12;
	vm2 =	vgt.f32 v5, $0.0e+00;
	v10 =	vor.u32 $0x400, v10  }
0x227: {  	vm4 =	vgt.f32 v2, $0.0e+00;
	v9 =	vor.u32 v9, v11;
	v11 =	vor.u32 $0x400, v14  }
0x228: {  	vm3 =	vgt.f32 v6, $0.0e+00;
	v7 =	vadd.f32 $1.024000000e+03, v7;
	v12 =	vor.u32 $0x400, v12  }
0x229: {  	vm5 =	vgt.f32 v3, $0.0e+00;
	v5 =	vadd.f32 $1.024000000e+03, v5;
	v8 =	vor.u32 $0x400, v8  }
0x22a: {  	vm6 =	vgt.f32 v4, $0.0e+00;
	v13 =	vor.u32 v13, v17;
	v9 =	vor.u32 $0x400, v9;
	[tilespmem:v15+s26+$0x0] =	vst.idx.add.f32.msk vm0, v1  }
0x22b: {  	v2 =	vadd.f32 $1.024000000e+03, v2;
	v1 =	vadd.f32 $1.024000000e+03, v6;
	v6 =	vor.u32 $0x400, v13;
	[tilespmem:v10+s26+$0x0] =	vst.idx.add.f32.msk vm1, v7  }
0x22c: {  	[tilespmem:v11+s26+$0x0] =	vst.idx.add.f32.msk vm2, v5  }
0x22d: {  	v3 =	vadd.f32 $1.024000000e+03, v3;
	[tilespmem:v12+s26+$0x0] =	vst.idx.add.f32.msk vm4, v2  }
0x22e: {  	[tilespmem:v8+s26+$0x0] =	vst.idx.add.f32.msk vm3, v1;
	v1 =	vadd.f32 $1.024000000e+03, v4  }
0x22f: {  	[tilespmem:v9+s26+$0x0] =	vst.idx.add.f32.msk vm5, v3  }
0x230: {  	s0 =	simm.s32 $0x0;
	[tilespmem:v6+s26+$0x0] =	vst.idx.add.f32.msk vm6, v1  }
0x231: {  	[tilespmem:s24], [sflag:$0x2] =	stream.linear.gather [hbm4b:s12+s0], $0x8000, $0x38;
	[tilespmem:$0x1A000] =	vst v63  }
0x232: {  	s1 =	sand.u32 $0x7000, s0;
	s3 =	sand.u32 $0xC00, s0;
	_ =	swait.ge [sflag:s25], $0x8000  }
0x233: {  	s1 =	sor.u32 s3, s1;
	s0 =	sand.u32 $0x380, s0;
	[sflag:s25] =	ssyncset.done $0x0  }
0x234: {  	s0 =	sor.u32 s0, s1;
	[sflag:s25] =	ssyncadd.s32 $0xFFFF8000  }
0x235: {  	v1 =	vld [tilespmem:s0+$0x70]  }
0x236: {  	v2 =	vld [tilespmem:s0+$0x8070]  }
0x237: {  	v4 =	vld [tilespmem:s0+$0x10]  }
0x238: {  	v5 =	vld [tilespmem:s0+$0x20]  }
0x239: {  	v6 =	vld [tilespmem:s0+$0x30]  }
0x23a: {  	v3 =	vld [tilespmem:s0+$0x0]  }
0x23b: {  	v8 =	vld [tilespmem:s0+$0x40]  }
0x23c: {  	v7 =	vshll.u32 v1, $0x1F;
	v11 =	vshll.u32 v4, $0x1F;
	v12 =	vshll.u32 v4, $0xC;
	v4 =	vld [tilespmem:s0+$0x8000]  }
0x23d: {  	v14 =	vshll.u32 v5, $0x1F;
	v16 =	vshll.u32 v5, $0xC;
	v5 =	vld [tilespmem:s0+$0x8010];
	v2 =	vxor.u32 v2, v7  }
0x23e: {  	v15 =	vshll.u32 v6, $0x1F;
	v17 =	vshll.u32 v6, $0xC;
	v6 =	vld [tilespmem:s0+$0x8020];
	v9 =	vadd.f32 $1.000000000e+00, v2  }
0x23f: {  	v7 =	vld [tilespmem:s0+$0x50]  }
0x240: {  	v10 =	vshll.u32 v3, $0xC;
	v2 =	vshll.u32 v3, $0x1F;
	v3 =	vld [tilespmem:s0+$0x60];
	v13 =	vmin.f32 v9, $7.989999770e+00  }
0x241: {  	v18 =	vshll.u32 v8, $0x1F;
	v13 =	vmul.f32 $1.280000000e+02, v13  }
0x242: {  	v20 =	vld [tilespmem:s0+$0x8030];
	v19 =	vshll.u32 v8, $0xC;
	v1 =	vshll.u32 v1, $0xC;
	vm15 =	vgt.f32 v9, $0.0e+00  }
0x243: {  	v2 =	vxor.u32 v4, v2;
	v5 =	vxor.u32 v5, v11;
	v8 =	vadd.f32 $8.388608000e+06, v13  }
0x244: {  	v6 =	vxor.u32 v6, v14;
	v21 =	vshll.u32 v7, $0x1F;
	v22 =	vshll.u32 v7, $0xC;
	v13 =	vld [tilespmem:s0+$0x8040]  }
0x245: {  	v23 =	vshll.u32 v3, $0x1F;
	v24 =	vshll.u32 v3, $0xC;
	v3 =	vld [tilespmem:s0+$0x8050];
	v4 =	vand.u32 $0x380, v8  }
0x246: {  	v7 =	vadd.f32 $1.000000000e+00, v5;
	v1 =	vor.u32 v1, v4;
	v4 =	vand.u32 $0x7F, v8  }
0x247: {  	v11 =	vld [tilespmem:s0+$0x8060];
	v8 =	vadd.f32 $1.000000000e+00, v2;
	v2 =	vxor.u32 v20, v15;
	v1 =	vor.u32 v4, v1  }
0x248: {  	v5 =	vadd.f32 $1.000000000e+00, v6;
	v6 =	vadd.f32 $1.000000000e+00, v2;
	v20 =	vor.u32 $0x800, v1  }
0x249: {  	v1 =	vxor.u32 v13, v18;
	v18 =	vadd.f32 $1.024000000e+03, v9;
	v9 =	vmin.f32 v8, $7.989999770e+00  }
0x24a: {  	v13 =	vmin.f32 v5, $7.989999770e+00;
	v2 =	vadd.f32 $1.000000000e+00, v1;
	v1 =	vxor.u32 v3, v21  }
0x24b: {  	v14 =	vmin.f32 v6, $7.989999770e+00;
	v9 =	vmul.f32 $1.280000000e+02, v9;
	v13 =	vmul.f32 $1.280000000e+02, v13  }
0x24c: {  	v3 =	vadd.f32 $1.000000000e+00, v1;
	v1 =	vxor.u32 v11, v23;
	v11 =	vmin.f32 v7, $7.989999770e+00  }
0x24d: {  	v4 =	vadd.f32 $1.000000000e+00, v1;
	v15 =	vmin.f32 v2, $7.989999770e+00;
	v1 =	vadd.f32 $1.024000000e+03, v8  }
0x24e: {  	v11 =	vmul.f32 $1.280000000e+02, v11;
	v25 =	vadd.f32 $8.388608000e+06, v9;
	v9 =	vmul.f32 $1.280000000e+02, v14  }
0x24f: {  	v21 =	vmin.f32 v3, $7.989999770e+00;
	v14 =	vmul.f32 $1.280000000e+02, v15;
	v23 =	vmin.f32 v4, $7.989999770e+00  }
0x250: {  	v26 =	vadd.f32 $8.388608000e+06, v11;
	v11 =	vmul.f32 $1.280000000e+02, v21;
	v15 =	vand.u32 $0x380, v25  }
0x251: {  	v27 =	vadd.f32 $8.388608000e+06, v9;
	v21 =	vmul.f32 $1.280000000e+02, v23;
	v23 =	vadd.f32 $8.388608000e+06, v13  }
0x252: {  	v28 =	vadd.f32 $8.388608000e+06, v14;
	v15 =	vor.u32 v10, v15;
	v13 =	vand.u32 $0x380, v26  }
0x253: {  	[tilespmem:v20+s26+$0x0] =	vst.idx.add.f32.msk vm15, v18;
	v9 =	vadd.f32 $8.388608000e+06, v11;
	v20 =	vand.u32 $0x7F, v27;
	v11 =	vand.u32 $0x380, v23  }
0x254: {  	v10 =	vor.u32 v12, v13;
	v12 =	vand.u32 $0x380, v27;
	v13 =	vadd.f32 $8.388608000e+06, v21  }
0x255: {  	v18 =	vand.u32 $0x7F, v28;
	v14 =	vor.u32 v16, v11;
	v11 =	vand.u32 $0x380, v28  }
0x256: {  	v16 =	vor.u32 v17, v12;
	v17 =	vand.u32 $0x380, v9;
	v12 =	vor.u32 v19, v11  }
0x257: {  	s31 =	simm.s32 $0x400;
	v21 =	vand.u32 $0x380, v13;
	v11 =	vor.u32 v22, v17;
	v22 =	vand.u32 $0x7F, v25  }
0x258: {  	s3 =	simm.s32 $0x80;
	s1 =	simm.s32 $0x20;
	s0 =	simm.s32 $0x0;
	v19 =	vand.u32 $0x7F, v26;
	v17 =	vor.u32 v24, v21;
	v21 =	vand.u32 $0x7F, v23  }
.LBB2_16:
0x259: {  	s4 =	sand.u32 $0x7000, s3;
	s5 =	sand.u32 $0xC00, s31;
	s0 =	sadd.s32 $0x8, s0;
	v15 =	vor.u32 v22, v15;
	v9 =	vand.u32 $0x7F, v9;
	v13 =	vand.u32 $0x7F, v13  }
0x25a: {  	v10 =	vor.u32 v19, v10;
	v14 =	vor.u32 v21, v14;
	v16 =	vor.u32 v20, v16;
	s4 =	sor.u32 s5, s4;
	s5 =	sand.u32 $0x380, s1;
	p0 =	slt.u32 s0, $0x7F8  }
0x25b: {  	v12 =	vor.u32 v18, v12;
	v9 =	vor.u32 v9, v11;
	v11 =	vor.u32 v13, v17;
	s4 =	sor.u32 s5, s4  }
0x25c: {  	v18 =	vadd.f32 $1.024000000e+03, v5;
	v15 =	vor.u32 $0x800, v15;
	v17 =	vadd.f32 $1.024000000e+03, v7;
	v13 =	vld [tilespmem:s4+$0x70]  }
0x25d: {  	v20 =	vadd.f32 $1.024000000e+03, v6;
	v21 =	vadd.f32 $1.024000000e+03, v2;
	v10 =	vor.u32 $0x800, v10;
	v19 =	vld [tilespmem:s4+$0x8070]  }
0x25e: {  	v23 =	vadd.f32 $1.024000000e+03, v3;
	v24 =	vadd.f32 $1.024000000e+03, v4;
	v14 =	vor.u32 $0x800, v14;
	v22 =	vld [tilespmem:s4+$0x0]  }
0x25f: {  	v16 =	vor.u32 $0x800, v16;
	v12 =	vor.u32 $0x800, v12;
	v9 =	vor.u32 $0x800, v9;
	v25 =	vld [tilespmem:s4+$0x10]  }
0x260: {  	vm6 =	vgt.f32 v8, $0.0e+00;
	vm4 =	vgt.f32 v7, $0.0e+00;
	v11 =	vor.u32 $0x800, v11;
	v26 =	vld [tilespmem:s4+$0x20]  }
0x261: {  	vm5 =	vgt.f32 v5, $0.0e+00;
	vm3 =	vgt.f32 v6, $0.0e+00;
	v7 =	vld [tilespmem:s4+$0x30];
	v8 =	vshll.u32 v13, $0x1F  }
0x262: {  	vm2 =	vgt.f32 v2, $0.0e+00;
	vm0 =	vgt.f32 v3, $0.0e+00;
	v5 =	vld [tilespmem:s4+$0x40];
	v6 =	vxor.u32 v19, v8  }
0x263: {  	v2 =	vshll.u32 v22, $0x1F;
	v19 =	vshll.u32 v22, $0xC;
	v3 =	vld [tilespmem:s4+$0x50];
	v22 =	vadd.f32 $1.000000000e+00, v6  }
0x264: {  	vm1 =	vgt.f32 v4, $0.0e+00;
	v6 =	vshll.u32 v25, $0x1F;
	v25 =	vshll.u32 v25, $0xC;
	v8 =	vld [tilespmem:s4+$0x60]  }
0x265: {  	v4 =	vld [tilespmem:s4+$0x8000];
	v27 =	vshll.u32 v26, $0x1F;
	v26 =	vshll.u32 v26, $0xC;
	v28 =	vmin.f32 v22, $7.989999770e+00  }
0x266: {  	v29 =	vld [tilespmem:s4+$0x8010];
	v30 =	vshll.u32 v7, $0x1F;
	v31 =	vshll.u32 v7, $0xC;
	v7 =	vmul.f32 $1.280000000e+02, v28  }
0x267: {  	v28 =	vld [tilespmem:s4+$0x8020];
	v32 =	vshll.u32 v5, $0x1F;
	v33 =	vshll.u32 v5, $0xC  }
0x268: {  	v5 =	vld [tilespmem:s4+$0x8030];
	v34 =	vshll.u32 v3, $0x1F;
	v35 =	vshll.u32 v3, $0xC;
	v3 =	vadd.f32 $8.388608000e+06, v7  }
0x269: {  	v36 =	vld [tilespmem:s4+$0x8040];
	v37 =	vshll.u32 v8, $0x1F;
	v38 =	vshll.u32 v8, $0xC  }
0x26a: {  	v8 =	vshll.u32 v13, $0xC;
	v2 =	vxor.u32 v4, v2;
	v4 =	vld [tilespmem:s4+$0x8050];
	v7 =	vand.u32 $0x380, v3  }
0x26b: {  	v3 =	vand.u32 $0x7F, v3;
	v6 =	vxor.u32 v29, v6;
	v13 =	vld [tilespmem:s4+$0x8060];
	v7 =	vor.u32 v8, v7  }
0x26c: {  	vm7 =	vgt.f32 v22, $0.0e+00;
	v27 =	vxor.u32 v28, v27;
	v3 =	vor.u32 v3, v7;
	[tilespmem:v15+s26+$0x0] =	vst.idx.add.f32.msk vm6, v1  }
0x26d: {  	v8 =	vadd.f32 $1.000000000e+00, v2;
	v1 =	vxor.u32 v5, v30;
	v15 =	vor.u32 $0x800, v3;
	[tilespmem:v10+s26+$0x0] =	vst.idx.add.f32.msk vm4, v17  }
0x26e: {  	v7 =	vadd.f32 $1.000000000e+00, v6;
	v5 =	vadd.f32 $1.000000000e+00, v27;
	v2 =	vxor.u32 v36, v32;
	[tilespmem:v14+s26+$0x0] =	vst.idx.add.f32.msk vm5, v18  }
0x26f: {  	v6 =	vadd.f32 $1.000000000e+00, v1;
	v2 =	vadd.f32 $1.000000000e+00, v2;
	v1 =	vxor.u32 v4, v34;
	[tilespmem:v16+s26+$0x0] =	vst.idx.add.f32.msk vm3, v20  }
0x270: {  	v10 =	vadd.f32 $1.024000000e+03, v22;
	v3 =	vadd.f32 $1.000000000e+00, v1;
	v1 =	vxor.u32 v13, v37;
	[tilespmem:v12+s26+$0x0] =	vst.idx.add.f32.msk vm2, v21  }
0x271: {  	v12 =	vmin.f32 v8, $7.989999770e+00;
	v13 =	vmin.f32 v7, $7.989999770e+00;
	v4 =	vadd.f32 $1.000000000e+00, v1;
	[tilespmem:v9+s26+$0x0] =	vst.idx.add.f32.msk vm0, v23  }
0x272: {  	v14 =	vmin.f32 v6, $7.989999770e+00;
	v9 =	vmin.f32 v5, $7.989999770e+00;
	v16 =	vmin.f32 v2, $7.989999770e+00;
	[tilespmem:v15+s26+$0x0] =	vst.idx.add.f32.msk vm7, v10  }
0x273: {  	v10 =	vmul.f32 $1.280000000e+02, v12;
	v12 =	vmin.f32 v3, $7.989999770e+00;
	v15 =	vmin.f32 v4, $7.989999770e+00;
	[tilespmem:v11+s26+$0x0] =	vst.idx.add.f32.msk vm1, v24  }
0x274: {  	v1 =	vadd.f32 $1.024000000e+03, v8;
	v9 =	vmul.f32 $1.280000000e+02, v9;
	v11 =	vmul.f32 $1.280000000e+02, v13  }
0x275: {  	v13 =	vmul.f32 $1.280000000e+02, v16;
	v17 =	vadd.f32 $8.388608000e+06, v10;
	v10 =	vmul.f32 $1.280000000e+02, v14  }
0x276: {  	v18 =	vadd.f32 $8.388608000e+06, v11;
	v11 =	vmul.f32 $1.280000000e+02, v12;
	v12 =	vmul.f32 $1.280000000e+02, v15  }
0x277: {  	v20 =	vadd.f32 $8.388608000e+06, v9;
	v14 =	vand.u32 $0x380, v17;
	v23 =	vadd.f32 $8.388608000e+06, v10  }
0x278: {  	v24 =	vadd.f32 $8.388608000e+06, v13;
	v10 =	vand.u32 $0x380, v18;
	v9 =	vadd.f32 $8.388608000e+06, v11  }
0x279: {  	v11 =	vand.u32 $0x380, v20;
	v13 =	vadd.f32 $8.388608000e+06, v12;
	v16 =	vand.u32 $0x380, v23  }
.Ltmp7:
0x27a: {  	v15 =	vor.u32 v19, v14;
	v12 =	vand.u32 $0x380, v24;
	v19 =	vand.u32 $0x380, v9;
	(pc) =	sbr.rel @p0 .LBB2_16-.Ltmp7, $4  }
0x27b: {  	v10 =	vor.u32 v25, v10;
	v14 =	vor.u32 v26, v11;
	v21 =	vand.u32 $0x380, v13  }
0x27c: {  	v12 =	vor.u32 v33, v12;
	v16 =	vor.u32 v31, v16;
	v11 =	vor.u32 v35, v19  }
0x27d: {  	v22 =	vand.u32 $0x7F, v17;
	v19 =	vand.u32 $0x7F, v18;
	v17 =	vor.u32 v38, v21  }
0x27e: {  	s31 =	sadd.s32 $0x400, s31;
	s3 =	sadd.s32 $0x80, s3;
	s1 =	sadd.s32 $0x20, s1;
	v21 =	vand.u32 $0x7F, v20;
	v20 =	vand.u32 $0x7F, v23;
	v18 =	vand.u32 $0x7F, v24  }
0x27f: {  	v15 =	vor.u32 v22, v15;
	v9 =	vand.u32 $0x7F, v9;
	v13 =	vand.u32 $0x7F, v13  }
0x280: {  	v10 =	vor.u32 v19, v10;
	v14 =	vor.u32 v21, v14;
	vm0 =	vgt.f32 v8, $0.0e+00  }
0x281: {  	v8 =	vor.u32 v20, v16;
	vm1 =	vgt.f32 v7, $0.0e+00;
	v15 =	vor.u32 $0x800, v15  }
0x282: {  	v12 =	vor.u32 v18, v12;
	vm2 =	vgt.f32 v5, $0.0e+00;
	v10 =	vor.u32 $0x800, v10  }
0x283: {  	vm4 =	vgt.f32 v2, $0.0e+00;
	v9 =	vor.u32 v9, v11;
	v11 =	vor.u32 $0x800, v14  }
0x284: {  	vm3 =	vgt.f32 v6, $0.0e+00;
	v7 =	vadd.f32 $1.024000000e+03, v7;
	v12 =	vor.u32 $0x800, v12  }
0x285: {  	vm5 =	vgt.f32 v3, $0.0e+00;
	v5 =	vadd.f32 $1.024000000e+03, v5;
	v8 =	vor.u32 $0x800, v8  }
0x286: {  	vm6 =	vgt.f32 v4, $0.0e+00;
	v13 =	vor.u32 v13, v17;
	v9 =	vor.u32 $0x800, v9;
	[tilespmem:v15+s26+$0x0] =	vst.idx.add.f32.msk vm0, v1  }
0x287: {  	v2 =	vadd.f32 $1.024000000e+03, v2;
	v1 =	vadd.f32 $1.024000000e+03, v6;
	v6 =	vor.u32 $0x800, v13;
	[tilespmem:v10+s26+$0x0] =	vst.idx.add.f32.msk vm1, v7  }
0x288: {  	[tilespmem:v11+s26+$0x0] =	vst.idx.add.f32.msk vm2, v5  }
0x289: {  	v3 =	vadd.f32 $1.024000000e+03, v3;
	[tilespmem:v12+s26+$0x0] =	vst.idx.add.f32.msk vm4, v2  }
0x28a: {  	[tilespmem:v8+s26+$0x0] =	vst.idx.add.f32.msk vm3, v1;
	v1 =	vadd.f32 $1.024000000e+03, v4  }
0x28b: {  	[tilespmem:v9+s26+$0x0] =	vst.idx.add.f32.msk vm5, v3  }
0x28c: {  	s0 =	simm.s32 $0x0;
	[tilespmem:v6+s26+$0x0] =	vst.idx.add.f32.msk vm6, v1  }
0x28d: {  	s1 =	sand.u32 $0x7000, s0;
	s3 =	sand.u32 $0xC00, s0;
	_ =	swait.ge [sflag:s28], $0x8000  }
0x28e: {  	s0 =	sand.u32 $0x380, s0;
	s1 =	sor.u32 s3, s1;
	[sflag:s28] =	ssyncset.done $0x0  }
0x28f: {  	s0 =	sor.u32 s0, s1;
	[sflag:s28] =	ssyncadd.s32 $0xFFFF8000  }
0x290: {  	v1 =	vld [tilespmem:s0+$0x70]  }
0x291: {  	v2 =	vld [tilespmem:s0+$0x10070]  }
0x292: {  	v4 =	vld [tilespmem:s0+$0x10]  }
0x293: {  	v5 =	vld [tilespmem:s0+$0x20]  }
0x294: {  	v6 =	vld [tilespmem:s0+$0x30]  }
0x295: {  	v3 =	vld [tilespmem:s0+$0x0]  }
0x296: {  	v8 =	vld [tilespmem:s0+$0x40]  }
0x297: {  	v7 =	vshll.u32 v1, $0x1F;
	v11 =	vshll.u32 v4, $0x1F;
	v12 =	vshll.u32 v4, $0xC;
	v4 =	vld [tilespmem:s0+$0x10000]  }
0x298: {  	v14 =	vshll.u32 v5, $0x1F;
	v16 =	vshll.u32 v5, $0xC;
	v5 =	vld [tilespmem:s0+$0x10010];
	v2 =	vxor.u32 v2, v7  }
0x299: {  	v15 =	vshll.u32 v6, $0x1F;
	v17 =	vshll.u32 v6, $0xC;
	v6 =	vld [tilespmem:s0+$0x10020];
	v9 =	vadd.f32 $1.000000000e+00, v2  }
0x29a: {  	v7 =	vld [tilespmem:s0+$0x50]  }
0x29b: {  	v10 =	vshll.u32 v3, $0xC;
	v2 =	vshll.u32 v3, $0x1F;
	v3 =	vld [tilespmem:s0+$0x60];
	v13 =	vmin.f32 v9, $7.989999770e+00  }
0x29c: {  	v18 =	vshll.u32 v8, $0x1F;
	v13 =	vmul.f32 $1.280000000e+02, v13  }
0x29d: {  	v20 =	vld [tilespmem:s0+$0x10030];
	v19 =	vshll.u32 v8, $0xC;
	v1 =	vshll.u32 v1, $0xC;
	vm15 =	vgt.f32 v9, $0.0e+00  }
0x29e: {  	v2 =	vxor.u32 v4, v2;
	v5 =	vxor.u32 v5, v11;
	v8 =	vadd.f32 $8.388608000e+06, v13  }
0x29f: {  	v6 =	vxor.u32 v6, v14;
	v21 =	vshll.u32 v7, $0x1F;
	v22 =	vshll.u32 v7, $0xC;
	v13 =	vld [tilespmem:s0+$0x10040]  }
0x2a0: {  	v23 =	vshll.u32 v3, $0x1F;
	v24 =	vshll.u32 v3, $0xC;
	v3 =	vld [tilespmem:s0+$0x10050];
	v4 =	vand.u32 $0x380, v8  }
0x2a1: {  	v7 =	vadd.f32 $1.000000000e+00, v5;
	v1 =	vor.u32 v1, v4;
	v4 =	vand.u32 $0x7F, v8  }
0x2a2: {  	v11 =	vld [tilespmem:s0+$0x10060];
	v8 =	vadd.f32 $1.000000000e+00, v2;
	v2 =	vxor.u32 v20, v15;
	v1 =	vor.u32 v4, v1  }
0x2a3: {  	v5 =	vadd.f32 $1.000000000e+00, v6;
	v6 =	vadd.f32 $1.000000000e+00, v2;
	v20 =	vor.u32 $0xC00, v1  }
0x2a4: {  	v1 =	vxor.u32 v13, v18;
	v18 =	vadd.f32 $1.024000000e+03, v9;
	v9 =	vmin.f32 v8, $7.989999770e+00  }
0x2a5: {  	v13 =	vmin.f32 v5, $7.989999770e+00;
	v2 =	vadd.f32 $1.000000000e+00, v1;
	v1 =	vxor.u32 v3, v21  }
0x2a6: {  	v14 =	vmin.f32 v6, $7.989999770e+00;
	v9 =	vmul.f32 $1.280000000e+02, v9;
	v13 =	vmul.f32 $1.280000000e+02, v13  }
0x2a7: {  	v3 =	vadd.f32 $1.000000000e+00, v1;
	v1 =	vxor.u32 v11, v23;
	v11 =	vmin.f32 v7, $7.989999770e+00  }
0x2a8: {  	v4 =	vadd.f32 $1.000000000e+00, v1;
	v15 =	vmin.f32 v2, $7.989999770e+00;
	v1 =	vadd.f32 $1.024000000e+03, v8  }
0x2a9: {  	v11 =	vmul.f32 $1.280000000e+02, v11;
	v25 =	vadd.f32 $8.388608000e+06, v9;
	v9 =	vmul.f32 $1.280000000e+02, v14  }
0x2aa: {  	v21 =	vmin.f32 v3, $7.989999770e+00;
	v14 =	vmul.f32 $1.280000000e+02, v15;
	v23 =	vmin.f32 v4, $7.989999770e+00  }
0x2ab: {  	v26 =	vadd.f32 $8.388608000e+06, v11;
	v11 =	vmul.f32 $1.280000000e+02, v21;
	v15 =	vand.u32 $0x380, v25  }
0x2ac: {  	v27 =	vadd.f32 $8.388608000e+06, v9;
	v21 =	vmul.f32 $1.280000000e+02, v23;
	v23 =	vadd.f32 $8.388608000e+06, v13  }
0x2ad: {  	v28 =	vadd.f32 $8.388608000e+06, v14;
	v15 =	vor.u32 v10, v15;
	v13 =	vand.u32 $0x380, v26  }
0x2ae: {  	[tilespmem:v20+s26+$0x0] =	vst.idx.add.f32.msk vm15, v18;
	v9 =	vadd.f32 $8.388608000e+06, v11;
	v20 =	vand.u32 $0x7F, v27;
	v11 =	vand.u32 $0x380, v23  }
0x2af: {  	v10 =	vor.u32 v12, v13;
	v12 =	vand.u32 $0x380, v27;
	v13 =	vadd.f32 $8.388608000e+06, v21  }
0x2b0: {  	v18 =	vand.u32 $0x7F, v28;
	v14 =	vor.u32 v16, v11;
	v11 =	vand.u32 $0x380, v28  }
0x2b1: {  	v16 =	vor.u32 v17, v12;
	v17 =	vand.u32 $0x380, v9;
	v12 =	vor.u32 v19, v11  }
0x2b2: {  	s31 =	simm.s32 $0x400;
	v21 =	vand.u32 $0x380, v13;
	v11 =	vor.u32 v22, v17;
	v22 =	vand.u32 $0x7F, v25  }
0x2b3: {  	s3 =	simm.s32 $0x80;
	s1 =	simm.s32 $0x20;
	s0 =	simm.s32 $0x0;
	v19 =	vand.u32 $0x7F, v26;
	v17 =	vor.u32 v24, v21;
	v21 =	vand.u32 $0x7F, v23  }
.LBB2_18:
0x2b4: {  	s4 =	sand.u32 $0x7000, s3;
	s5 =	sand.u32 $0xC00, s31;
	s0 =	sadd.s32 $0x8, s0;
	v15 =	vor.u32 v22, v15;
	v9 =	vand.u32 $0x7F, v9;
	v13 =	vand.u32 $0x7F, v13  }
0x2b5: {  	v10 =	vor.u32 v19, v10;
	v14 =	vor.u32 v21, v14;
	v16 =	vor.u32 v20, v16;
	s4 =	sor.u32 s5, s4;
	s5 =	sand.u32 $0x380, s1;
	p0 =	slt.u32 s0, $0x7F8  }
0x2b6: {  	v12 =	vor.u32 v18, v12;
	v9 =	vor.u32 v9, v11;
	v11 =	vor.u32 v13, v17;
	s4 =	sor.u32 s5, s4  }
0x2b7: {  	v18 =	vadd.f32 $1.024000000e+03, v5;
	v15 =	vor.u32 $0xC00, v15;
	v17 =	vadd.f32 $1.024000000e+03, v7;
	v13 =	vld [tilespmem:s4+$0x70]  }
0x2b8: {  	v20 =	vadd.f32 $1.024000000e+03, v6;
	v21 =	vadd.f32 $1.024000000e+03, v2;
	v10 =	vor.u32 $0xC00, v10;
	v19 =	vld [tilespmem:s4+$0x10070]  }
0x2b9: {  	v23 =	vadd.f32 $1.024000000e+03, v3;
	v24 =	vadd.f32 $1.024000000e+03, v4;
	v14 =	vor.u32 $0xC00, v14;
	v22 =	vld [tilespmem:s4+$0x0]  }
0x2ba: {  	v16 =	vor.u32 $0xC00, v16;
	v12 =	vor.u32 $0xC00, v12;
	v9 =	vor.u32 $0xC00, v9;
	v25 =	vld [tilespmem:s4+$0x10]  }
0x2bb: {  	vm6 =	vgt.f32 v8, $0.0e+00;
	vm4 =	vgt.f32 v7, $0.0e+00;
	v11 =	vor.u32 $0xC00, v11;
	v26 =	vld [tilespmem:s4+$0x20]  }
0x2bc: {  	vm5 =	vgt.f32 v5, $0.0e+00;
	vm3 =	vgt.f32 v6, $0.0e+00;
	v7 =	vld [tilespmem:s4+$0x30];
	v8 =	vshll.u32 v13, $0x1F  }
0x2bd: {  	vm2 =	vgt.f32 v2, $0.0e+00;
	vm0 =	vgt.f32 v3, $0.0e+00;
	v5 =	vld [tilespmem:s4+$0x40];
	v6 =	vxor.u32 v19, v8  }
0x2be: {  	v2 =	vshll.u32 v22, $0x1F;
	v19 =	vshll.u32 v22, $0xC;
	v3 =	vld [tilespmem:s4+$0x50];
	v22 =	vadd.f32 $1.000000000e+00, v6  }
0x2bf: {  	vm1 =	vgt.f32 v4, $0.0e+00;
	v6 =	vshll.u32 v25, $0x1F;
	v25 =	vshll.u32 v25, $0xC;
	v8 =	vld [tilespmem:s4+$0x60]  }
0x2c0: {  	v4 =	vld [tilespmem:s4+$0x10000];
	v27 =	vshll.u32 v26, $0x1F;
	v26 =	vshll.u32 v26, $0xC;
	v28 =	vmin.f32 v22, $7.989999770e+00  }
0x2c1: {  	v29 =	vld [tilespmem:s4+$0x10010];
	v30 =	vshll.u32 v7, $0x1F;
	v31 =	vshll.u32 v7, $0xC;
	v7 =	vmul.f32 $1.280000000e+02, v28  }
0x2c2: {  	v28 =	vld [tilespmem:s4+$0x10020];
	v32 =	vshll.u32 v5, $0x1F;
	v33 =	vshll.u32 v5, $0xC  }
0x2c3: {  	v5 =	vld [tilespmem:s4+$0x10030];
	v34 =	vshll.u32 v3, $0x1F;
	v35 =	vshll.u32 v3, $0xC;
	v3 =	vadd.f32 $8.388608000e+06, v7  }
0x2c4: {  	v36 =	vld [tilespmem:s4+$0x10040];
	v37 =	vshll.u32 v8, $0x1F;
	v38 =	vshll.u32 v8, $0xC  }
0x2c5: {  	v8 =	vshll.u32 v13, $0xC;
	v2 =	vxor.u32 v4, v2;
	v4 =	vld [tilespmem:s4+$0x10050];
	v7 =	vand.u32 $0x380, v3  }
0x2c6: {  	v3 =	vand.u32 $0x7F, v3;
	v6 =	vxor.u32 v29, v6;
	v13 =	vld [tilespmem:s4+$0x10060];
	v7 =	vor.u32 v8, v7  }
0x2c7: {  	vm7 =	vgt.f32 v22, $0.0e+00;
	v27 =	vxor.u32 v28, v27;
	v3 =	vor.u32 v3, v7;
	[tilespmem:v15+s26+$0x0] =	vst.idx.add.f32.msk vm6, v1  }
0x2c8: {  	v8 =	vadd.f32 $1.000000000e+00, v2;
	v1 =	vxor.u32 v5, v30;
	v15 =	vor.u32 $0xC00, v3;
	[tilespmem:v10+s26+$0x0] =	vst.idx.add.f32.msk vm4, v17  }
0x2c9: {  	v7 =	vadd.f32 $1.000000000e+00, v6;
	v5 =	vadd.f32 $1.000000000e+00, v27;
	v2 =	vxor.u32 v36, v32;
	[tilespmem:v14+s26+$0x0] =	vst.idx.add.f32.msk vm5, v18  }
0x2ca: {  	v6 =	vadd.f32 $1.000000000e+00, v1;
	v2 =	vadd.f32 $1.000000000e+00, v2;
	v1 =	vxor.u32 v4, v34;
	[tilespmem:v16+s26+$0x0] =	vst.idx.add.f32.msk vm3, v20  }
0x2cb: {  	v10 =	vadd.f32 $1.024000000e+03, v22;
	v3 =	vadd.f32 $1.000000000e+00, v1;
	v1 =	vxor.u32 v13, v37;
	[tilespmem:v12+s26+$0x0] =	vst.idx.add.f32.msk vm2, v21  }
0x2cc: {  	v12 =	vmin.f32 v8, $7.989999770e+00;
	v13 =	vmin.f32 v7, $7.989999770e+00;
	v4 =	vadd.f32 $1.000000000e+00, v1;
	[tilespmem:v9+s26+$0x0] =	vst.idx.add.f32.msk vm0, v23  }
0x2cd: {  	v14 =	vmin.f32 v6, $7.989999770e+00;
	v9 =	vmin.f32 v5, $7.989999770e+00;
	v16 =	vmin.f32 v2, $7.989999770e+00;
	[tilespmem:v15+s26+$0x0] =	vst.idx.add.f32.msk vm7, v10  }
0x2ce: {  	v10 =	vmul.f32 $1.280000000e+02, v12;
	v12 =	vmin.f32 v3, $7.989999770e+00;
	v15 =	vmin.f32 v4, $7.989999770e+00;
	[tilespmem:v11+s26+$0x0] =	vst.idx.add.f32.msk vm1, v24  }
0x2cf: {  	v1 =	vadd.f32 $1.024000000e+03, v8;
	v9 =	vmul.f32 $1.280000000e+02, v9;
	v11 =	vmul.f32 $1.280000000e+02, v13  }
0x2d0: {  	v13 =	vmul.f32 $1.280000000e+02, v16;
	v17 =	vadd.f32 $8.388608000e+06, v10;
	v10 =	vmul.f32 $1.280000000e+02, v14  }
0x2d1: {  	v18 =	vadd.f32 $8.388608000e+06, v11;
	v11 =	vmul.f32 $1.280000000e+02, v12;
	v12 =	vmul.f32 $1.280000000e+02, v15  }
0x2d2: {  	v20 =	vadd.f32 $8.388608000e+06, v9;
	v14 =	vand.u32 $0x380, v17;
	v23 =	vadd.f32 $8.388608000e+06, v10  }
0x2d3: {  	v24 =	vadd.f32 $8.388608000e+06, v13;
	v10 =	vand.u32 $0x380, v18;
	v9 =	vadd.f32 $8.388608000e+06, v11  }
0x2d4: {  	v11 =	vand.u32 $0x380, v20;
	v13 =	vadd.f32 $8.388608000e+06, v12;
	v16 =	vand.u32 $0x380, v23  }
.Ltmp8:
0x2d5: {  	v15 =	vor.u32 v19, v14;
	v12 =	vand.u32 $0x380, v24;
	v19 =	vand.u32 $0x380, v9;
	(pc) =	sbr.rel @p0 .LBB2_18-.Ltmp8, $4  }
0x2d6: {  	v10 =	vor.u32 v25, v10;
	v14 =	vor.u32 v26, v11;
	v21 =	vand.u32 $0x380, v13  }
0x2d7: {  	v12 =	vor.u32 v33, v12;
	v16 =	vor.u32 v31, v16;
	v11 =	vor.u32 v35, v19  }
0x2d8: {  	v22 =	vand.u32 $0x7F, v17;
	v19 =	vand.u32 $0x7F, v18;
	v17 =	vor.u32 v38, v21  }
0x2d9: {  	s31 =	sadd.s32 $0x400, s31;
	s3 =	sadd.s32 $0x80, s3;
	s1 =	sadd.s32 $0x20, s1;
	v21 =	vand.u32 $0x7F, v20;
	v20 =	vand.u32 $0x7F, v23;
	v18 =	vand.u32 $0x7F, v24  }
0x2da: {  	v15 =	vor.u32 v22, v15;
	v9 =	vand.u32 $0x7F, v9;
	v13 =	vand.u32 $0x7F, v13  }
0x2db: {  	v10 =	vor.u32 v19, v10;
	v14 =	vor.u32 v21, v14;
	vm0 =	vgt.f32 v8, $0.0e+00  }
0x2dc: {  	v59 =	vor.u32 v20, v16;
	vm1 =	vgt.f32 v7, $0.0e+00;
	v15 =	vor.u32 $0xC00, v15  }
0x2dd: {  	v12 =	vor.u32 v18, v12;
	vm2 =	vgt.f32 v5, $0.0e+00;
	v10 =	vor.u32 $0xC00, v10  }
0x2de: {  	vm3 =	vgt.f32 v6, $0.0e+00;
	vm4 =	vgt.f32 v2, $0.0e+00;
	v60 =	vor.u32 $0xC00, v14  }
0x2df: {  	v61 =	vadd.f32 $1.024000000e+03, v7;
	vm5 =	vgt.f32 v3, $0.0e+00;
	v12 =	vor.u32 $0xC00, v12  }
0x2e0: {  	v62 =	vadd.f32 $1.024000000e+03, v5;
	v9 =	vor.u32 v9, v11;
	v8 =	vor.u32 $0xC00, v59  }
0x2e1: {  	vm6 =	vgt.f32 v4, $0.0e+00;
	v13 =	vor.u32 v13, v17;
	v9 =	vor.u32 $0xC00, v9;
	[tilespmem:v15+s26+$0x0] =	vst.idx.add.f32.msk vm0, v1  }
0x2e2: {  	v2 =	vadd.f32 $1.024000000e+03, v2;
	v63 =	vor.u32 $0xC00, v13;
	[tilespmem:v10+s26+$0x0] =	vst.idx.add.f32.msk vm1, v61  }
0x2e3: {  	v1 =	vadd.f32 $1.024000000e+03, v6;
	[tilespmem:v60+s26+$0x0] =	vst.idx.add.f32.msk vm2, v62  }
0x2e4: {  	v3 =	vadd.f32 $1.024000000e+03, v3;
	[tilespmem:v12+s26+$0x0] =	vst.idx.add.f32.msk vm4, v2  }
0x2e5: {  	[tilespmem:v8+s26+$0x0] =	vst.idx.add.f32.msk vm3, v1;
	v1 =	vadd.f32 $1.024000000e+03, v4  }
0x2e6: {  	[tilespmem:v9+s26+$0x0] =	vst.idx.add.f32.msk vm5, v3  }
0x2e7: {  	[tilespmem:v63+s26+$0x0] =	vst.idx.add.f32.msk vm6, v1  }
0x2e8: {  	[hbm4b:s13+s29] =	stream.strided.scatter [tilespmem:s26], [sflag:$0x3], $0x400, s30, s29, $0x38;
	[tilespmem:$0x1A000] =	vst v63  }
0x2e9: {  	_ =	swait.ge [sflag:s23], $0x400  }
0x2ea: {  	[sflag:s23] =	ssyncset.done $0x0  }
0x2eb: {  	s0 =	simm.s32 $0x18400;
	[sflag:s23] =	ssyncadd.s32 $0xFFFFFC00  }
0x2ec: {  	[hbm4b:s14+s29] =	stream.strided.scatter [tilespmem:s0], [sflag:$0x3], $0x400, s30, s29, $0x38;
	[tilespmem:$0x1A000] =	vst v63  }
0x2ed: {  	_ =	swait.ge [sflag:s23], $0x400  }
0x2ee: {  	[sflag:s23] =	ssyncset.done $0x0  }
0x2ef: {  	s31 =	simm.s32 $0x18800;
	[sflag:s23] =	ssyncadd.s32 $0xFFFFFC00  }
0x2f0: {  	[hbm4b:s15+s29] =	stream.strided.scatter [tilespmem:s31], [sflag:$0x3], $0x400, s30, s29, $0x38;
	[tilespmem:$0x1A000] =	vst v63  }
0x2f1: {  	_ =	swait.ge [sflag:s23], $0x400  }
0x2f2: {  	[sflag:s23] =	ssyncset.done $0x0  }
0x2f3: {  	s1 =	simm.s32 $0x18C00;
	[sflag:s23] =	ssyncadd.s32 $0xFFFFFC00  }
0x2f4: {  	[hbm4b:s16+s29] =	stream.strided.scatter [tilespmem:s1], [sflag:$0x3], $0x400, s30, s29, $0x38;
	[tilespmem:$0x1A000] =	vst v63  }
0x2f5: {  	_ =	swait.ge [sflag:s23], $0x400  }
0x2f6: {  	[sflag:s23] =	ssyncset.done $0x0  }
0x2f7: {  	s3 =	simm.s32 $0x19000;
	[sflag:s23] =	ssyncadd.s32 $0xFFFFFC00  }
0x2f8: {  	[hbm4b:s17+s29] =	stream.strided.scatter [tilespmem:s3], [sflag:$0x3], $0x400, s30, s29, $0x38;
	[tilespmem:$0x1A000] =	vst v63  }
0x2f9: {  	_ =	swait.ge [sflag:s23], $0x400  }
0x2fa: {  	[sflag:s23] =	ssyncset.done $0x0  }
0x2fb: {  	s4 =	simm.s32 $0x19400;
	[sflag:s23] =	ssyncadd.s32 $0xFFFFFC00  }
0x2fc: {  	[hbm4b:s18+s29] =	stream.strided.scatter [tilespmem:s4], [sflag:$0x3], $0x400, s30, s29, $0x38;
	[tilespmem:$0x1A000] =	vst v63  }
0x2fd: {  	_ =	swait.ge [sflag:s23], $0x400  }
0x2fe: {  	[sflag:s23] =	ssyncset.done $0x0  }
0x2ff: {  	s5 =	simm.s32 $0x19800;
	[sflag:s23] =	ssyncadd.s32 $0xFFFFFC00  }
0x300: {  	[hbm4b:s19+s29] =	stream.strided.scatter [tilespmem:s5], [sflag:$0x3], $0x400, s30, s29, $0x38;
	[tilespmem:$0x1A000] =	vst v63  }
0x301: {  	s2 =	sadd.s32 $0x1, s2;
	_ =	swait.ge [sflag:s23], $0x400  }
0x302: {  	p0 =	sne.s32 s2, s21;
	[sflag:s23] =	ssyncset.done $0x0  }
.Ltmp9:
0x303: {  	s31 =	simm.s32 $0x19C00;
	[sflag:s23] =	ssyncadd.s32 $0xFFFFFC00;
	(pc) =	sbr.rel @p0 .LBB2_1-.Ltmp9, $4  }
0x304: {  	[hbm4b:s20+s29] =	stream.strided.scatter [tilespmem:s31], [sflag:$0x3], $0x400, s30, s29, $0x38;
	[tilespmem:$0x1A000] =	vst v63  }
0x305: {  	_ =	swait.ge [sflag:s23], $0x400  }
0x306: {  	[sflag:s23] =	ssyncset.done $0x0  }
0x307: {  	[sflag:s23] =	ssyncadd.s32 $0xFFFFFC00  }
0x308: {  	_ =	sfence.sel $0x180000  }
0x309: {  	[bflag:$0x0] =	sbarrier.arrive $0xFFFF  }
0x30a: {  	_ =	strace $0x90000047  }
0x30b: {  	s0 =	stileid.u32;
	[bflag:$0x2] =	sbarrier.arrive $0xFFFF  }
0x30c: {  	p0 =	sne.s32 s0, $0x0;
	s0 =	rddreg [dreg:$0x3]  }
0x30d: {  	s0 =	sadd.s32 @!p0 $0x100000, s0  }
0x30e: {  	[sflag:s0] =	ssyncadd.tile.s32 @!p0 $0x1;
	_ =	shalt  }
.Lfunc_end2:
_tile_overlayer_lowered:
.L_overlay_start_2:
0x30f: {  	(tag) =	ssettag $0x2  }
0x310: {  	s0 =	rddreg [dreg:$0x0];
	s2 =	stileid.u32  }
0x311: {  	s1 =	rddreg [dreg:$0x1];
	p0 =	sne.s32 s2, $0x0  }
0x312: {  	s3 =	rddreg [dreg:$0x2];
	[bflag:$0x3] =	sbarrier.arrive $0xFFFF;
	s2 =	simm.s32 @!p0 $0x1C03  }
0x313: {  	[timem:s3], [sflag:s2] =	dma.local @!p0 [hbm:s0], s1  }
0x314: {  	s0 =	simm.s32 @!p0 $0x3  }
0x315: {  	_ =	swait.ge @!p0 [sflag:s0], s1  }
0x316: {  	s1 =	ssub.s32 @!p0 $0x0, s1;
	[sflag:s0] =	ssyncset.done @!p0 $0x0  }
0x317: {  	[sflag:s0] =	ssyncadd.s32 @!p0 s1  }
0x318: {  	[bflag:$0x3] =	sbarrier.arrive $0xFFFF  }
0x319: {  	_ =	shalt  }

</sc_bundles>
